<compile_context>
chip_gen: v7x
topology: tpu7x:2x2x1
jax: 0.10.2.dev20260603
libtpu: 0.0.44.dev20260713+nightly
codegen_flags: <defaults>
</compile_context>

<pallas_src>
import functools

import jax
import jax.numpy as jnp
from jax import lax
from jax.experimental import pallas as pl
from jax.experimental.pallas import tpu as pltpu
from jax.experimental.pallas import tpu_sc as plsc

N = 50000
E = 800000
COLS = 256
F = 64
G = 128

NCORE = 2
NSUB = 16
HALF = N // NCORE
ACCROWS = 25088
TRASH = 25008
TROWS = ACCROWS // NSUB
CHUNK = 128
EPT = 50176
NCH = EPT // CHUNK
EPAD = NSUB * EPT

NEG = float("-inf")


def _leaky(x):
    return jnp.where(x >= 0, x, 0.01 * x)


def _segsum_body(h_hbm, src_hbm, dstloc_hbm, zeros_hbm, out_hbm,
                 acc, srcv0, srcv1, rows0, rows1, dstv, sem0, sem1):
    c = lax.axis_index("c")
    s = lax.axis_index("s")

    pltpu.sync_copy(zeros_hbm.at[pl.ds(s * TROWS, TROWS)],
                    acc.at[pl.ds(s * TROWS, TROWS)])
    plsc.subcore_barrier()

    srcv = (srcv0, srcv1)
    rows = (rows0, rows1)
    sems = (sem0, sem1)

    def _start(i, b):
        pltpu.sync_copy(src_hbm.at[pl.ds(s * EPT + i * CHUNK, CHUNK)], srcv[b])
        pltpu.async_copy(h_hbm.at[srcv[b]], rows[b], sems[b])

    def _finish(i, b):
        pltpu.sync_copy(
            dstloc_hbm.at[pl.ds(c * EPAD + s * EPT + i * CHUNK, CHUNK)], dstv)
        pltpu.make_async_copy(h_hbm.at[srcv[b]], rows[b], sems[b]).wait()
        pltpu.sync_copy(rows[b], acc.at[dstv], add=True)

    _start(0, 0)

    def body(g, _):
        _start(2 * g + 1, 1)
        _finish(2 * g, 0)

        @pl.when(g < NCH // 2 - 1)
        def _():
            _start(2 * g + 2, 0)

        _finish(2 * g + 1, 1)
        return 0

    lax.fori_loop(0, NCH // 2, body, 0)
    plsc.subcore_barrier()

    pltpu.sync_copy(acc.at[pl.ds(s * TROWS, TROWS)],
                    out_hbm.at[c, pl.ds(s * TROWS, TROWS)])


@functools.cache
def _segsum_kernel():
    return pl.kernel(
        _segsum_body,
        out_type=jax.ShapeDtypeStruct((NCORE, ACCROWS, F), jnp.float32),
        mesh=plsc.VectorSubcoreMesh(core_axis_name="c", subcore_axis_name="s",
                                    num_cores=NCORE, num_subcores=NSUB),
        compiler_params=pltpu.CompilerParams(use_tc_tiling_on_sc=False),
        scratch_types=[
            pltpu.VMEM_SHARED((ACCROWS, F), jnp.float32),
            pltpu.VMEM((CHUNK,), jnp.int32),
            pltpu.VMEM((CHUNK,), jnp.int32),
            pltpu.VMEM((CHUNK, F), jnp.float32),
            pltpu.VMEM((CHUNK, F), jnp.float32),
            pltpu.VMEM((CHUNK,), jnp.int32),
            pltpu.SemaphoreType.DMA,
            pltpu.SemaphoreType.DMA,
        ],
    )


def _segsum(h, srcp, dstloc, zeros):
    return _segsum_kernel()(h, srcp, dstloc, zeros)


RB = 200
NBLK = N // RB


def _conv_body(xr_ref, msk_ref, w1_ref, b1_ref, w2_ref, b2_ref, w3_ref, b3_ref,
               out_ref):
    xa = xr_ref[0:8, :]
    xb = xr_ref[8:16, :]
    h1 = None
    for q in range(5):
        m = msk_ref[q] > 0.5
        win = jnp.where(m, xb, xa)
        o = lax.dot_general(win, w1_ref[q], (((0,), (0,)), ((), ())),
                            preferred_element_type=jnp.float32)
        h1 = o if h1 is None else jnp.maximum(h1, o)
    h1 = h1 + b1_ref[...]

    def _shift(y, s):
        if s == 0:
            return y
        return jnp.concatenate([y[s:], jnp.zeros((s, F), jnp.float32)], 0)

    h2 = None
    for k in range(5):
        y = lax.dot_general(h1, w2_ref[k], (((1,), (0,)), ((), ())),
                            preferred_element_type=jnp.float32)
        z = _shift(y, k)
        h2 = z if h2 is None else h2 + z
    h2 = h2 + b2_ref[...]

    p2 = h2
    for u in range(1, 5):
        p2 = jnp.maximum(p2, _shift(h2, u))

    c = None
    for k in range(5):
        y = lax.dot_general(p2, w3_ref[k], (((1,), (0,)), ((), ())),
                            preferred_element_type=jnp.float32)
        z = _shift(y, 5 * k)
        c = z if c is None else c + z
    c3 = (c + b3_ref[...]).reshape(RB, 64, F)
    out_ref[...] = jnp.maximum(jnp.maximum(c3[:, 0, :], c3[:, 5, :]),
                               c3[:, 10, :])


_CONV_SPECS = dict(
    grid=(NBLK,),
    in_specs=[
        pl.BlockSpec((16, RB * 64), lambda i: (0, i)),
        pl.BlockSpec((5, 8, 1), lambda i: (0, 0, 0)),
        pl.BlockSpec((5, 8, F), lambda i: (0, 0, 0)),
        pl.BlockSpec((1, F), lambda i: (0, 0)),
        pl.BlockSpec((5, F, F), lambda i: (0, 0, 0)),
        pl.BlockSpec((1, F), lambda i: (0, 0)),
        pl.BlockSpec((5, F, F), lambda i: (0, 0, 0)),
        pl.BlockSpec((1, F), lambda i: (0, 0)),
    ],
    out_specs=pl.BlockSpec((RB, F), lambda i: (i, 0)),
    out_shape=jax.ShapeDtypeStruct((N, F), jnp.float32),
)

_conv = pl.pallas_call(_conv_body, **_CONV_SPECS)


RB2 = 2000
NBLK2 = N // RB2


def _gcmm_body(relu, agg_ref, h_ref, wrel_ref, wroot_ref, b_ref, out_ref):
    o = (lax.dot_general(agg_ref[...], wrel_ref[...], (((1,), (0,)), ((), ())),
                         preferred_element_type=jnp.float32)
         + lax.dot_general(h_ref[...], wroot_ref[...], (((1,), (0,)), ((), ())),
                           preferred_element_type=jnp.float32)
         + b_ref[0, :][None, :])
    out_ref[...] = _leaky(o) if relu else o


def _gcmm(relu):
    return pl.pallas_call(
        functools.partial(_gcmm_body, relu),
        grid=(NBLK2,),
        in_specs=[
            pl.BlockSpec((RB2, F), lambda i: (i, 0)),
            pl.BlockSpec((RB2, F), lambda i: (i, 0)),
            pl.BlockSpec((F, F), lambda i: (0, 0)),
            pl.BlockSpec((F, F), lambda i: (0, 0)),
            pl.BlockSpec((1, F), lambda i: (0, 0)),
        ],
        out_specs=pl.BlockSpec((RB2, F), lambda i: (i, 0)),
        out_shape=jax.ShapeDtypeStruct((N, F), jnp.float32),
    )


_gcmm_relu = _gcmm(True)
_gcmm_lin = _gcmm(False)


def _pool_body(smin_ref, smax_ref, h_ref, batch_ref,
               l1_ref, l1b_ref, l2_ref, l2b_ref, out_ref, acc_ref):
    i = pl.program_id(0)

    @pl.when(i == 0)
    def _():
        acc_ref[...] = jnp.full((G, F), NEG, jnp.float32)

    h = h_ref[...]
    ids = batch_ref[0]
    riota = lax.broadcasted_iota(jnp.int32, (G, 1), 0)

    def sbody(s, _):
        m = ids == s
        red = jnp.max(jnp.where(m, h, NEG), axis=0)
        acc_ref[...] = jnp.maximum(acc_ref[...],
                                   jnp.where(riota == s, red[None, :],
                                             jnp.float32(NEG)))
        return 0

    lax.fori_loop(smin_ref[i], smax_ref[i] + 1, sbody, 0)

    @pl.when(i == NBLK2 - 1)
    def _():
        g = acc_ref[...]
        g1 = _leaky(lax.dot_general(g, l1_ref[...], (((1,), (0,)), ((), ())),
                                    preferred_element_type=jnp.float32)
                    + l1b_ref[0, :][None, :])
        out_ref[...] = (lax.dot_general(g1, l2_ref[...], (((1,), (0,)), ((), ())),
                                        preferred_element_type=jnp.float32)
                        + l2b_ref[0, :][None, :])


_POOL_GRID = dict(
    num_scalar_prefetch=2,
    grid=(NBLK2,),
    in_specs=[
        pl.BlockSpec((RB2, F), lambda i, a, b: (i, 0)),
        pl.BlockSpec((1, RB2, 1), lambda i, a, b: (i, 0, 0)),
        pl.BlockSpec((F, F), lambda i, a, b: (0, 0)),
        pl.BlockSpec((1, F), lambda i, a, b: (0, 0)),
        pl.BlockSpec((F, 8), lambda i, a, b: (0, 0)),
        pl.BlockSpec((1, 8), lambda i, a, b: (0, 0)),
    ],
    out_specs=pl.BlockSpec((G, 8), lambda i, a, b: (0, 0)),
    scratch_shapes=[pltpu.VMEM((G, F), jnp.float32)],
)

_pool_head = pl.pallas_call(
    _pool_body,
    grid_spec=pltpu.PrefetchScalarGridSpec(**_POOL_GRID),
    out_shape=jax.ShapeDtypeStruct((G, 8), jnp.float32),
)


def kernel(x, edge_index, batch, c1_w, c1_b, c2_w, c2_b, c3_w, c3_b,
           gc1_wrel, gc1_brel, gc1_wroot, gc2_wrel, gc2_brel, gc2_wroot,
           gc3_wrel, gc3_brel, gc3_wroot, gc4_wrel, gc4_brel, gc4_wroot,
           lin1_w, lin1_b, lin2_w, lin2_b):
    f32 = jnp.float32

    xr = x[:, :255].reshape(N, 51, 5)
    top = jnp.zeros((5, N, 64), f32).at[:, :, :50].set(
        jnp.transpose(xr[:, :50, :], (2, 0, 1))).reshape(5, N * 64)
    bot = jnp.zeros((5, N, 64), f32).at[:, :, :50].set(
        jnp.transpose(xr[:, 1:51, :], (2, 0, 1))).reshape(5, N * 64)
    xrt = jnp.zeros((16, N * 64), f32).at[0:5].set(top).at[8:13].set(bot)
    w1t = c1_w[:, 0, :].T
    wq = jnp.zeros((5, 8, F), f32)
    mskq = jnp.zeros((5, 8, 1), f32)
    for q in range(5):
        for r in range(5):
            k = r - q + (5 if r < q else 0)
            wq = wq.at[q, r, :].set(w1t[k])
            if r < q:
                mskq = mskq.at[q, r, 0].set(1.0)
    w2 = jnp.transpose(c2_w, (2, 1, 0)).astype(f32)
    w3 = jnp.transpose(c3_w, (2, 1, 0)).astype(f32)
    b1 = c1_b[None, :]
    b2 = c2_b[None, :]
    b3 = c3_b[None, :]

    src = edge_index[0].astype(jnp.int32)
    dst = edge_index[1].astype(jnp.int32)
    srcp = jnp.concatenate([src, jnp.zeros((EPAD - E,), jnp.int32)])
    dls = []
    for c in range(NCORE):
        own = (dst >= c * HALF) & (dst < (c + 1) * HALF)
        dl = jnp.where(own, dst - c * HALF, TRASH)
        dls.append(jnp.concatenate(
            [dl, jnp.full((EPAD - E,), TRASH, jnp.int32)]))
    dstloc = jnp.concatenate(dls)
    zeros = jnp.zeros((ACCROWS, F), f32)

    h = _conv(xrt, mskq, wq, b1, w2, b2, w3, b3)

    layers = [
        (gc1_wrel, gc1_brel, gc1_wroot, True),
        (gc2_wrel, gc2_brel, gc2_wroot, True),
        (gc3_wrel, gc3_brel, gc3_wroot, True),
        (gc4_wrel, gc4_brel, gc4_wroot, False),
    ]
    for wrel, brel, wroot, relu in layers:
        aggp = _segsum(h, srcp, dstloc, zeros)
        agg = jnp.concatenate([aggp[0, :HALF], aggp[1, :HALF]], axis=0)
        mm = _gcmm_relu if relu else _gcmm_lin
        h = mm(agg, h, wrel.T, wroot.T, brel[None, :])

    br = batch.astype(jnp.int32).reshape(NBLK2, RB2)
    smin = br[:, 0]
    smax = br[:, -1]
    batch3 = br.reshape(NBLK2, RB2, 1)
    l2 = jnp.zeros((F, 8), f32).at[:, :2].set(lin2_w.T)
    l2b = jnp.zeros((1, 8), f32).at[0, :2].set(lin2_b)
    outp = _pool_head(smin, smax, h, batch3,
                      lin1_w.T, lin1_b[None, :], l2, l2b)
    return outp[:, :2]

# --- scband reference (transcript-rebuilt; emitter-appended) ---
"""Pipeline reference for scband-gcn-15358803051013 (READ-ONLY COPY).

The authoritative reference and input builder live on the scoring server;
editing this copy changes nothing except your own understanding.
"""

import jax, jax.numpy as jnp
import numpy as np

N = 50000
E = 800000
COLS = 256
F = 64
G = 128


def _conv1d(x, w, b):
    out = jax.lax.conv_general_dilated(x, w, (1,), 'VALID', dimension_numbers=('NCH', 'OIH', 'NCH'))
    return out + b[None, :, None]


def _maxpool1d(x, k):
    return jax.lax.reduce_window(x, -jnp.inf, jax.lax.max, (1, 1, k), (1, 1, k), 'VALID')


def _graph_conv(x, src, dst, w_rel, b_rel, w_root):
    # PyG GraphConv: out = lin_rel(sum_{j in N(i)} x_j) + lin_root(x_i); bias only on lin_rel
    agg = jax.ops.segment_sum(x[src], dst, num_segments=x.shape[0])
    return agg @ w_rel.T + b_rel + x @ w_root.T


def setup_inputs(seed: int = 0):
    key = jax.random.key(seed)
    ks = jax.random.split(key, 25)
    inp = {}
    inp['x'] = jax.random.normal(ks[0], (N, COLS), dtype=jnp.float32)
    inp['edge_index'] = jax.random.randint(ks[1], (2, E), 0, N)
    inp['batch'] = jnp.sort(jax.random.randint(ks[2], (N,), 0, G))
    s = 0.05
    inp['c1_w'] = jax.random.normal(ks[3], (F, 1, 5), dtype=jnp.float32) * s
    inp['c1_b'] = jax.random.normal(ks[4], (F,), dtype=jnp.float32) * s
    inp['c2_w'] = jax.random.normal(ks[5], (F, F, 5), dtype=jnp.float32) * s
    inp['c2_b'] = jax.random.normal(ks[6], (F,), dtype=jnp.float32) * s
    inp['c3_w'] = jax.random.normal(ks[7], (F, F, 5), dtype=jnp.float32) * s
    inp['c3_b'] = jax.random.normal(ks[8], (F,), dtype=jnp.float32) * s
    names = ['gc1', 'gc2', 'gc3', 'gc4']
    for i, nm in enumerate(names):
        inp[nm + '_wrel'] = jax.random.normal(ks[9 + 3 * i], (F, F), dtype=jnp.float32) * s
        inp[nm + '_brel'] = jax.random.normal(ks[10 + 3 * i], (F,), dtype=jnp.float32) * s
        inp[nm + '_wroot'] = jax.random.normal(ks[11 + 3 * i], (F, F), dtype=jnp.float32) * s
    inp['lin1_w'] = jax.random.normal(ks[21], (F, F), dtype=jnp.float32) * s
    inp['lin1_b'] = jax.random.normal(ks[22], (F,), dtype=jnp.float32) * s
    inp['lin2_w'] = jax.random.normal(ks[23], (2, F), dtype=jnp.float32) * s
    inp['lin2_b'] = jax.random.normal(ks[24], (2,), dtype=jnp.float32) * s
    return inp


def reference(x, edge_index, batch, c1_w, c1_b, c2_w, c2_b, c3_w, c3_b,
              gc1_wrel, gc1_brel, gc1_wroot, gc2_wrel, gc2_brel, gc2_wroot,
              gc3_wrel, gc3_brel, gc3_wroot, gc4_wrel, gc4_brel, gc4_wroot,
              lin1_w, lin1_b, lin2_w, lin2_b):
    h = x[:, None, :]
    h = _conv1d(h, c1_w, c1_b)
    h = _maxpool1d(h, 5)
    h = _conv1d(h, c2_w, c2_b)
    h = _maxpool1d(h, 5)
    h = _conv1d(h, c3_w, c3_b)
    h = _maxpool1d(h, 3)
    h = h[:, :, 0]
    src = edge_index[0]
    dst = edge_index[1]
    h = jax.nn.leaky_relu(_graph_conv(h, src, dst, gc1_wrel, gc1_brel, gc1_wroot), 0.01)
    h = jax.nn.leaky_relu(_graph_conv(h, src, dst, gc2_wrel, gc2_brel, gc2_wroot), 0.01)
    h = jax.nn.leaky_relu(_graph_conv(h, src, dst, gc3_wrel, gc3_brel, gc3_wroot), 0.01)
    h = _graph_conv(h, src, dst, gc4_wrel, gc4_brel, gc4_wroot)
    g = jax.ops.segment_max(h, batch, num_segments=G)
    # dropout is identity in eval mode
    g = jax.nn.leaky_relu(g @ lin1_w.T + lin1_b, 0.01)
    out = g @ lin2_w.T + lin2_b
    return out

if __name__ == "__main__":
    import jax
    _d = setup_inputs()
    print(jax.jit(kernel)(*tuple(_d.values())))

</pallas_src>

<mosaic_0001>
#map = affine_map<(d0, d1) -> (0, 0)>
#map1 = affine_map<(d0, d1) -> (0)>
#map2 = affine_map<(d0, d1) -> (0, 0, 0)>
module attributes {stable_mosaic.version = 14 : i64} {
  func.func @_segsum_body(%arg0: i32, %arg1: i32, %arg2: memref<50000x64xf32, #tpu.memory_space<hbm>>, %arg3: memref<802816xi32, #tpu.memory_space<hbm>>, %arg4: memref<1605632xi32, #tpu.memory_space<hbm>>, %arg5: memref<25088x64xf32, #tpu.memory_space<hbm>>, %arg6: memref<2x25088x64xf32, #tpu.memory_space<hbm>>, %arg7: memref<25088x64xf32, #tpu.memory_space<vmem_shared>>, %arg8: memref<128xi32, #tpu.memory_space<vmem>>, %arg9: memref<128xi32, #tpu.memory_space<vmem>>, %arg10: memref<128x64xf32, #tpu.memory_space<vmem>>, %arg11: memref<128x64xf32, #tpu.memory_space<vmem>>, %arg12: memref<128xi32, #tpu.memory_space<vmem>>, %arg13: memref<!tpu.dma_semaphore, #tpu.memory_space<semaphore_mem>>, %arg14: memref<!tpu.dma_semaphore, #tpu.memory_space<semaphore_mem>>) attributes {dimension_semantics = [#tpu.dimension_semantics<core_parallel>, #tpu.dimension_semantics<subcore_parallel>], iteration_bounds = array<i64: 2, 16>, scalar_prefetch = 0 : i64, scratch_operands = 8 : i64, tpu.core_type = #tpu.core_type<sc_vector_subcore>, window_params = [{transform_indices = #map}, {transform_indices = #map1}, {transform_indices = #map1}, {transform_indices = #map}, {transform_indices = #map2}]} {
    %mul3A = arith.constant 1568 : i32
    %mul3A_0 = arith.muli %arg1, %mul3A : i32
    %mul3A_1 = arith.constant 1568 : i32
    %mul3A_2 = arith.muli %arg1, %mul3A_1 : i32
    "tpu.region"() ({
      %run_scoped3A = tpu.sem_alloc : memref<!tpu.dma_semaphore, #tpu.memory_space<semaphore_mem>>
      %dma_start3A_19 = arith.constant 0 : i32
      %dma_start3A_20 = tpu.memref_slice %arg7[%mul3A_2, %dma_start3A_19] : memref<25088x64xf32, #tpu.memory_space<vmem_shared>> -> memref<1568x64xf32, #tpu.memory_space<vmem_shared>>
      %dma_start3A_21 = arith.constant 0 : i32
      %dma_start3A_22 = tpu.memref_slice %arg5[%mul3A_0, %dma_start3A_21] : memref<25088x64xf32, #tpu.memory_space<hbm>> -> memref<1568x64xf32, #tpu.memory_space<hbm>>
      tpu.enqueue_dma source(%dma_start3A_22 : memref<1568x64xf32, #tpu.memory_space<hbm>>) target(%dma_start3A_20 : memref<1568x64xf32, #tpu.memory_space<vmem_shared>>) target_semaphore(%run_scoped3A : memref<!tpu.dma_semaphore, #tpu.memory_space<semaphore_mem>>)
      %dma_wait3A = arith.constant 0 : i32
      %dma_wait3A_23 = tpu.memref_slice %arg7[%mul3A_2, %dma_wait3A] : memref<25088x64xf32, #tpu.memory_space<vmem_shared>> -> memref<1568x64xf32, #tpu.memory_space<vmem_shared>>
      %dma_wait3A_24 = arith.constant 0 : i32
      %dma_wait3A_25 = tpu.memref_slice %arg5[%mul3A_0, %dma_wait3A_24] : memref<25088x64xf32, #tpu.memory_space<hbm>> -> memref<1568x64xf32, #tpu.memory_space<hbm>>
      tpu.wait_dma2 semaphore(%run_scoped3A : memref<!tpu.dma_semaphore, #tpu.memory_space<semaphore_mem>>) src(%dma_wait3A_25 : memref<1568x64xf32, #tpu.memory_space<hbm>>) dst(%dma_wait3A_23 : memref<1568x64xf32, #tpu.memory_space<vmem_shared>>)
      tpu.yield
    }) : () -> ()
    %barrier3A = arith.constant 0 : index
    tpu.barrier barrier_id(%barrier3A)
    %mul3A_3 = arith.constant 50176 : i32
    %mul3A_4 = arith.muli %arg1, %mul3A_3 : i32
    %add3A = arith.constant 0 : i32
    %add3A_5 = arith.addi %mul3A_4, %add3A : i32
    "tpu.region"() ({
      %run_scoped3A = tpu.sem_alloc : memref<!tpu.dma_semaphore, #tpu.memory_space<semaphore_mem>>
      %dma_start3A_19 = tpu.memref_slice %arg3[%add3A_5] : memref<802816xi32, #tpu.memory_space<hbm>> -> memref<128xi32, #tpu.memory_space<hbm>>
      %dma_start3A_20 = tpu.memref_slice %arg3[%add3A_5] : memref<802816xi32, #tpu.memory_space<hbm>> -> memref<128xi32, #tpu.memory_space<hbm>>
      tpu.enqueue_dma source(%dma_start3A_20 : memref<128xi32, #tpu.memory_space<hbm>>) target(%arg8 : memref<128xi32, #tpu.memory_space<vmem>>) target_semaphore(%run_scoped3A : memref<!tpu.dma_semaphore, #tpu.memory_space<semaphore_mem>>)
      %dma_wait3A = tpu.memref_slice %arg3[%add3A_5] : memref<802816xi32, #tpu.memory_space<hbm>> -> memref<128xi32, #tpu.memory_space<hbm>>
      %dma_wait3A_21 = tpu.memref_slice %arg3[%add3A_5] : memref<802816xi32, #tpu.memory_space<hbm>> -> memref<128xi32, #tpu.memory_space<hbm>>
      tpu.wait_dma2 semaphore(%run_scoped3A : memref<!tpu.dma_semaphore, #tpu.memory_space<semaphore_mem>>) src(%dma_wait3A_21 : memref<128xi32, #tpu.memory_space<hbm>>) dst(%arg8 : memref<128xi32, #tpu.memory_space<vmem>>)
      tpu.yield
    }) : () -> ()
    %dma_start3A = arith.constant 0 : i32
    %dma_start3A_6 = arith.constant 0 : i32
    %dma_start3A_7 = tpu.memref_slice %arg2[%dma_start3A, %dma_start3A_6] : memref<50000x64xf32, #tpu.memory_space<hbm>> -> memref<50000x64xf32, #tpu.memory_space<hbm>>
    tpu.enqueue_indirect_dma source(%dma_start3A_7 : memref<50000x64xf32, #tpu.memory_space<hbm>>) target(%arg10 : memref<128x64xf32, #tpu.memory_space<vmem>>) offsets(%arg8 : memref<128xi32, #tpu.memory_space<vmem>>) semaphore(%arg13 : memref<!tpu.dma_semaphore, #tpu.memory_space<semaphore_mem>>)
    %scan3A = arith.constant 0 : i32
    %scan3A_8 = arith.constant 0 : i32
    %scan3A_9 = arith.constant 196 : i32
    %scan3A_10 = arith.addi %scan3A_8, %scan3A_9 : i32
    %scan3A_11 = arith.constant 1 : i32
    %scan3A_12 = scf.for %scan3A_19 = %scan3A_8 to %scan3A_10 step %scan3A_11 iter_args(%scan3A_20 = %scan3A) -> (i32)  : i32 {
      %mul3A_21 = arith.constant 2 : i32
      %mul3A_22 = arith.muli %mul3A_21, %scan3A_19 : i32
      %add3A_23 = arith.constant 1 : i32
      %add3A_24 = arith.addi %mul3A_22, %add3A_23 : i32
      %mul3A_25 = arith.constant 50176 : i32
      %mul3A_26 = arith.muli %arg1, %mul3A_25 : i32
      %mul3A_27 = arith.constant 128 : i32
      %mul3A_28 = arith.muli %add3A_24, %mul3A_27 : i32
      %add3A_29 = arith.addi %mul3A_26, %mul3A_28 : i32
      "tpu.region"() ({
        %run_scoped3A = tpu.sem_alloc : memref<!tpu.dma_semaphore, #tpu.memory_space<semaphore_mem>>
        %dma_start3A_63 = tpu.memref_slice %arg3[%add3A_29] : memref<802816xi32, #tpu.memory_space<hbm>> -> memref<128xi32, #tpu.memory_space<hbm>>
        %dma_start3A_64 = tpu.memref_slice %arg3[%add3A_29] : memref<802816xi32, #tpu.memory_space<hbm>> -> memref<128xi32, #tpu.memory_space<hbm>>
        tpu.enqueue_dma source(%dma_start3A_64 : memref<128xi32, #tpu.memory_space<hbm>>) target(%arg9 : memref<128xi32, #tpu.memory_space<vmem>>) target_semaphore(%run_scoped3A : memref<!tpu.dma_semaphore, #tpu.memory_space<semaphore_mem>>)
        %dma_wait3A_65 = tpu.memref_slice %arg3[%add3A_29] : memref<802816xi32, #tpu.memory_space<hbm>> -> memref<128xi32, #tpu.memory_space<hbm>>
        %dma_wait3A_66 = tpu.memref_slice %arg3[%add3A_29] : memref<802816xi32, #tpu.memory_space<hbm>> -> memref<128xi32, #tpu.memory_space<hbm>>
        tpu.wait_dma2 semaphore(%run_scoped3A : memref<!tpu.dma_semaphore, #tpu.memory_space<semaphore_mem>>) src(%dma_wait3A_66 : memref<128xi32, #tpu.memory_space<hbm>>) dst(%arg9 : memref<128xi32, #tpu.memory_space<vmem>>)
        tpu.yield
      }) : () -> ()
      %dma_start3A_30 = arith.constant 0 : i32
      %dma_start3A_31 = arith.constant 0 : i32
      %dma_start3A_32 = tpu.memref_slice %arg2[%dma_start3A_30, %dma_start3A_31] : memref<50000x64xf32, #tpu.memory_space<hbm>> -> memref<50000x64xf32, #tpu.memory_space<hbm>>
      tpu.enqueue_indirect_dma source(%dma_start3A_32 : memref<50000x64xf32, #tpu.memory_space<hbm>>) target(%arg11 : memref<128x64xf32, #tpu.memory_space<vmem>>) offsets(%arg9 : memref<128xi32, #tpu.memory_space<vmem>>) semaphore(%arg14 : memref<!tpu.dma_semaphore, #tpu.memory_space<semaphore_mem>>)
      %mul3A_33 = arith.constant 2 : i32
      %mul3A_34 = arith.muli %mul3A_33, %scan3A_19 : i32
      %mul3A_35 = arith.constant 802816 : i32
      %mul3A_36 = arith.muli %arg0, %mul3A_35 : i32
      %mul3A_37 = arith.constant 50176 : i32
      %mul3A_38 = arith.muli %arg1, %mul3A_37 : i32
      %add3A_39 = arith.addi %mul3A_36, %mul3A_38 : i32
      %mul3A_40 = arith.constant 128 : i32
      %mul3A_41 = arith.muli %mul3A_34, %mul3A_40 : i32
      %add3A_42 = arith.addi %add3A_39, %mul3A_41 : i32
      "tpu.region"() ({
        %run_scoped3A = tpu.sem_alloc : memref<!tpu.dma_semaphore, #tpu.memory_space<semaphore_mem>>
        %dma_start3A_63 = tpu.memref_slice %arg4[%add3A_42] : memref<1605632xi32, #tpu.memory_space<hbm>> -> memref<128xi32, #tpu.memory_space<hbm>>
        %dma_start3A_64 = tpu.memref_slice %arg4[%add3A_42] : memref<1605632xi32, #tpu.memory_space<hbm>> -> memref<128xi32, #tpu.memory_space<hbm>>
        tpu.enqueue_dma source(%dma_start3A_64 : memref<128xi32, #tpu.memory_space<hbm>>) target(%arg12 : memref<128xi32, #tpu.memory_space<vmem>>) target_semaphore(%run_scoped3A : memref<!tpu.dma_semaphore, #tpu.memory_space<semaphore_mem>>)
        %dma_wait3A_65 = tpu.memref_slice %arg4[%add3A_42] : memref<1605632xi32, #tpu.memory_space<hbm>> -> memref<128xi32, #tpu.memory_space<hbm>>
        %dma_wait3A_66 = tpu.memref_slice %arg4[%add3A_42] : memref<1605632xi32, #tpu.memory_space<hbm>> -> memref<128xi32, #tpu.memory_space<hbm>>
        tpu.wait_dma2 semaphore(%run_scoped3A : memref<!tpu.dma_semaphore, #tpu.memory_space<semaphore_mem>>) src(%dma_wait3A_66 : memref<128xi32, #tpu.memory_space<hbm>>) dst(%arg12 : memref<128xi32, #tpu.memory_space<vmem>>)
        tpu.yield
      }) : () -> ()
      %dma_wait3A = arith.constant 0 : i32
      %dma_wait3A_43 = arith.constant 0 : i32
      %dma_wait3A_44 = tpu.memref_slice %arg2[%dma_wait3A, %dma_wait3A_43] : memref<50000x64xf32, #tpu.memory_space<hbm>> -> memref<50000x64xf32, #tpu.memory_space<hbm>>
      tpu.wait_indirect_dma semaphore(%arg13 : memref<!tpu.dma_semaphore, #tpu.memory_space<semaphore_mem>>) src(%dma_wait3A_44 : memref<50000x64xf32, #tpu.memory_space<hbm>>) dst(%arg10 : memref<128x64xf32, #tpu.memory_space<vmem>>)
      "tpu.region"() ({
        %run_scoped3A = tpu.sem_alloc : memref<!tpu.dma_semaphore, #tpu.memory_space<semaphore_mem>>
        %dma_start3A_63 = arith.constant 0 : i32
        %dma_start3A_64 = arith.constant 0 : i32
        %dma_start3A_65 = tpu.memref_slice %arg7[%dma_start3A_63, %dma_start3A_64] : memref<25088x64xf32, #tpu.memory_space<vmem_shared>> -> memref<25088x64xf32, #tpu.memory_space<vmem_shared>>
        tpu.enqueue_indirect_dma source(%arg10 : memref<128x64xf32, #tpu.memory_space<vmem>>) target(%dma_start3A_65 : memref<25088x64xf32, #tpu.memory_space<vmem_shared>>) offsets(%arg12 : memref<128xi32, #tpu.memory_space<vmem>>) semaphore(%run_scoped3A : memref<!tpu.dma_semaphore, #tpu.memory_space<semaphore_mem>>) {add = true}
        %dma_wait3A_66 = arith.constant 0 : i32
        %dma_wait3A_67 = arith.constant 0 : i32
        %dma_wait3A_68 = tpu.memref_slice %arg7[%dma_wait3A_66, %dma_wait3A_67] : memref<25088x64xf32, #tpu.memory_space<vmem_shared>> -> memref<25088x64xf32, #tpu.memory_space<vmem_shared>>
        tpu.wait_indirect_dma semaphore(%run_scoped3A : memref<!tpu.dma_semaphore, #tpu.memory_space<semaphore_mem>>) src(%arg10 : memref<128x64xf32, #tpu.memory_space<vmem>>) dst(%dma_wait3A_68 : memref<25088x64xf32, #tpu.memory_space<vmem_shared>>)
        tpu.yield
      }) : () -> ()
      %lt3A = arith.constant 195 : i32
      %lt3A_45 = arith.cmpi slt, %scan3A_19, %lt3A : i32
      %convert_element_type3A = arith.extui %lt3A_45 : i1 to i32
      %cond3A = arith.constant 0 : i32
      %cond3A_46 = arith.cmpi ne, %convert_element_type3A, %cond3A : i32
      scf.if %cond3A_46 {
        %mul3A_63 = arith.constant 2 : i32
        %mul3A_64 = arith.muli %mul3A_63, %scan3A_19 : i32
        %add3A_65 = arith.constant 2 : i32
        %add3A_66 = arith.addi %mul3A_64, %add3A_65 : i32
        %mul3A_67 = arith.constant 50176 : i32
        %mul3A_68 = arith.muli %arg1, %mul3A_67 : i32
        %mul3A_69 = arith.constant 128 : i32
        %mul3A_70 = arith.muli %add3A_66, %mul3A_69 : i32
        %add3A_71 = arith.addi %mul3A_68, %mul3A_70 : i32
        "tpu.region"() ({
          %run_scoped3A = tpu.sem_alloc : memref<!tpu.dma_semaphore, #tpu.memory_space<semaphore_mem>>
          %dma_start3A_75 = tpu.memref_slice %arg3[%add3A_71] : memref<802816xi32, #tpu.memory_space<hbm>> -> memref<128xi32, #tpu.memory_space<hbm>>
          %dma_start3A_76 = tpu.memref_slice %arg3[%add3A_71] : memref<802816xi32, #tpu.memory_space<hbm>> -> memref<128xi32, #tpu.memory_space<hbm>>
          tpu.enqueue_dma source(%dma_start3A_76 : memref<128xi32, #tpu.memory_space<hbm>>) target(%arg8 : memref<128xi32, #tpu.memory_space<vmem>>) target_semaphore(%run_scoped3A : memref<!tpu.dma_semaphore, #tpu.memory_space<semaphore_mem>>)
          %dma_wait3A_77 = tpu.memref_slice %arg3[%add3A_71] : memref<802816xi32, #tpu.memory_space<hbm>> -> memref<128xi32, #tpu.memory_space<hbm>>
          %dma_wait3A_78 = tpu.memref_slice %arg3[%add3A_71] : memref<802816xi32, #tpu.memory_space<hbm>> -> memref<128xi32, #tpu.memory_space<hbm>>
          tpu.wait_dma2 semaphore(%run_scoped3A : memref<!tpu.dma_semaphore, #tpu.memory_space<semaphore_mem>>) src(%dma_wait3A_78 : memref<128xi32, #tpu.memory_space<hbm>>) dst(%arg8 : memref<128xi32, #tpu.memory_space<vmem>>)
          tpu.yield
        }) : () -> ()
        %dma_start3A_72 = arith.constant 0 : i32
        %dma_start3A_73 = arith.constant 0 : i32
        %dma_start3A_74 = tpu.memref_slice %arg2[%dma_start3A_72, %dma_start3A_73] : memref<50000x64xf32, #tpu.memory_space<hbm>> -> memref<50000x64xf32, #tpu.memory_space<hbm>>
        tpu.enqueue_indirect_dma source(%dma_start3A_74 : memref<50000x64xf32, #tpu.memory_space<hbm>>) target(%arg10 : memref<128x64xf32, #tpu.memory_space<vmem>>) offsets(%arg8 : memref<128xi32, #tpu.memory_space<vmem>>) semaphore(%arg13 : memref<!tpu.dma_semaphore, #tpu.memory_space<semaphore_mem>>)
      } else {
      }
      %mul3A_47 = arith.constant 2 : i32
      %mul3A_48 = arith.muli %mul3A_47, %scan3A_19 : i32
      %add3A_49 = arith.constant 1 : i32
      %add3A_50 = arith.addi %mul3A_48, %add3A_49 : i32
      %mul3A_51 = arith.constant 802816 : i32
      %mul3A_52 = arith.muli %arg0, %mul3A_51 : i32
      %mul3A_53 = arith.constant 50176 : i32
      %mul3A_54 = arith.muli %arg1, %mul3A_53 : i32
      %add3A_55 = arith.addi %mul3A_52, %mul3A_54 : i32
      %mul3A_56 = arith.constant 128 : i32
      %mul3A_57 = arith.muli %add3A_50, %mul3A_56 : i32
      %add3A_58 = arith.addi %add3A_55, %mul3A_57 : i32
      "tpu.region"() ({
        %run_scoped3A = tpu.sem_alloc : memref<!tpu.dma_semaphore, #tpu.memory_space<semaphore_mem>>
        %dma_start3A_63 = tpu.memref_slice %arg4[%add3A_58] : memref<1605632xi32, #tpu.memory_space<hbm>> -> memref<128xi32, #tpu.memory_space<hbm>>
        %dma_start3A_64 = tpu.memref_slice %arg4[%add3A_58] : memref<1605632xi32, #tpu.memory_space<hbm>> -> memref<128xi32, #tpu.memory_space<hbm>>
        tpu.enqueue_dma source(%dma_start3A_64 : memref<128xi32, #tpu.memory_space<hbm>>) target(%arg12 : memref<128xi32, #tpu.memory_space<vmem>>) target_semaphore(%run_scoped3A : memref<!tpu.dma_semaphore, #tpu.memory_space<semaphore_mem>>)
        %dma_wait3A_65 = tpu.memref_slice %arg4[%add3A_58] : memref<1605632xi32, #tpu.memory_space<hbm>> -> memref<128xi32, #tpu.memory_space<hbm>>
        %dma_wait3A_66 = tpu.memref_slice %arg4[%add3A_58] : memref<1605632xi32, #tpu.memory_space<hbm>> -> memref<128xi32, #tpu.memory_space<hbm>>
        tpu.wait_dma2 semaphore(%run_scoped3A : memref<!tpu.dma_semaphore, #tpu.memory_space<semaphore_mem>>) src(%dma_wait3A_66 : memref<128xi32, #tpu.memory_space<hbm>>) dst(%arg12 : memref<128xi32, #tpu.memory_space<vmem>>)
        tpu.yield
      }) : () -> ()
      %dma_wait3A_59 = arith.constant 0 : i32
      %dma_wait3A_60 = arith.constant 0 : i32
      %dma_wait3A_61 = tpu.memref_slice %arg2[%dma_wait3A_59, %dma_wait3A_60] : memref<50000x64xf32, #tpu.memory_space<hbm>> -> memref<50000x64xf32, #tpu.memory_space<hbm>>
      tpu.wait_indirect_dma semaphore(%arg14 : memref<!tpu.dma_semaphore, #tpu.memory_space<semaphore_mem>>) src(%dma_wait3A_61 : memref<50000x64xf32, #tpu.memory_space<hbm>>) dst(%arg11 : memref<128x64xf32, #tpu.memory_space<vmem>>)
      "tpu.region"() ({
        %run_scoped3A = tpu.sem_alloc : memref<!tpu.dma_semaphore, #tpu.memory_space<semaphore_mem>>
        %dma_start3A_63 = arith.constant 0 : i32
        %dma_start3A_64 = arith.constant 0 : i32
        %dma_start3A_65 = tpu.memref_slice %arg7[%dma_start3A_63, %dma_start3A_64] : memref<25088x64xf32, #tpu.memory_space<vmem_shared>> -> memref<25088x64xf32, #tpu.memory_space<vmem_shared>>
        tpu.enqueue_indirect_dma source(%arg11 : memref<128x64xf32, #tpu.memory_space<vmem>>) target(%dma_start3A_65 : memref<25088x64xf32, #tpu.memory_space<vmem_shared>>) offsets(%arg12 : memref<128xi32, #tpu.memory_space<vmem>>) semaphore(%run_scoped3A : memref<!tpu.dma_semaphore, #tpu.memory_space<semaphore_mem>>) {add = true}
        %dma_wait3A_66 = arith.constant 0 : i32
        %dma_wait3A_67 = arith.constant 0 : i32
        %dma_wait3A_68 = tpu.memref_slice %arg7[%dma_wait3A_66, %dma_wait3A_67] : memref<25088x64xf32, #tpu.memory_space<vmem_shared>> -> memref<25088x64xf32, #tpu.memory_space<vmem_shared>>
        tpu.wait_indirect_dma semaphore(%run_scoped3A : memref<!tpu.dma_semaphore, #tpu.memory_space<semaphore_mem>>) src(%arg11 : memref<128x64xf32, #tpu.memory_space<vmem>>) dst(%dma_wait3A_68 : memref<25088x64xf32, #tpu.memory_space<vmem_shared>>)
        tpu.yield
      }) : () -> ()
      %scan3A_62 = arith.constant 0 : i32
      scf.yield %scan3A_62 : i32
    }
    %scan3A_13 = arith.constant 196 : i32
    %barrier3A_14 = arith.constant 0 : index
    tpu.barrier barrier_id(%barrier3A_14)
    %mul3A_15 = arith.constant 1568 : i32
    %mul3A_16 = arith.muli %arg1, %mul3A_15 : i32
    %mul3A_17 = arith.constant 1568 : i32
    %mul3A_18 = arith.muli %arg1, %mul3A_17 : i32
    "tpu.region"() ({
      %run_scoped3A = tpu.sem_alloc : memref<!tpu.dma_semaphore, #tpu.memory_space<semaphore_mem>>
      %dma_start3A_19 = arith.constant 0 : i32
      %dma_start3A_20 = tpu.memref_slice %arg6[%arg0, %mul3A_18, %dma_start3A_19] : memref<2x25088x64xf32, #tpu.memory_space<hbm>> -> memref<1x1568x64xf32, #tpu.memory_space<hbm>>
      %dma_start3A_21 = tpu.memref_squeeze %dma_start3A_20 : memref<1x1568x64xf32, #tpu.memory_space<hbm>> -> memref<1568x64xf32, #tpu.memory_space<hbm>>
      %dma_start3A_22 = arith.constant 0 : i32
      %dma_start3A_23 = tpu.memref_slice %arg7[%mul3A_16, %dma_start3A_22] : memref<25088x64xf32, #tpu.memory_space<vmem_shared>> -> memref<1568x64xf32, #tpu.memory_space<vmem_shared>>
      tpu.enqueue_dma source(%dma_start3A_23 : memref<1568x64xf32, #tpu.memory_space<vmem_shared>>) target(%dma_start3A_21 : memref<1568x64xf32, #tpu.memory_space<hbm>>) target_semaphore(%run_scoped3A : memref<!tpu.dma_semaphore, #tpu.memory_space<semaphore_mem>>)
      %dma_wait3A = arith.constant 0 : i32
      %dma_wait3A_24 = tpu.memref_slice %arg6[%arg0, %mul3A_18, %dma_wait3A] : memref<2x25088x64xf32, #tpu.memory_space<hbm>> -> memref<1x1568x64xf32, #tpu.memory_space<hbm>>
      %dma_wait3A_25 = tpu.memref_squeeze %dma_wait3A_24 : memref<1x1568x64xf32, #tpu.memory_space<hbm>> -> memref<1568x64xf32, #tpu.memory_space<hbm>>
      %dma_wait3A_26 = arith.constant 0 : i32
      %dma_wait3A_27 = tpu.memref_slice %arg7[%mul3A_16, %dma_wait3A_26] : memref<25088x64xf32, #tpu.memory_space<vmem_shared>> -> memref<1568x64xf32, #tpu.memory_space<vmem_shared>>
      tpu.wait_dma2 semaphore(%run_scoped3A : memref<!tpu.dma_semaphore, #tpu.memory_space<semaphore_mem>>) src(%dma_wait3A_27 : memref<1568x64xf32, #tpu.memory_space<vmem_shared>>) dst(%dma_wait3A_25 : memref<1568x64xf32, #tpu.memory_space<hbm>>)
      tpu.yield
    }) : () -> ()
    return
  }
}

#map = affine_map<(d0, d1) -> (0, 0)>
#map1 = affine_map<(d0, d1) -> (0)>
#map2 = affine_map<(d0, d1) -> (0, 0, 0)>
module attributes {stable_mosaic.version = 14 : i64} {
  func.func @_segsum_body(%arg0: i32, %arg1: i32, %arg2: memref<50000x64xf32, #tpu.memory_space<hbm>>, %arg3: memref<802816xi32, #tpu.memory_space<hbm>>, %arg4: memref<1605632xi32, #tpu.memory_space<hbm>>, %arg5: memref<25088x64xf32, #tpu.memory_space<hbm>>, %arg6: memref<2x25088x64xf32, #tpu.memory_space<hbm>>, %arg7: memref<25088x64xf32, #tpu.memory_space<vmem_shared>>, %arg8: memref<128xi32, #tpu.memory_space<vmem>>, %arg9: memref<128xi32, #tpu.memory_space<vmem>>, %arg10: memref<128x64xf32, #tpu.memory_space<vmem>>, %arg11: memref<128x64xf32, #tpu.memory_space<vmem>>, %arg12: memref<128xi32, #tpu.memory_space<vmem>>, %arg13: memref<!tpu.dma_semaphore, #tpu.memory_space<semaphore_mem>>, %arg14: memref<!tpu.dma_semaphore, #tpu.memory_space<semaphore_mem>>) attributes {dimension_semantics = [#tpu.dimension_semantics<core_parallel>, #tpu.dimension_semantics<subcore_parallel>], iteration_bounds = array<i64: 2, 16>, scalar_prefetch = 0 : i64, scratch_operands = 8 : i64, tpu.core_type = #tpu.core_type<sc_vector_subcore>, window_params = [{transform_indices = #map}, {transform_indices = #map1}, {transform_indices = #map1}, {transform_indices = #map}, {transform_indices = #map2}]} {
    %mul3A = arith.constant 1568 : i32
    %mul3A_0 = arith.muli %arg1, %mul3A : i32
    %mul3A_1 = arith.constant 1568 : i32
    %mul3A_2 = arith.muli %arg1, %mul3A_1 : i32
    "tpu.region"() ({
      %run_scoped3A = tpu.sem_alloc : memref<!tpu.dma_semaphore, #tpu.memory_space<semaphore_mem>>
      %dma_start3A_19 = arith.constant 0 : i32
      %dma_start3A_20 = tpu.memref_slice %arg7[%mul3A_2, %dma_start3A_19] : memref<25088x64xf32, #tpu.memory_space<vmem_shared>> -> memref<1568x64xf32, #tpu.memory_space<vmem_shared>>
      %dma_start3A_21 = arith.constant 0 : i32
      %dma_start3A_22 = tpu.memref_slice %arg5[%mul3A_0, %dma_start3A_21] : memref<25088x64xf32, #tpu.memory_space<hbm>> -> memref<1568x64xf32, #tpu.memory_space<hbm>>
      tpu.enqueue_dma source(%dma_start3A_22 : memref<1568x64xf32, #tpu.memory_space<hbm>>) target(%dma_start3A_20 : memref<1568x64xf32, #tpu.memory_space<vmem_shared>>) target_semaphore(%run_scoped3A : memref<!tpu.dma_semaphore, #tpu.memory_space<semaphore_mem>>)
      %dma_wait3A = arith.constant 0 : i32
      %dma_wait3A_23 = tpu.memref_slice %arg7[%mul3A_2, %dma_wait3A] : memref<25088x64xf32, #tpu.memory_space<vmem_shared>> -> memref<1568x64xf32, #tpu.memory_space<vmem_shared>>
      %dma_wait3A_24 = arith.constant 0 : i32
      %dma_wait3A_25 = tpu.memref_slice %arg5[%mul3A_0, %dma_wait3A_24] : memref<25088x64xf32, #tpu.memory_space<hbm>> -> memref<1568x64xf32, #tpu.memory_space<hbm>>
      tpu.wait_dma2 semaphore(%run_scoped3A : memref<!tpu.dma_semaphore, #tpu.memory_space<semaphore_mem>>) src(%dma_wait3A_25 : memref<1568x64xf32, #tpu.memory_space<hbm>>) dst(%dma_wait3A_23 : memref<1568x64xf32, #tpu.memory_space<vmem_shared>>)
      tpu.yield
    }) : () -> ()
    %barrier3A = arith.constant 0 : index
    tpu.barrier barrier_id(%barrier3A)
    %mul3A_3 = arith.constant 50176 : i32
    %mul3A_4 = arith.muli %arg1, %mul3A_3 : i32
    %add3A = arith.constant 0 : i32
    %add3A_5 = arith.addi %mul3A_4, %add3A : i32
    "tpu.region"() ({
      %run_scoped3A = tpu.sem_alloc : memref<!tpu.dma_semaphore, #tpu.memory_space<semaphore_mem>>
      %dma_start3A_19 = tpu.memref_slice %arg3[%add3A_5] : memref<802816xi32, #tpu.memory_space<hbm>> -> memref<128xi32, #tpu.memory_space<hbm>>
      %dma_start3A_20 = tpu.memref_slice %arg3[%add3A_5] : memref<802816xi32, #tpu.memory_space<hbm>> -> memref<128xi32, #tpu.memory_space<hbm>>
      tpu.enqueue_dma source(%dma_start3A_20 : memref<128xi32, #tpu.memory_space<hbm>>) target(%arg8 : memref<128xi32, #tpu.memory_space<vmem>>) target_semaphore(%run_scoped3A : memref<!tpu.dma_semaphore, #tpu.memory_space<semaphore_mem>>)
      %dma_wait3A = tpu.memref_slice %arg3[%add3A_5] : memref<802816xi32, #tpu.memory_space<hbm>> -> memref<128xi32, #tpu.memory_space<hbm>>
      %dma_wait3A_21 = tpu.memref_slice %arg3[%add3A_5] : memref<802816xi32, #tpu.memory_space<hbm>> -> memref<128xi32, #tpu.memory_space<hbm>>
      tpu.wait_dma2 semaphore(%run_scoped3A : memref<!tpu.dma_semaphore, #tpu.memory_space<semaphore_mem>>) src(%dma_wait3A_21 : memref<128xi32, #tpu.memory_space<hbm>>) dst(%arg8 : memref<128xi32, #tpu.memory_space<vmem>>)
      tpu.yield
    }) : () -> ()
    %dma_start3A = arith.constant 0 : i32
    %dma_start3A_6 = arith.constant 0 : i32
    %dma_start3A_7 = tpu.memref_slice %arg2[%dma_start3A, %dma_start3A_6] : memref<50000x64xf32, #tpu.memory_space<hbm>> -> memref<50000x64xf32, #tpu.memory_space<hbm>>
    tpu.enqueue_indirect_dma source(%dma_start3A_7 : memref<50000x64xf32, #tpu.memory_space<hbm>>) target(%arg10 : memref<128x64xf32, #tpu.memory_space<vmem>>) offsets(%arg8 : memref<128xi32, #tpu.memory_space<vmem>>) semaphore(%arg13 : memref<!tpu.dma_semaphore, #tpu.memory_space<semaphore_mem>>)
    %scan3A = arith.constant 0 : i32
    %scan3A_8 = arith.constant 0 : i32
    %scan3A_9 = arith.constant 196 : i32
    %scan3A_10 = arith.addi %scan3A_8, %scan3A_9 : i32
    %scan3A_11 = arith.constant 1 : i32
    %scan3A_12 = scf.for %scan3A_19 = %scan3A_8 to %scan3A_10 step %scan3A_11 iter_args(%scan3A_20 = %scan3A) -> (i32)  : i32 {
      %mul3A_21 = arith.constant 2 : i32
      %mul3A_22 = arith.muli %mul3A_21, %scan3A_19 : i32
      %add3A_23 = arith.constant 1 : i32
      %add3A_24 = arith.addi %mul3A_22, %add3A_23 : i32
      %mul3A_25 = arith.constant 50176 : i32
      %mul3A_26 = arith.muli %arg1, %mul3A_25 : i32
      %mul3A_27 = arith.constant 128 : i32
      %mul3A_28 = arith.muli %add3A_24, %mul3A_27 : i32
      %add3A_29 = arith.addi %mul3A_26, %mul3A_28 : i32
      "tpu.region"() ({
        %run_scoped3A = tpu.sem_alloc : memref<!tpu.dma_semaphore, #tpu.memory_space<semaphore_mem>>
        %dma_start3A_63 = tpu.memref_slice %arg3[%add3A_29] : memref<802816xi32, #tpu.memory_space<hbm>> -> memref<128xi32, #tpu.memory_space<hbm>>
        %dma_start3A_64 = tpu.memref_slice %arg3[%add3A_29] : memref<802816xi32, #tpu.memory_space<hbm>> -> memref<128xi32, #tpu.memory_space<hbm>>
        tpu.enqueue_dma source(%dma_start3A_64 : memref<128xi32, #tpu.memory_space<hbm>>) target(%arg9 : memref<128xi32, #tpu.memory_space<vmem>>) target_semaphore(%run_scoped3A : memref<!tpu.dma_semaphore, #tpu.memory_space<semaphore_mem>>)
        %dma_wait3A_65 = tpu.memref_slice %arg3[%add3A_29] : memref<802816xi32, #tpu.memory_space<hbm>> -> memref<128xi32, #tpu.memory_space<hbm>>
        %dma_wait3A_66 = tpu.memref_slice %arg3[%add3A_29] : memref<802816xi32, #tpu.memory_space<hbm>> -> memref<128xi32, #tpu.memory_space<hbm>>
        tpu.wait_dma2 semaphore(%run_scoped3A : memref<!tpu.dma_semaphore, #tpu.memory_space<semaphore_mem>>) src(%dma_wait3A_66 : memref<128xi32, #tpu.memory_space<hbm>>) dst(%arg9 : memref<128xi32, #tpu.memory_space<vmem>>)
        tpu.yield
      }) : () -> ()
      %dma_start3A_30 = arith.constant 0 : i32
      %dma_start3A_31 = arith.constant 0 : i32
      %dma_start3A_32 = tpu.memref_slice %arg2[%dma_start3A_30, %dma_start3A_31] : memref<50000x64xf32, #tpu.memory_space<hbm>> -> memref<50000x64xf32, #tpu.memory_space<hbm>>
      tpu.enqueue_indirect_dma source(%dma_start3A_32 : memref<50000x64xf32, #tpu.memory_space<hbm>>) target(%arg11 : memref<128x64xf32, #tpu.memory_space<vmem>>) offsets(%arg9 : memref<128xi32, #tpu.memory_space<vmem>>) semaphore(%arg14 : memref<!tpu.dma_semaphore, #tpu.memory_space<semaphore_mem>>)
      %mul3A_33 = arith.constant 2 : i32
      %mul3A_34 = arith.muli %mul3A_33, %scan3A_19 : i32
      %mul3A_35 = arith.constant 802816 : i32
      %mul3A_36 = arith.muli %arg0, %mul3A_35 : i32
      %mul3A_37 = arith.constant 50176 : i32
      %mul3A_38 = arith.muli %arg1, %mul3A_37 : i32
      %add3A_39 = arith.addi %mul3A_36, %mul3A_38 : i32
      %mul3A_40 = arith.constant 128 : i32
      %mul3A_41 = arith.muli %mul3A_34, %mul3A_40 : i32
      %add3A_42 = arith.addi %add3A_39, %mul3A_41 : i32
      "tpu.region"() ({
        %run_scoped3A = tpu.sem_alloc : memref<!tpu.dma_semaphore, #tpu.memory_space<semaphore_mem>>
        %dma_start3A_63 = tpu.memref_slice %arg4[%add3A_42] : memref<1605632xi32, #tpu.memory_space<hbm>> -> memref<128xi32, #tpu.memory_space<hbm>>
        %dma_start3A_64 = tpu.memref_slice %arg4[%add3A_42] : memref<1605632xi32, #tpu.memory_space<hbm>> -> memref<128xi32, #tpu.memory_space<hbm>>
        tpu.enqueue_dma source(%dma_start3A_64 : memref<128xi32, #tpu.memory_space<hbm>>) target(%arg12 : memref<128xi32, #tpu.memory_space<vmem>>) target_semaphore(%run_scoped3A : memref<!tpu.dma_semaphore, #tpu.memory_space<semaphore_mem>>)
        %dma_wait3A_65 = tpu.memref_slice %arg4[%add3A_42] : memref<1605632xi32, #tpu.memory_space<hbm>> -> memref<128xi32, #tpu.memory_space<hbm>>
        %dma_wait3A_66 = tpu.memref_slice %arg4[%add3A_42] : memref<1605632xi32, #tpu.memory_space<hbm>> -> memref<128xi32, #tpu.memory_space<hbm>>
        tpu.wait_dma2 semaphore(%run_scoped3A : memref<!tpu.dma_semaphore, #tpu.memory_space<semaphore_mem>>) src(%dma_wait3A_66 : memref<128xi32, #tpu.memory_space<hbm>>) dst(%arg12 : memref<128xi32, #tpu.memory_space<vmem>>)
        tpu.yield
      }) : () -> ()
      %dma_wait3A = arith.constant 0 : i32
      %dma_wait3A_43 = arith.constant 0 : i32
      %dma_wait3A_44 = tpu.memref_slice %arg2[%dma_wait3A, %dma_wait3A_43] : memref<50000x64xf32, #tpu.memory_space<hbm>> -> memref<50000x64xf32, #tpu.memory_space<hbm>>
      tpu.wait_indirect_dma semaphore(%arg13 : memref<!tpu.dma_semaphore, #tpu.memory_space<semaphore_mem>>) src(%dma_wait3A_44 : memref<50000x64xf32, #tpu.memory_space<hbm>>) dst(%arg10 : memref<128x64xf32, #tpu.memory_space<vmem>>)
      "tpu.region"() ({
        %run_scoped3A = tpu.sem_alloc : memref<!tpu.dma_semaphore, #tpu.memory_space<semaphore_mem>>
        %dma_start3A_63 = arith.constant 0 : i32
        %dma_start3A_64 = arith.constant 0 : i32
        %dma_start3A_65 = tpu.memref_slice %arg7[%dma_start3A_63, %dma_start3A_64] : memref<25088x64xf32, #tpu.memory_space<vmem_shared>> -> memref<25088x64xf32, #tpu.memory_space<vmem_shared>>
        tpu.enqueue_indirect_dma source(%arg10 : memref<128x64xf32, #tpu.memory_space<vmem>>) target(%dma_start3A_65 : memref<25088x64xf32, #tpu.memory_space<vmem_shared>>) offsets(%arg12 : memref<128xi32, #tpu.memory_space<vmem>>) semaphore(%run_scoped3A : memref<!tpu.dma_semaphore, #tpu.memory_space<semaphore_mem>>) {add = true}
        %dma_wait3A_66 = arith.constant 0 : i32
        %dma_wait3A_67 = arith.constant 0 : i32
        %dma_wait3A_68 = tpu.memref_slice %arg7[%dma_wait3A_66, %dma_wait3A_67] : memref<25088x64xf32, #tpu.memory_space<vmem_shared>> -> memref<25088x64xf32, #tpu.memory_space<vmem_shared>>
        tpu.wait_indirect_dma semaphore(%run_scoped3A : memref<!tpu.dma_semaphore, #tpu.memory_space<semaphore_mem>>) src(%arg10 : memref<128x64xf32, #tpu.memory_space<vmem>>) dst(%dma_wait3A_68 : memref<25088x64xf32, #tpu.memory_space<vmem_shared>>)
        tpu.yield
      }) : () -> ()
      %lt3A = arith.constant 195 : i32
      %lt3A_45 = arith.cmpi slt, %scan3A_19, %lt3A : i32
      %convert_element_type3A = arith.extui %lt3A_45 : i1 to i32
      %cond3A = arith.constant 0 : i32
      %cond3A_46 = arith.cmpi ne, %convert_element_type3A, %cond3A : i32
      scf.if %cond3A_46 {
        %mul3A_63 = arith.constant 2 : i32
        %mul3A_64 = arith.muli %mul3A_63, %scan3A_19 : i32
        %add3A_65 = arith.constant 2 : i32
        %add3A_66 = arith.addi %mul3A_64, %add3A_65 : i32
        %mul3A_67 = arith.constant 50176 : i32
        %mul3A_68 = arith.muli %arg1, %mul3A_67 : i32
        %mul3A_69 = arith.constant 128 : i32
        %mul3A_70 = arith.muli %add3A_66, %mul3A_69 : i32
        %add3A_71 = arith.addi %mul3A_68, %mul3A_70 : i32
        "tpu.region"() ({
          %run_scoped3A = tpu.sem_alloc : memref<!tpu.dma_semaphore, #tpu.memory_space<semaphore_mem>>
          %dma_start3A_75 = tpu.memref_slice %arg3[%add3A_71] : memref<802816xi32, #tpu.memory_space<hbm>> -> memref<128xi32, #tpu.memory_space<hbm>>
          %dma_start3A_76 = tpu.memref_slice %arg3[%add3A_71] : memref<802816xi32, #tpu.memory_space<hbm>> -> memref<128xi32, #tpu.memory_space<hbm>>
          tpu.enqueue_dma source(%dma_start3A_76 : memref<128xi32, #tpu.memory_space<hbm>>) target(%arg8 : memref<128xi32, #tpu.memory_space<vmem>>) target_semaphore(%run_scoped3A : memref<!tpu.dma_semaphore, #tpu.memory_space<semaphore_mem>>)
          %dma_wait3A_77 = tpu.memref_slice %arg3[%add3A_71] : memref<802816xi32, #tpu.memory_space<hbm>> -> memref<128xi32, #tpu.memory_space<hbm>>
          %dma_wait3A_78 = tpu.memref_slice %arg3[%add3A_71] : memref<802816xi32, #tpu.memory_space<hbm>> -> memref<128xi32, #tpu.memory_space<hbm>>
          tpu.wait_dma2 semaphore(%run_scoped3A : memref<!tpu.dma_semaphore, #tpu.memory_space<semaphore_mem>>) src(%dma_wait3A_78 : memref<128xi32, #tpu.memory_space<hbm>>) dst(%arg8 : memref<128xi32, #tpu.memory_space<vmem>>)
          tpu.yield
        }) : () -> ()
        %dma_start3A_72 = arith.constant 0 : i32
        %dma_start3A_73 = arith.constant 0 : i32
        %dma_start3A_74 = tpu.memref_slice %arg2[%dma_start3A_72, %dma_start3A_73] : memref<50000x64xf32, #tpu.memory_space<hbm>> -> memref<50000x64xf32, #tpu.memory_space<hbm>>
        tpu.enqueue_indirect_dma source(%dma_start3A_74 : memref<50000x64xf32, #tpu.memory_space<hbm>>) target(%arg10 : memref<128x64xf32, #tpu.memory_space<vmem>>) offsets(%arg8 : memref<128xi32, #tpu.memory_space<vmem>>) semaphore(%arg13 : memref<!tpu.dma_semaphore, #tpu.memory_space<semaphore_mem>>)
      } else {
      }
      %mul3A_47 = arith.constant 2 : i32
      %mul3A_48 = arith.muli %mul3A_47, %scan3A_19 : i32
      %add3A_49 = arith.constant 1 : i32
      %add3A_50 = arith.addi %mul3A_48, %add3A_49 : i32
      %mul3A_51 = arith.constant 802816 : i32
      %mul3A_52 = arith.muli %arg0, %mul3A_51 : i32
      %mul3A_53 = arith.constant 50176 : i32
      %mul3A_54 = arith.muli %arg1, %mul3A_53 : i32
      %add3A_55 = arith.addi %mul3A_52, %mul3A_54 : i32
      %mul3A_56 = arith.constant 128 : i32
      %mul3A_57 = arith.muli %add3A_50, %mul3A_56 : i32
      %add3A_58 = arith.addi %add3A_55, %mul3A_57 : i32
      "tpu.region"() ({
        %run_scoped3A = tpu.sem_alloc : memref<!tpu.dma_semaphore, #tpu.memory_space<semaphore_mem>>
        %dma_start3A_63 = tpu.memref_slice %arg4[%add3A_58] : memref<1605632xi32, #tpu.memory_space<hbm>> -> memref<128xi32, #tpu.memory_space<hbm>>
        %dma_start3A_64 = tpu.memref_slice %arg4[%add3A_58] : memref<1605632xi32, #tpu.memory_space<hbm>> -> memref<128xi32, #tpu.memory_space<hbm>>
        tpu.enqueue_dma source(%dma_start3A_64 : memref<128xi32, #tpu.memory_space<hbm>>) target(%arg12 : memref<128xi32, #tpu.memory_space<vmem>>) target_semaphore(%run_scoped3A : memref<!tpu.dma_semaphore, #tpu.memory_space<semaphore_mem>>)
        %dma_wait3A_65 = tpu.memref_slice %arg4[%add3A_58] : memref<1605632xi32, #tpu.memory_space<hbm>> -> memref<128xi32, #tpu.memory_space<hbm>>
        %dma_wait3A_66 = tpu.memref_slice %arg4[%add3A_58] : memref<1605632xi32, #tpu.memory_space<hbm>> -> memref<128xi32, #tpu.memory_space<hbm>>
        tpu.wait_dma2 semaphore(%run_scoped3A : memref<!tpu.dma_semaphore, #tpu.memory_space<semaphore_mem>>) src(%dma_wait3A_66 : memref<128xi32, #tpu.memory_space<hbm>>) dst(%arg12 : memref<128xi32, #tpu.memory_space<vmem>>)
        tpu.yield
      }) : () -> ()
      %dma_wait3A_59 = arith.constant 0 : i32
      %dma_wait3A_60 = arith.constant 0 : i32
      %dma_wait3A_61 = tpu.memref_slice %arg2[%dma_wait3A_59, %dma_wait3A_60] : memref<50000x64xf32, #tpu.memory_space<hbm>> -> memref<50000x64xf32, #tpu.memory_space<hbm>>
      tpu.wait_indirect_dma semaphore(%arg14 : memref<!tpu.dma_semaphore, #tpu.memory_space<semaphore_mem>>) src(%dma_wait3A_61 : memref<50000x64xf32, #tpu.memory_space<hbm>>) dst(%arg11 : memref<128x64xf32, #tpu.memory_space<vmem>>)
      "tpu.region"() ({
        %run_scoped3A = tpu.sem_alloc : memref<!tpu.dma_semaphore, #tpu.memory_space<semaphore_mem>>
        %dma_start3A_63 = arith.constant 0 : i32
        %dma_start3A_64 = arith.constant 0 : i32
        %dma_start3A_65 = tpu.memref_slice %arg7[%dma_start3A_63, %dma_start3A_64] : memref<25088x64xf32, #tpu.memory_space<vmem_shared>> -> memref<25088x64xf32, #tpu.memory_space<vmem_shared>>
        tpu.enqueue_indirect_dma source(%arg11 : memref<128x64xf32, #tpu.memory_space<vmem>>) target(%dma_start3A_65 : memref<25088x64xf32, #tpu.memory_space<vmem_shared>>) offsets(%arg12 : memref<128xi32, #tpu.memory_space<vmem>>) semaphore(%run_scoped3A : memref<!tpu.dma_semaphore, #tpu.memory_space<semaphore_mem>>) {add = true}
        %dma_wait3A_66 = arith.constant 0 : i32
        %dma_wait3A_67 = arith.constant 0 : i32
        %dma_wait3A_68 = tpu.memref_slice %arg7[%dma_wait3A_66, %dma_wait3A_67] : memref<25088x64xf32, #tpu.memory_space<vmem_shared>> -> memref<25088x64xf32, #tpu.memory_space<vmem_shared>>
        tpu.wait_indirect_dma semaphore(%run_scoped3A : memref<!tpu.dma_semaphore, #tpu.memory_space<semaphore_mem>>) src(%arg11 : memref<128x64xf32, #tpu.memory_space<vmem>>) dst(%dma_wait3A_68 : memref<25088x64xf32, #tpu.memory_space<vmem_shared>>)
        tpu.yield
      }) : () -> ()
      %scan3A_62 = arith.constant 0 : i32
      scf.yield %scan3A_62 : i32
    }
    %scan3A_13 = arith.constant 196 : i32
    %barrier3A_14 = arith.constant 0 : index
    tpu.barrier barrier_id(%barrier3A_14)
    %mul3A_15 = arith.constant 1568 : i32
    %mul3A_16 = arith.muli %arg1, %mul3A_15 : i32
    %mul3A_17 = arith.constant 1568 : i32
    %mul3A_18 = arith.muli %arg1, %mul3A_17 : i32
    "tpu.region"() ({
      %run_scoped3A = tpu.sem_alloc : memref<!tpu.dma_semaphore, #tpu.memory_space<semaphore_mem>>
      %dma_start3A_19 = arith.constant 0 : i32
      %dma_start3A_20 = tpu.memref_slice %arg6[%arg0, %mul3A_18, %dma_start3A_19] : memref<2x25088x64xf32, #tpu.memory_space<hbm>> -> memref<1x1568x64xf32, #tpu.memory_space<hbm>>
      %dma_start3A_21 = tpu.memref_squeeze %dma_start3A_20 : memref<1x1568x64xf32, #tpu.memory_space<hbm>> -> memref<1568x64xf32, #tpu.memory_space<hbm>>
      %dma_start3A_22 = arith.constant 0 : i32
      %dma_start3A_23 = tpu.memref_slice %arg7[%mul3A_16, %dma_start3A_22] : memref<25088x64xf32, #tpu.memory_space<vmem_shared>> -> memref<1568x64xf32, #tpu.memory_space<vmem_shared>>
      tpu.enqueue_dma source(%dma_start3A_23 : memref<1568x64xf32, #tpu.memory_space<vmem_shared>>) target(%dma_start3A_21 : memref<1568x64xf32, #tpu.memory_space<hbm>>) target_semaphore(%run_scoped3A : memref<!tpu.dma_semaphore, #tpu.memory_space<semaphore_mem>>)
      %dma_wait3A = arith.constant 0 : i32
      %dma_wait3A_24 = tpu.memref_slice %arg6[%arg0, %mul3A_18, %dma_wait3A] : memref<2x25088x64xf32, #tpu.memory_space<hbm>> -> memref<1x1568x64xf32, #tpu.memory_space<hbm>>
      %dma_wait3A_25 = tpu.memref_squeeze %dma_wait3A_24 : memref<1x1568x64xf32, #tpu.memory_space<hbm>> -> memref<1568x64xf32, #tpu.memory_space<hbm>>
      %dma_wait3A_26 = arith.constant 0 : i32
      %dma_wait3A_27 = tpu.memref_slice %arg7[%mul3A_16, %dma_wait3A_26] : memref<25088x64xf32, #tpu.memory_space<vmem_shared>> -> memref<1568x64xf32, #tpu.memory_space<vmem_shared>>
      tpu.wait_dma2 semaphore(%run_scoped3A : memref<!tpu.dma_semaphore, #tpu.memory_space<semaphore_mem>>) src(%dma_wait3A_27 : memref<1568x64xf32, #tpu.memory_space<vmem_shared>>) dst(%dma_wait3A_25 : memref<1568x64xf32, #tpu.memory_space<hbm>>)
      tpu.yield
    }) : () -> ()
    return
  }
}

#map = affine_map<(d0, d1) -> (0, 0)>
#map1 = affine_map<(d0, d1) -> (0)>
#map2 = affine_map<(d0, d1) -> (0, 0, 0)>
module attributes {stable_mosaic.version = 14 : i64} {
  func.func @_segsum_body(%arg0: i32, %arg1: i32, %arg2: memref<50000x64xf32, #tpu.memory_space<hbm>>, %arg3: memref<802816xi32, #tpu.memory_space<hbm>>, %arg4: memref<1605632xi32, #tpu.memory_space<hbm>>, %arg5: memref<25088x64xf32, #tpu.memory_space<hbm>>, %arg6: memref<2x25088x64xf32, #tpu.memory_space<hbm>>, %arg7: memref<25088x64xf32, #tpu.memory_space<vmem_shared>>, %arg8: memref<128xi32, #tpu.memory_space<vmem>>, %arg9: memref<128xi32, #tpu.memory_space<vmem>>, %arg10: memref<128x64xf32, #tpu.memory_space<vmem>>, %arg11: memref<128x64xf32, #tpu.memory_space<vmem>>, %arg12: memref<128xi32, #tpu.memory_space<vmem>>, %arg13: memref<!tpu.dma_semaphore, #tpu.memory_space<semaphore_mem>>, %arg14: memref<!tpu.dma_semaphore, #tpu.memory_space<semaphore_mem>>) attributes {dimension_semantics = [#tpu.dimension_semantics<core_parallel>, #tpu.dimension_semantics<subcore_parallel>], iteration_bounds = array<i64: 2, 16>, scalar_prefetch = 0 : i64, scratch_operands = 8 : i64, tpu.core_type = #tpu.core_type<sc_vector_subcore>, window_params = [{transform_indices = #map}, {transform_indices = #map1}, {transform_indices = #map1}, {transform_indices = #map}, {transform_indices = #map2}]} {
    %mul3A = arith.constant 1568 : i32
    %mul3A_0 = arith.muli %arg1, %mul3A : i32
    %mul3A_1 = arith.constant 1568 : i32
    %mul3A_2 = arith.muli %arg1, %mul3A_1 : i32
    "tpu.region"() ({
      %run_scoped3A = tpu.sem_alloc : memref<!tpu.dma_semaphore, #tpu.memory_space<semaphore_mem>>
      %dma_start3A_19 = arith.constant 0 : i32
      %dma_start3A_20 = tpu.memref_slice %arg7[%mul3A_2, %dma_start3A_19] : memref<25088x64xf32, #tpu.memory_space<vmem_shared>> -> memref<1568x64xf32, #tpu.memory_space<vmem_shared>>
      %dma_start3A_21 = arith.constant 0 : i32
      %dma_start3A_22 = tpu.memref_slice %arg5[%mul3A_0, %dma_start3A_21] : memref<25088x64xf32, #tpu.memory_space<hbm>> -> memref<1568x64xf32, #tpu.memory_space<hbm>>
      tpu.enqueue_dma source(%dma_start3A_22 : memref<1568x64xf32, #tpu.memory_space<hbm>>) target(%dma_start3A_20 : memref<1568x64xf32, #tpu.memory_space<vmem_shared>>) target_semaphore(%run_scoped3A : memref<!tpu.dma_semaphore, #tpu.memory_space<semaphore_mem>>)
      %dma_wait3A = arith.constant 0 : i32
      %dma_wait3A_23 = tpu.memref_slice %arg7[%mul3A_2, %dma_wait3A] : memref<25088x64xf32, #tpu.memory_space<vmem_shared>> -> memref<1568x64xf32, #tpu.memory_space<vmem_shared>>
      %dma_wait3A_24 = arith.constant 0 : i32
      %dma_wait3A_25 = tpu.memref_slice %arg5[%mul3A_0, %dma_wait3A_24] : memref<25088x64xf32, #tpu.memory_space<hbm>> -> memref<1568x64xf32, #tpu.memory_space<hbm>>
      tpu.wait_dma2 semaphore(%run_scoped3A : memref<!tpu.dma_semaphore, #tpu.memory_space<semaphore_mem>>) src(%dma_wait3A_25 : memref<1568x64xf32, #tpu.memory_space<hbm>>) dst(%dma_wait3A_23 : memref<1568x64xf32, #tpu.memory_space<vmem_shared>>)
      tpu.yield
    }) : () -> ()
    %barrier3A = arith.constant 0 : index
    tpu.barrier barrier_id(%barrier3A)
    %mul3A_3 = arith.constant 50176 : i32
    %mul3A_4 = arith.muli %arg1, %mul3A_3 : i32
    %add3A = arith.constant 0 : i32
    %add3A_5 = arith.addi %mul3A_4, %add3A : i32
    "tpu.region"() ({
      %run_scoped3A = tpu.sem_alloc : memref<!tpu.dma_semaphore, #tpu.memory_space<semaphore_mem>>
      %dma_start3A_19 = tpu.memref_slice %arg3[%add3A_5] : memref<802816xi32, #tpu.memory_space<hbm>> -> memref<128xi32, #tpu.memory_space<hbm>>
      %dma_start3A_20 = tpu.memref_slice %arg3[%add3A_5] : memref<802816xi32, #tpu.memory_space<hbm>> -> memref<128xi32, #tpu.memory_space<hbm>>
      tpu.enqueue_dma source(%dma_start3A_20 : memref<128xi32, #tpu.memory_space<hbm>>) target(%arg8 : memref<128xi32, #tpu.memory_space<vmem>>) target_semaphore(%run_scoped3A : memref<!tpu.dma_semaphore, #tpu.memory_space<semaphore_mem>>)
      %dma_wait3A = tpu.memref_slice %arg3[%add3A_5] : memref<802816xi32, #tpu.memory_space<hbm>> -> memref<128xi32, #tpu.memory_space<hbm>>
      %dma_wait3A_21 = tpu.memref_slice %arg3[%add3A_5] : memref<802816xi32, #tpu.memory_space<hbm>> -> memref<128xi32, #tpu.memory_space<hbm>>
      tpu.wait_dma2 semaphore(%run_scoped3A : memref<!tpu.dma_semaphore, #tpu.memory_space<semaphore_mem>>) src(%dma_wait3A_21 : memref<128xi32, #tpu.memory_space<hbm>>) dst(%arg8 : memref<128xi32, #tpu.memory_space<vmem>>)
      tpu.yield
    }) : () -> ()
    %dma_start3A = arith.constant 0 : i32
    %dma_start3A_6 = arith.constant 0 : i32
    %dma_start3A_7 = tpu.memref_slice %arg2[%dma_start3A, %dma_start3A_6] : memref<50000x64xf32, #tpu.memory_space<hbm>> -> memref<50000x64xf32, #tpu.memory_space<hbm>>
    tpu.enqueue_indirect_dma source(%dma_start3A_7 : memref<50000x64xf32, #tpu.memory_space<hbm>>) target(%arg10 : memref<128x64xf32, #tpu.memory_space<vmem>>) offsets(%arg8 : memref<128xi32, #tpu.memory_space<vmem>>) semaphore(%arg13 : memref<!tpu.dma_semaphore, #tpu.memory_space<semaphore_mem>>)
    %scan3A = arith.constant 0 : i32
    %scan3A_8 = arith.constant 0 : i32
    %scan3A_9 = arith.constant 196 : i32
    %scan3A_10 = arith.addi %scan3A_8, %scan3A_9 : i32
    %scan3A_11 = arith.constant 1 : i32
    %scan3A_12 = scf.for %scan3A_19 = %scan3A_8 to %scan3A_10 step %scan3A_11 iter_args(%scan3A_20 = %scan3A) -> (i32)  : i32 {
      %mul3A_21 = arith.constant 2 : i32
      %mul3A_22 = arith.muli %mul3A_21, %scan3A_19 : i32
      %add3A_23 = arith.constant 1 : i32
      %add3A_24 = arith.addi %mul3A_22, %add3A_23 : i32
      %mul3A_25 = arith.constant 50176 : i32
      %mul3A_26 = arith.muli %arg1, %mul3A_25 : i32
      %mul3A_27 = arith.constant 128 : i32
      %mul3A_28 = arith.muli %add3A_24, %mul3A_27 : i32
      %add3A_29 = arith.addi %mul3A_26, %mul3A_28 : i32
      "tpu.region"() ({
        %run_scoped3A = tpu.sem_alloc : memref<!tpu.dma_semaphore, #tpu.memory_space<semaphore_mem>>
        %dma_start3A_63 = tpu.memref_slice %arg3[%add3A_29] : memref<802816xi32, #tpu.memory_space<hbm>> -> memref<128xi32, #tpu.memory_space<hbm>>
        %dma_start3A_64 = tpu.memref_slice %arg3[%add3A_29] : memref<802816xi32, #tpu.memory_space<hbm>> -> memref<128xi32, #tpu.memory_space<hbm>>
        tpu.enqueue_dma source(%dma_start3A_64 : memref<128xi32, #tpu.memory_space<hbm>>) target(%arg9 : memref<128xi32, #tpu.memory_space<vmem>>) target_semaphore(%run_scoped3A : memref<!tpu.dma_semaphore, #tpu.memory_space<semaphore_mem>>)
        %dma_wait3A_65 = tpu.memref_slice %arg3[%add3A_29] : memref<802816xi32, #tpu.memory_space<hbm>> -> memref<128xi32, #tpu.memory_space<hbm>>
        %dma_wait3A_66 = tpu.memref_slice %arg3[%add3A_29] : memref<802816xi32, #tpu.memory_space<hbm>> -> memref<128xi32, #tpu.memory_space<hbm>>
        tpu.wait_dma2 semaphore(%run_scoped3A : memref<!tpu.dma_semaphore, #tpu.memory_space<semaphore_mem>>) src(%dma_wait3A_66 : memref<128xi32, #tpu.memory_space<hbm>>) dst(%arg9 : memref<128xi32, #tpu.memory_space<vmem>>)
        tpu.yield
      }) : () -> ()
      %dma_start3A_30 = arith.constant 0 : i32
      %dma_start3A_31 = arith.constant 0 : i32
      %dma_start3A_32 = tpu.memref_slice %arg2[%dma_start3A_30, %dma_start3A_31] : memref<50000x64xf32, #tpu.memory_space<hbm>> -> memref<50000x64xf32, #tpu.memory_space<hbm>>
      tpu.enqueue_indirect_dma source(%dma_start3A_32 : memref<50000x64xf32, #tpu.memory_space<hbm>>) target(%arg11 : memref<128x64xf32, #tpu.memory_space<vmem>>) offsets(%arg9 : memref<128xi32, #tpu.memory_space<vmem>>) semaphore(%arg14 : memref<!tpu.dma_semaphore, #tpu.memory_space<semaphore_mem>>)
      %mul3A_33 = arith.constant 2 : i32
      %mul3A_34 = arith.muli %mul3A_33, %scan3A_19 : i32
      %mul3A_35 = arith.constant 802816 : i32
      %mul3A_36 = arith.muli %arg0, %mul3A_35 : i32
      %mul3A_37 = arith.constant 50176 : i32
      %mul3A_38 = arith.muli %arg1, %mul3A_37 : i32
      %add3A_39 = arith.addi %mul3A_36, %mul3A_38 : i32
      %mul3A_40 = arith.constant 128 : i32
      %mul3A_41 = arith.muli %mul3A_34, %mul3A_40 : i32
      %add3A_42 = arith.addi %add3A_39, %mul3A_41 : i32
      "tpu.region"() ({
        %run_scoped3A = tpu.sem_alloc : memref<!tpu.dma_semaphore, #tpu.memory_space<semaphore_mem>>
        %dma_start3A_63 = tpu.memref_slice %arg4[%add3A_42] : memref<1605632xi32, #tpu.memory_space<hbm>> -> memref<128xi32, #tpu.memory_space<hbm>>
        %dma_start3A_64 = tpu.memref_slice %arg4[%add3A_42] : memref<1605632xi32, #tpu.memory_space<hbm>> -> memref<128xi32, #tpu.memory_space<hbm>>
        tpu.enqueue_dma source(%dma_start3A_64 : memref<128xi32, #tpu.memory_space<hbm>>) target(%arg12 : memref<128xi32, #tpu.memory_space<vmem>>) target_semaphore(%run_scoped3A : memref<!tpu.dma_semaphore, #tpu.memory_space<semaphore_mem>>)
        %dma_wait3A_65 = tpu.memref_slice %arg4[%add3A_42] : memref<1605632xi32, #tpu.memory_space<hbm>> -> memref<128xi32, #tpu.memory_space<hbm>>
        %dma_wait3A_66 = tpu.memref_slice %arg4[%add3A_42] : memref<1605632xi32, #tpu.memory_space<hbm>> -> memref<128xi32, #tpu.memory_space<hbm>>
        tpu.wait_dma2 semaphore(%run_scoped3A : memref<!tpu.dma_semaphore, #tpu.memory_space<semaphore_mem>>) src(%dma_wait3A_66 : memref<128xi32, #tpu.memory_space<hbm>>) dst(%arg12 : memref<128xi32, #tpu.memory_space<vmem>>)
        tpu.yield
      }) : () -> ()
      %dma_wait3A = arith.constant 0 : i32
      %dma_wait3A_43 = arith.constant 0 : i32
      %dma_wait3A_44 = tpu.memref_slice %arg2[%dma_wait3A, %dma_wait3A_43] : memref<50000x64xf32, #tpu.memory_space<hbm>> -> memref<50000x64xf32, #tpu.memory_space<hbm>>
      tpu.wait_indirect_dma semaphore(%arg13 : memref<!tpu.dma_semaphore, #tpu.memory_space<semaphore_mem>>) src(%dma_wait3A_44 : memref<50000x64xf32, #tpu.memory_space<hbm>>) dst(%arg10 : memref<128x64xf32, #tpu.memory_space<vmem>>)
      "tpu.region"() ({
        %run_scoped3A = tpu.sem_alloc : memref<!tpu.dma_semaphore, #tpu.memory_space<semaphore_mem>>
        %dma_start3A_63 = arith.constant 0 : i32
        %dma_start3A_64 = arith.constant 0 : i32
        %dma_start3A_65 = tpu.memref_slice %arg7[%dma_start3A_63, %dma_start3A_64] : memref<25088x64xf32, #tpu.memory_space<vmem_shared>> -> memref<25088x64xf32, #tpu.memory_space<vmem_shared>>
        tpu.enqueue_indirect_dma source(%arg10 : memref<128x64xf32, #tpu.memory_space<vmem>>) target(%dma_start3A_65 : memref<25088x64xf32, #tpu.memory_space<vmem_shared>>) offsets(%arg12 : memref<128xi32, #tpu.memory_space<vmem>>) semaphore(%run_scoped3A : memref<!tpu.dma_semaphore, #tpu.memory_space<semaphore_mem>>) {add = true}
        %dma_wait3A_66 = arith.constant 0 : i32
        %dma_wait3A_67 = arith.constant 0 : i32
        %dma_wait3A_68 = tpu.memref_slice %arg7[%dma_wait3A_66, %dma_wait3A_67] : memref<25088x64xf32, #tpu.memory_space<vmem_shared>> -> memref<25088x64xf32, #tpu.memory_space<vmem_shared>>
        tpu.wait_indirect_dma semaphore(%run_scoped3A : memref<!tpu.dma_semaphore, #tpu.memory_space<semaphore_mem>>) src(%arg10 : memref<128x64xf32, #tpu.memory_space<vmem>>) dst(%dma_wait3A_68 : memref<25088x64xf32, #tpu.memory_space<vmem_shared>>)
        tpu.yield
      }) : () -> ()
      %lt3A = arith.constant 195 : i32
      %lt3A_45 = arith.cmpi slt, %scan3A_19, %lt3A : i32
      %convert_element_type3A = arith.extui %lt3A_45 : i1 to i32
      %cond3A = arith.constant 0 : i32
      %cond3A_46 = arith.cmpi ne, %convert_element_type3A, %cond3A : i32
      scf.if %cond3A_46 {
        %mul3A_63 = arith.constant 2 : i32
        %mul3A_64 = arith.muli %mul3A_63, %scan3A_19 : i32
        %add3A_65 = arith.constant 2 : i32
        %add3A_66 = arith.addi %mul3A_64, %add3A_65 : i32
        %mul3A_67 = arith.constant 50176 : i32
        %mul3A_68 = arith.muli %arg1, %mul3A_67 : i32
        %mul3A_69 = arith.constant 128 : i32
        %mul3A_70 = arith.muli %add3A_66, %mul3A_69 : i32
        %add3A_71 = arith.addi %mul3A_68, %mul3A_70 : i32
        "tpu.region"() ({
          %run_scoped3A = tpu.sem_alloc : memref<!tpu.dma_semaphore, #tpu.memory_space<semaphore_mem>>
          %dma_start3A_75 = tpu.memref_slice %arg3[%add3A_71] : memref<802816xi32, #tpu.memory_space<hbm>> -> memref<128xi32, #tpu.memory_space<hbm>>
          %dma_start3A_76 = tpu.memref_slice %arg3[%add3A_71] : memref<802816xi32, #tpu.memory_space<hbm>> -> memref<128xi32, #tpu.memory_space<hbm>>
          tpu.enqueue_dma source(%dma_start3A_76 : memref<128xi32, #tpu.memory_space<hbm>>) target(%arg8 : memref<128xi32, #tpu.memory_space<vmem>>) target_semaphore(%run_scoped3A : memref<!tpu.dma_semaphore, #tpu.memory_space<semaphore_mem>>)
          %dma_wait3A_77 = tpu.memref_slice %arg3[%add3A_71] : memref<802816xi32, #tpu.memory_space<hbm>> -> memref<128xi32, #tpu.memory_space<hbm>>
          %dma_wait3A_78 = tpu.memref_slice %arg3[%add3A_71] : memref<802816xi32, #tpu.memory_space<hbm>> -> memref<128xi32, #tpu.memory_space<hbm>>
          tpu.wait_dma2 semaphore(%run_scoped3A : memref<!tpu.dma_semaphore, #tpu.memory_space<semaphore_mem>>) src(%dma_wait3A_78 : memref<128xi32, #tpu.memory_space<hbm>>) dst(%arg8 : memref<128xi32, #tpu.memory_space<vmem>>)
          tpu.yield
        }) : () -> ()
        %dma_start3A_72 = arith.constant 0 : i32
        %dma_start3A_73 = arith.constant 0 : i32
        %dma_start3A_74 = tpu.memref_slice %arg2[%dma_start3A_72, %dma_start3A_73] : memref<50000x64xf32, #tpu.memory_space<hbm>> -> memref<50000x64xf32, #tpu.memory_space<hbm>>
        tpu.enqueue_indirect_dma source(%dma_start3A_74 : memref<50000x64xf32, #tpu.memory_space<hbm>>) target(%arg10 : memref<128x64xf32, #tpu.memory_space<vmem>>) offsets(%arg8 : memref<128xi32, #tpu.memory_space<vmem>>) semaphore(%arg13 : memref<!tpu.dma_semaphore, #tpu.memory_space<semaphore_mem>>)
      } else {
      }
      %mul3A_47 = arith.constant 2 : i32
      %mul3A_48 = arith.muli %mul3A_47, %scan3A_19 : i32
      %add3A_49 = arith.constant 1 : i32
      %add3A_50 = arith.addi %mul3A_48, %add3A_49 : i32
      %mul3A_51 = arith.constant 802816 : i32
      %mul3A_52 = arith.muli %arg0, %mul3A_51 : i32
      %mul3A_53 = arith.constant 50176 : i32
      %mul3A_54 = arith.muli %arg1, %mul3A_53 : i32
      %add3A_55 = arith.addi %mul3A_52, %mul3A_54 : i32
      %mul3A_56 = arith.constant 128 : i32
      %mul3A_57 = arith.muli %add3A_50, %mul3A_56 : i32
      %add3A_58 = arith.addi %add3A_55, %mul3A_57 : i32
      "tpu.region"() ({
        %run_scoped3A = tpu.sem_alloc : memref<!tpu.dma_semaphore, #tpu.memory_space<semaphore_mem>>
        %dma_start3A_63 = tpu.memref_slice %arg4[%add3A_58] : memref<1605632xi32, #tpu.memory_space<hbm>> -> memref<128xi32, #tpu.memory_space<hbm>>
        %dma_start3A_64 = tpu.memref_slice %arg4[%add3A_58] : memref<1605632xi32, #tpu.memory_space<hbm>> -> memref<128xi32, #tpu.memory_space<hbm>>
        tpu.enqueue_dma source(%dma_start3A_64 : memref<128xi32, #tpu.memory_space<hbm>>) target(%arg12 : memref<128xi32, #tpu.memory_space<vmem>>) target_semaphore(%run_scoped3A : memref<!tpu.dma_semaphore, #tpu.memory_space<semaphore_mem>>)
        %dma_wait3A_65 = tpu.memref_slice %arg4[%add3A_58] : memref<1605632xi32, #tpu.memory_space<hbm>> -> memref<128xi32, #tpu.memory_space<hbm>>
        %dma_wait3A_66 = tpu.memref_slice %arg4[%add3A_58] : memref<1605632xi32, #tpu.memory_space<hbm>> -> memref<128xi32, #tpu.memory_space<hbm>>
        tpu.wait_dma2 semaphore(%run_scoped3A : memref<!tpu.dma_semaphore, #tpu.memory_space<semaphore_mem>>) src(%dma_wait3A_66 : memref<128xi32, #tpu.memory_space<hbm>>) dst(%arg12 : memref<128xi32, #tpu.memory_space<vmem>>)
        tpu.yield
      }) : () -> ()
      %dma_wait3A_59 = arith.constant 0 : i32
      %dma_wait3A_60 = arith.constant 0 : i32
      %dma_wait3A_61 = tpu.memref_slice %arg2[%dma_wait3A_59, %dma_wait3A_60] : memref<50000x64xf32, #tpu.memory_space<hbm>> -> memref<50000x64xf32, #tpu.memory_space<hbm>>
      tpu.wait_indirect_dma semaphore(%arg14 : memref<!tpu.dma_semaphore, #tpu.memory_space<semaphore_mem>>) src(%dma_wait3A_61 : memref<50000x64xf32, #tpu.memory_space<hbm>>) dst(%arg11 : memref<128x64xf32, #tpu.memory_space<vmem>>)
      "tpu.region"() ({
        %run_scoped3A = tpu.sem_alloc : memref<!tpu.dma_semaphore, #tpu.memory_space<semaphore_mem>>
        %dma_start3A_63 = arith.constant 0 : i32
        %dma_start3A_64 = arith.constant 0 : i32
        %dma_start3A_65 = tpu.memref_slice %arg7[%dma_start3A_63, %dma_start3A_64] : memref<25088x64xf32, #tpu.memory_space<vmem_shared>> -> memref<25088x64xf32, #tpu.memory_space<vmem_shared>>
        tpu.enqueue_indirect_dma source(%arg11 : memref<128x64xf32, #tpu.memory_space<vmem>>) target(%dma_start3A_65 : memref<25088x64xf32, #tpu.memory_space<vmem_shared>>) offsets(%arg12 : memref<128xi32, #tpu.memory_space<vmem>>) semaphore(%run_scoped3A : memref<!tpu.dma_semaphore, #tpu.memory_space<semaphore_mem>>) {add = true}
        %dma_wait3A_66 = arith.constant 0 : i32
        %dma_wait3A_67 = arith.constant 0 : i32
        %dma_wait3A_68 = tpu.memref_slice %arg7[%dma_wait3A_66, %dma_wait3A_67] : memref<25088x64xf32, #tpu.memory_space<vmem_shared>> -> memref<25088x64xf32, #tpu.memory_space<vmem_shared>>
        tpu.wait_indirect_dma semaphore(%run_scoped3A : memref<!tpu.dma_semaphore, #tpu.memory_space<semaphore_mem>>) src(%arg11 : memref<128x64xf32, #tpu.memory_space<vmem>>) dst(%dma_wait3A_68 : memref<25088x64xf32, #tpu.memory_space<vmem_shared>>)
        tpu.yield
      }) : () -> ()
      %scan3A_62 = arith.constant 0 : i32
      scf.yield %scan3A_62 : i32
    }
    %scan3A_13 = arith.constant 196 : i32
    %barrier3A_14 = arith.constant 0 : index
    tpu.barrier barrier_id(%barrier3A_14)
    %mul3A_15 = arith.constant 1568 : i32
    %mul3A_16 = arith.muli %arg1, %mul3A_15 : i32
    %mul3A_17 = arith.constant 1568 : i32
    %mul3A_18 = arith.muli %arg1, %mul3A_17 : i32
    "tpu.region"() ({
      %run_scoped3A = tpu.sem_alloc : memref<!tpu.dma_semaphore, #tpu.memory_space<semaphore_mem>>
      %dma_start3A_19 = arith.constant 0 : i32
      %dma_start3A_20 = tpu.memref_slice %arg6[%arg0, %mul3A_18, %dma_start3A_19] : memref<2x25088x64xf32, #tpu.memory_space<hbm>> -> memref<1x1568x64xf32, #tpu.memory_space<hbm>>
      %dma_start3A_21 = tpu.memref_squeeze %dma_start3A_20 : memref<1x1568x64xf32, #tpu.memory_space<hbm>> -> memref<1568x64xf32, #tpu.memory_space<hbm>>
      %dma_start3A_22 = arith.constant 0 : i32
      %dma_start3A_23 = tpu.memref_slice %arg7[%mul3A_16, %dma_start3A_22] : memref<25088x64xf32, #tpu.memory_space<vmem_shared>> -> memref<1568x64xf32, #tpu.memory_space<vmem_shared>>
      tpu.enqueue_dma source(%dma_start3A_23 : memref<1568x64xf32, #tpu.memory_space<vmem_shared>>) target(%dma_start3A_21 : memref<1568x64xf32, #tpu.memory_space<hbm>>) target_semaphore(%run_scoped3A : memref<!tpu.dma_semaphore, #tpu.memory_space<semaphore_mem>>)
      %dma_wait3A = arith.constant 0 : i32
      %dma_wait3A_24 = tpu.memref_slice %arg6[%arg0, %mul3A_18, %dma_wait3A] : memref<2x25088x64xf32, #tpu.memory_space<hbm>> -> memref<1x1568x64xf32, #tpu.memory_space<hbm>>
      %dma_wait3A_25 = tpu.memref_squeeze %dma_wait3A_24 : memref<1x1568x64xf32, #tpu.memory_space<hbm>> -> memref<1568x64xf32, #tpu.memory_space<hbm>>
      %dma_wait3A_26 = arith.constant 0 : i32
      %dma_wait3A_27 = tpu.memref_slice %arg7[%mul3A_16, %dma_wait3A_26] : memref<25088x64xf32, #tpu.memory_space<vmem_shared>> -> memref<1568x64xf32, #tpu.memory_space<vmem_shared>>
      tpu.wait_dma2 semaphore(%run_scoped3A : memref<!tpu.dma_semaphore, #tpu.memory_space<semaphore_mem>>) src(%dma_wait3A_27 : memref<1568x64xf32, #tpu.memory_space<vmem_shared>>) dst(%dma_wait3A_25 : memref<1568x64xf32, #tpu.memory_space<hbm>>)
      tpu.yield
    }) : () -> ()
    return
  }
}

#map = affine_map<(d0, d1) -> (0, 0)>
#map1 = affine_map<(d0, d1) -> (0)>
#map2 = affine_map<(d0, d1) -> (0, 0, 0)>
module attributes {stable_mosaic.version = 14 : i64} {
  func.func @_segsum_body(%arg0: i32, %arg1: i32, %arg2: memref<50000x64xf32, #tpu.memory_space<hbm>>, %arg3: memref<802816xi32, #tpu.memory_space<hbm>>, %arg4: memref<1605632xi32, #tpu.memory_space<hbm>>, %arg5: memref<25088x64xf32, #tpu.memory_space<hbm>>, %arg6: memref<2x25088x64xf32, #tpu.memory_space<hbm>>, %arg7: memref<25088x64xf32, #tpu.memory_space<vmem_shared>>, %arg8: memref<128xi32, #tpu.memory_space<vmem>>, %arg9: memref<128xi32, #tpu.memory_space<vmem>>, %arg10: memref<128x64xf32, #tpu.memory_space<vmem>>, %arg11: memref<128x64xf32, #tpu.memory_space<vmem>>, %arg12: memref<128xi32, #tpu.memory_space<vmem>>, %arg13: memref<!tpu.dma_semaphore, #tpu.memory_space<semaphore_mem>>, %arg14: memref<!tpu.dma_semaphore, #tpu.memory_space<semaphore_mem>>) attributes {dimension_semantics = [#tpu.dimension_semantics<core_parallel>, #tpu.dimension_semantics<subcore_parallel>], iteration_bounds = array<i64: 2, 16>, scalar_prefetch = 0 : i64, scratch_operands = 8 : i64, tpu.core_type = #tpu.core_type<sc_vector_subcore>, window_params = [{transform_indices = #map}, {transform_indices = #map1}, {transform_indices = #map1}, {transform_indices = #map}, {transform_indices = #map2}]} {
    %mul3A = arith.constant 1568 : i32
    %mul3A_0 = arith.muli %arg1, %mul3A : i32
    %mul3A_1 = arith.constant 1568 : i32
    %mul3A_2 = arith.muli %arg1, %mul3A_1 : i32
    "tpu.region"() ({
      %run_scoped3A = tpu.sem_alloc : memref<!tpu.dma_semaphore, #tpu.memory_space<semaphore_mem>>
      %dma_start3A_19 = arith.constant 0 : i32
      %dma_start3A_20 = tpu.memref_slice %arg7[%mul3A_2, %dma_start3A_19] : memref<25088x64xf32, #tpu.memory_space<vmem_shared>> -> memref<1568x64xf32, #tpu.memory_space<vmem_shared>>
      %dma_start3A_21 = arith.constant 0 : i32
      %dma_start3A_22 = tpu.memref_slice %arg5[%mul3A_0, %dma_start3A_21] : memref<25088x64xf32, #tpu.memory_space<hbm>> -> memref<1568x64xf32, #tpu.memory_space<hbm>>
      tpu.enqueue_dma source(%dma_start3A_22 : memref<1568x64xf32, #tpu.memory_space<hbm>>) target(%dma_start3A_20 : memref<1568x64xf32, #tpu.memory_space<vmem_shared>>) target_semaphore(%run_scoped3A : memref<!tpu.dma_semaphore, #tpu.memory_space<semaphore_mem>>)
      %dma_wait3A = arith.constant 0 : i32
      %dma_wait3A_23 = tpu.memref_slice %arg7[%mul3A_2, %dma_wait3A] : memref<25088x64xf32, #tpu.memory_space<vmem_shared>> -> memref<1568x64xf32, #tpu.memory_space<vmem_shared>>
      %dma_wait3A_24 = arith.constant 0 : i32
      %dma_wait3A_25 = tpu.memref_slice %arg5[%mul3A_0, %dma_wait3A_24] : memref<25088x64xf32, #tpu.memory_space<hbm>> -> memref<1568x64xf32, #tpu.memory_space<hbm>>
      tpu.wait_dma2 semaphore(%run_scoped3A : memref<!tpu.dma_semaphore, #tpu.memory_space<semaphore_mem>>) src(%dma_wait3A_25 : memref<1568x64xf32, #tpu.memory_space<hbm>>) dst(%dma_wait3A_23 : memref<1568x64xf32, #tpu.memory_space<vmem_shared>>)
      tpu.yield
    }) : () -> ()
    %barrier3A = arith.constant 0 : index
    tpu.barrier barrier_id(%barrier3A)
    %mul3A_3 = arith.constant 50176 : i32
    %mul3A_4 = arith.muli %arg1, %mul3A_3 : i32
    %add3A = arith.constant 0 : i32
    %add3A_5 = arith.addi %mul3A_4, %add3A : i32
    "tpu.region"() ({
      %run_scoped3A = tpu.sem_alloc : memref<!tpu.dma_semaphore, #tpu.memory_space<semaphore_mem>>
      %dma_start3A_19 = tpu.memref_slice %arg3[%add3A_5] : memref<802816xi32, #tpu.memory_space<hbm>> -> memref<128xi32, #tpu.memory_space<hbm>>
      %dma_start3A_20 = tpu.memref_slice %arg3[%add3A_5] : memref<802816xi32, #tpu.memory_space<hbm>> -> memref<128xi32, #tpu.memory_space<hbm>>
      tpu.enqueue_dma source(%dma_start3A_20 : memref<128xi32, #tpu.memory_space<hbm>>) target(%arg8 : memref<128xi32, #tpu.memory_space<vmem>>) target_semaphore(%run_scoped3A : memref<!tpu.dma_semaphore, #tpu.memory_space<semaphore_mem>>)
      %dma_wait3A = tpu.memref_slice %arg3[%add3A_5] : memref<802816xi32, #tpu.memory_space<hbm>> -> memref<128xi32, #tpu.memory_space<hbm>>
      %dma_wait3A_21 = tpu.memref_slice %arg3[%add3A_5] : memref<802816xi32, #tpu.memory_space<hbm>> -> memref<128xi32, #tpu.memory_space<hbm>>
      tpu.wait_dma2 semaphore(%run_scoped3A : memref<!tpu.dma_semaphore, #tpu.memory_space<semaphore_mem>>) src(%dma_wait3A_21 : memref<128xi32, #tpu.memory_space<hbm>>) dst(%arg8 : memref<128xi32, #tpu.memory_space<vmem>>)
      tpu.yield
    }) : () -> ()
    %dma_start3A = arith.constant 0 : i32
    %dma_start3A_6 = arith.constant 0 : i32
    %dma_start3A_7 = tpu.memref_slice %arg2[%dma_start3A, %dma_start3A_6] : memref<50000x64xf32, #tpu.memory_space<hbm>> -> memref<50000x64xf32, #tpu.memory_space<hbm>>
    tpu.enqueue_indirect_dma source(%dma_start3A_7 : memref<50000x64xf32, #tpu.memory_space<hbm>>) target(%arg10 : memref<128x64xf32, #tpu.memory_space<vmem>>) offsets(%arg8 : memref<128xi32, #tpu.memory_space<vmem>>) semaphore(%arg13 : memref<!tpu.dma_semaphore, #tpu.memory_space<semaphore_mem>>)
    %scan3A = arith.constant 0 : i32
    %scan3A_8 = arith.constant 0 : i32
    %scan3A_9 = arith.constant 196 : i32
    %scan3A_10 = arith.addi %scan3A_8, %scan3A_9 : i32
    %scan3A_11 = arith.constant 1 : i32
    %scan3A_12 = scf.for %scan3A_19 = %scan3A_8 to %scan3A_10 step %scan3A_11 iter_args(%scan3A_20 = %scan3A) -> (i32)  : i32 {
      %mul3A_21 = arith.constant 2 : i32
      %mul3A_22 = arith.muli %mul3A_21, %scan3A_19 : i32
      %add3A_23 = arith.constant 1 : i32
      %add3A_24 = arith.addi %mul3A_22, %add3A_23 : i32
      %mul3A_25 = arith.constant 50176 : i32
      %mul3A_26 = arith.muli %arg1, %mul3A_25 : i32
      %mul3A_27 = arith.constant 128 : i32
      %mul3A_28 = arith.muli %add3A_24, %mul3A_27 : i32
      %add3A_29 = arith.addi %mul3A_26, %mul3A_28 : i32
      "tpu.region"() ({
        %run_scoped3A = tpu.sem_alloc : memref<!tpu.dma_semaphore, #tpu.memory_space<semaphore_mem>>
        %dma_start3A_63 = tpu.memref_slice %arg3[%add3A_29] : memref<802816xi32, #tpu.memory_space<hbm>> -> memref<128xi32, #tpu.memory_space<hbm>>
        %dma_start3A_64 = tpu.memref_slice %arg3[%add3A_29] : memref<802816xi32, #tpu.memory_space<hbm>> -> memref<128xi32, #tpu.memory_space<hbm>>
        tpu.enqueue_dma source(%dma_start3A_64 : memref<128xi32, #tpu.memory_space<hbm>>) target(%arg9 : memref<128xi32, #tpu.memory_space<vmem>>) target_semaphore(%run_scoped3A : memref<!tpu.dma_semaphore, #tpu.memory_space<semaphore_mem>>)
        %dma_wait3A_65 = tpu.memref_slice %arg3[%add3A_29] : memref<802816xi32, #tpu.memory_space<hbm>> -> memref<128xi32, #tpu.memory_space<hbm>>
        %dma_wait3A_66 = tpu.memref_slice %arg3[%add3A_29] : memref<802816xi32, #tpu.memory_space<hbm>> -> memref<128xi32, #tpu.memory_space<hbm>>
        tpu.wait_dma2 semaphore(%run_scoped3A : memref<!tpu.dma_semaphore, #tpu.memory_space<semaphore_mem>>) src(%dma_wait3A_66 : memref<128xi32, #tpu.memory_space<hbm>>) dst(%arg9 : memref<128xi32, #tpu.memory_space<vmem>>)
        tpu.yield
      }) : () -> ()
      %dma_start3A_30 = arith.constant 0 : i32
      %dma_start3A_31 = arith.constant 0 : i32
      %dma_start3A_32 = tpu.memref_slice %arg2[%dma_start3A_30, %dma_start3A_31] : memref<50000x64xf32, #tpu.memory_space<hbm>> -> memref<50000x64xf32, #tpu.memory_space<hbm>>
      tpu.enqueue_indirect_dma source(%dma_start3A_32 : memref<50000x64xf32, #tpu.memory_space<hbm>>) target(%arg11 : memref<128x64xf32, #tpu.memory_space<vmem>>) offsets(%arg9 : memref<128xi32, #tpu.memory_space<vmem>>) semaphore(%arg14 : memref<!tpu.dma_semaphore, #tpu.memory_space<semaphore_mem>>)
      %mul3A_33 = arith.constant 2 : i32
      %mul3A_34 = arith.muli %mul3A_33, %scan3A_19 : i32
      %mul3A_35 = arith.constant 802816 : i32
      %mul3A_36 = arith.muli %arg0, %mul3A_35 : i32
      %mul3A_37 = arith.constant 50176 : i32
      %mul3A_38 = arith.muli %arg1, %mul3A_37 : i32
      %add3A_39 = arith.addi %mul3A_36, %mul3A_38 : i32
      %mul3A_40 = arith.constant 128 : i32
      %mul3A_41 = arith.muli %mul3A_34, %mul3A_40 : i32
      %add3A_42 = arith.addi %add3A_39, %mul3A_41 : i32
      "tpu.region"() ({
        %run_scoped3A = tpu.sem_alloc : memref<!tpu.dma_semaphore, #tpu.memory_space<semaphore_mem>>
        %dma_start3A_63 = tpu.memref_slice %arg4[%add3A_42] : memref<1605632xi32, #tpu.memory_space<hbm>> -> memref<128xi32, #tpu.memory_space<hbm>>
        %dma_start3A_64 = tpu.memref_slice %arg4[%add3A_42] : memref<1605632xi32, #tpu.memory_space<hbm>> -> memref<128xi32, #tpu.memory_space<hbm>>
        tpu.enqueue_dma source(%dma_start3A_64 : memref<128xi32, #tpu.memory_space<hbm>>) target(%arg12 : memref<128xi32, #tpu.memory_space<vmem>>) target_semaphore(%run_scoped3A : memref<!tpu.dma_semaphore, #tpu.memory_space<semaphore_mem>>)
        %dma_wait3A_65 = tpu.memref_slice %arg4[%add3A_42] : memref<1605632xi32, #tpu.memory_space<hbm>> -> memref<128xi32, #tpu.memory_space<hbm>>
        %dma_wait3A_66 = tpu.memref_slice %arg4[%add3A_42] : memref<1605632xi32, #tpu.memory_space<hbm>> -> memref<128xi32, #tpu.memory_space<hbm>>
        tpu.wait_dma2 semaphore(%run_scoped3A : memref<!tpu.dma_semaphore, #tpu.memory_space<semaphore_mem>>) src(%dma_wait3A_66 : memref<128xi32, #tpu.memory_space<hbm>>) dst(%arg12 : memref<128xi32, #tpu.memory_space<vmem>>)
        tpu.yield
      }) : () -> ()
      %dma_wait3A = arith.constant 0 : i32
      %dma_wait3A_43 = arith.constant 0 : i32
      %dma_wait3A_44 = tpu.memref_slice %arg2[%dma_wait3A, %dma_wait3A_43] : memref<50000x64xf32, #tpu.memory_space<hbm>> -> memref<50000x64xf32, #tpu.memory_space<hbm>>
      tpu.wait_indirect_dma semaphore(%arg13 : memref<!tpu.dma_semaphore, #tpu.memory_space<semaphore_mem>>) src(%dma_wait3A_44 : memref<50000x64xf32, #tpu.memory_space<hbm>>) dst(%arg10 : memref<128x64xf32, #tpu.memory_space<vmem>>)
      "tpu.region"() ({
        %run_scoped3A = tpu.sem_alloc : memref<!tpu.dma_semaphore, #tpu.memory_space<semaphore_mem>>
        %dma_start3A_63 = arith.constant 0 : i32
        %dma_start3A_64 = arith.constant 0 : i32
        %dma_start3A_65 = tpu.memref_slice %arg7[%dma_start3A_63, %dma_start3A_64] : memref<25088x64xf32, #tpu.memory_space<vmem_shared>> -> memref<25088x64xf32, #tpu.memory_space<vmem_shared>>
        tpu.enqueue_indirect_dma source(%arg10 : memref<128x64xf32, #tpu.memory_space<vmem>>) target(%dma_start3A_65 : memref<25088x64xf32, #tpu.memory_space<vmem_shared>>) offsets(%arg12 : memref<128xi32, #tpu.memory_space<vmem>>) semaphore(%run_scoped3A : memref<!tpu.dma_semaphore, #tpu.memory_space<semaphore_mem>>) {add = true}
        %dma_wait3A_66 = arith.constant 0 : i32
        %dma_wait3A_67 = arith.constant 0 : i32
        %dma_wait3A_68 = tpu.memref_slice %arg7[%dma_wait3A_66, %dma_wait3A_67] : memref<25088x64xf32, #tpu.memory_space<vmem_shared>> -> memref<25088x64xf32, #tpu.memory_space<vmem_shared>>
        tpu.wait_indirect_dma semaphore(%run_scoped3A : memref<!tpu.dma_semaphore, #tpu.memory_space<semaphore_mem>>) src(%arg10 : memref<128x64xf32, #tpu.memory_space<vmem>>) dst(%dma_wait3A_68 : memref<25088x64xf32, #tpu.memory_space<vmem_shared>>)
        tpu.yield
      }) : () -> ()
      %lt3A = arith.constant 195 : i32
      %lt3A_45 = arith.cmpi slt, %scan3A_19, %lt3A : i32
      %convert_element_type3A = arith.extui %lt3A_45 : i1 to i32
      %cond3A = arith.constant 0 : i32
      %cond3A_46 = arith.cmpi ne, %convert_element_type3A, %cond3A : i32
      scf.if %cond3A_46 {
        %mul3A_63 = arith.constant 2 : i32
        %mul3A_64 = arith.muli %mul3A_63, %scan3A_19 : i32
        %add3A_65 = arith.constant 2 : i32
        %add3A_66 = arith.addi %mul3A_64, %add3A_65 : i32
        %mul3A_67 = arith.constant 50176 : i32
        %mul3A_68 = arith.muli %arg1, %mul3A_67 : i32
        %mul3A_69 = arith.constant 128 : i32
        %mul3A_70 = arith.muli %add3A_66, %mul3A_69 : i32
        %add3A_71 = arith.addi %mul3A_68, %mul3A_70 : i32
        "tpu.region"() ({
          %run_scoped3A = tpu.sem_alloc : memref<!tpu.dma_semaphore, #tpu.memory_space<semaphore_mem>>
          %dma_start3A_75 = tpu.memref_slice %arg3[%add3A_71] : memref<802816xi32, #tpu.memory_space<hbm>> -> memref<128xi32, #tpu.memory_space<hbm>>
          %dma_start3A_76 = tpu.memref_slice %arg3[%add3A_71] : memref<802816xi32, #tpu.memory_space<hbm>> -> memref<128xi32, #tpu.memory_space<hbm>>
          tpu.enqueue_dma source(%dma_start3A_76 : memref<128xi32, #tpu.memory_space<hbm>>) target(%arg8 : memref<128xi32, #tpu.memory_space<vmem>>) target_semaphore(%run_scoped3A : memref<!tpu.dma_semaphore, #tpu.memory_space<semaphore_mem>>)
          %dma_wait3A_77 = tpu.memref_slice %arg3[%add3A_71] : memref<802816xi32, #tpu.memory_space<hbm>> -> memref<128xi32, #tpu.memory_space<hbm>>
          %dma_wait3A_78 = tpu.memref_slice %arg3[%add3A_71] : memref<802816xi32, #tpu.memory_space<hbm>> -> memref<128xi32, #tpu.memory_space<hbm>>
          tpu.wait_dma2 semaphore(%run_scoped3A : memref<!tpu.dma_semaphore, #tpu.memory_space<semaphore_mem>>) src(%dma_wait3A_78 : memref<128xi32, #tpu.memory_space<hbm>>) dst(%arg8 : memref<128xi32, #tpu.memory_space<vmem>>)
          tpu.yield
        }) : () -> ()
        %dma_start3A_72 = arith.constant 0 : i32
        %dma_start3A_73 = arith.constant 0 : i32
        %dma_start3A_74 = tpu.memref_slice %arg2[%dma_start3A_72, %dma_start3A_73] : memref<50000x64xf32, #tpu.memory_space<hbm>> -> memref<50000x64xf32, #tpu.memory_space<hbm>>
        tpu.enqueue_indirect_dma source(%dma_start3A_74 : memref<50000x64xf32, #tpu.memory_space<hbm>>) target(%arg10 : memref<128x64xf32, #tpu.memory_space<vmem>>) offsets(%arg8 : memref<128xi32, #tpu.memory_space<vmem>>) semaphore(%arg13 : memref<!tpu.dma_semaphore, #tpu.memory_space<semaphore_mem>>)
      } else {
      }
      %mul3A_47 = arith.constant 2 : i32
      %mul3A_48 = arith.muli %mul3A_47, %scan3A_19 : i32
      %add3A_49 = arith.constant 1 : i32
      %add3A_50 = arith.addi %mul3A_48, %add3A_49 : i32
      %mul3A_51 = arith.constant 802816 : i32
      %mul3A_52 = arith.muli %arg0, %mul3A_51 : i32
      %mul3A_53 = arith.constant 50176 : i32
      %mul3A_54 = arith.muli %arg1, %mul3A_53 : i32
      %add3A_55 = arith.addi %mul3A_52, %mul3A_54 : i32
      %mul3A_56 = arith.constant 128 : i32
      %mul3A_57 = arith.muli %add3A_50, %mul3A_56 : i32
      %add3A_58 = arith.addi %add3A_55, %mul3A_57 : i32
      "tpu.region"() ({
        %run_scoped3A = tpu.sem_alloc : memref<!tpu.dma_semaphore, #tpu.memory_space<semaphore_mem>>
        %dma_start3A_63 = tpu.memref_slice %arg4[%add3A_58] : memref<1605632xi32, #tpu.memory_space<hbm>> -> memref<128xi32, #tpu.memory_space<hbm>>
        %dma_start3A_64 = tpu.memref_slice %arg4[%add3A_58] : memref<1605632xi32, #tpu.memory_space<hbm>> -> memref<128xi32, #tpu.memory_space<hbm>>
        tpu.enqueue_dma source(%dma_start3A_64 : memref<128xi32, #tpu.memory_space<hbm>>) target(%arg12 : memref<128xi32, #tpu.memory_space<vmem>>) target_semaphore(%run_scoped3A : memref<!tpu.dma_semaphore, #tpu.memory_space<semaphore_mem>>)
        %dma_wait3A_65 = tpu.memref_slice %arg4[%add3A_58] : memref<1605632xi32, #tpu.memory_space<hbm>> -> memref<128xi32, #tpu.memory_space<hbm>>
        %dma_wait3A_66 = tpu.memref_slice %arg4[%add3A_58] : memref<1605632xi32, #tpu.memory_space<hbm>> -> memref<128xi32, #tpu.memory_space<hbm>>
        tpu.wait_dma2 semaphore(%run_scoped3A : memref<!tpu.dma_semaphore, #tpu.memory_space<semaphore_mem>>) src(%dma_wait3A_66 : memref<128xi32, #tpu.memory_space<hbm>>) dst(%arg12 : memref<128xi32, #tpu.memory_space<vmem>>)
        tpu.yield
      }) : () -> ()
      %dma_wait3A_59 = arith.constant 0 : i32
      %dma_wait3A_60 = arith.constant 0 : i32
      %dma_wait3A_61 = tpu.memref_slice %arg2[%dma_wait3A_59, %dma_wait3A_60] : memref<50000x64xf32, #tpu.memory_space<hbm>> -> memref<50000x64xf32, #tpu.memory_space<hbm>>
      tpu.wait_indirect_dma semaphore(%arg14 : memref<!tpu.dma_semaphore, #tpu.memory_space<semaphore_mem>>) src(%dma_wait3A_61 : memref<50000x64xf32, #tpu.memory_space<hbm>>) dst(%arg11 : memref<128x64xf32, #tpu.memory_space<vmem>>)
      "tpu.region"() ({
        %run_scoped3A = tpu.sem_alloc : memref<!tpu.dma_semaphore, #tpu.memory_space<semaphore_mem>>
        %dma_start3A_63 = arith.constant 0 : i32
        %dma_start3A_64 = arith.constant 0 : i32
        %dma_start3A_65 = tpu.memref_slice %arg7[%dma_start3A_63, %dma_start3A_64] : memref<25088x64xf32, #tpu.memory_space<vmem_shared>> -> memref<25088x64xf32, #tpu.memory_space<vmem_shared>>
        tpu.enqueue_indirect_dma source(%arg11 : memref<128x64xf32, #tpu.memory_space<vmem>>) target(%dma_start3A_65 : memref<25088x64xf32, #tpu.memory_space<vmem_shared>>) offsets(%arg12 : memref<128xi32, #tpu.memory_space<vmem>>) semaphore(%run_scoped3A : memref<!tpu.dma_semaphore, #tpu.memory_space<semaphore_mem>>) {add = true}
        %dma_wait3A_66 = arith.constant 0 : i32
        %dma_wait3A_67 = arith.constant 0 : i32
        %dma_wait3A_68 = tpu.memref_slice %arg7[%dma_wait3A_66, %dma_wait3A_67] : memref<25088x64xf32, #tpu.memory_space<vmem_shared>> -> memref<25088x64xf32, #tpu.memory_space<vmem_shared>>
        tpu.wait_indirect_dma semaphore(%run_scoped3A : memref<!tpu.dma_semaphore, #tpu.memory_space<semaphore_mem>>) src(%arg11 : memref<128x64xf32, #tpu.memory_space<vmem>>) dst(%dma_wait3A_68 : memref<25088x64xf32, #tpu.memory_space<vmem_shared>>)
        tpu.yield
      }) : () -> ()
      %scan3A_62 = arith.constant 0 : i32
      scf.yield %scan3A_62 : i32
    }
    %scan3A_13 = arith.constant 196 : i32
    %barrier3A_14 = arith.constant 0 : index
    tpu.barrier barrier_id(%barrier3A_14)
    %mul3A_15 = arith.constant 1568 : i32
    %mul3A_16 = arith.muli %arg1, %mul3A_15 : i32
    %mul3A_17 = arith.constant 1568 : i32
    %mul3A_18 = arith.muli %arg1, %mul3A_17 : i32
    "tpu.region"() ({
      %run_scoped3A = tpu.sem_alloc : memref<!tpu.dma_semaphore, #tpu.memory_space<semaphore_mem>>
      %dma_start3A_19 = arith.constant 0 : i32
      %dma_start3A_20 = tpu.memref_slice %arg6[%arg0, %mul3A_18, %dma_start3A_19] : memref<2x25088x64xf32, #tpu.memory_space<hbm>> -> memref<1x1568x64xf32, #tpu.memory_space<hbm>>
      %dma_start3A_21 = tpu.memref_squeeze %dma_start3A_20 : memref<1x1568x64xf32, #tpu.memory_space<hbm>> -> memref<1568x64xf32, #tpu.memory_space<hbm>>
      %dma_start3A_22 = arith.constant 0 : i32
      %dma_start3A_23 = tpu.memref_slice %arg7[%mul3A_16, %dma_start3A_22] : memref<25088x64xf32, #tpu.memory_space<vmem_shared>> -> memref<1568x64xf32, #tpu.memory_space<vmem_shared>>
      tpu.enqueue_dma source(%dma_start3A_23 : memref<1568x64xf32, #tpu.memory_space<vmem_shared>>) target(%dma_start3A_21 : memref<1568x64xf32, #tpu.memory_space<hbm>>) target_semaphore(%run_scoped3A : memref<!tpu.dma_semaphore, #tpu.memory_space<semaphore_mem>>)
      %dma_wait3A = arith.constant 0 : i32
      %dma_wait3A_24 = tpu.memref_slice %arg6[%arg0, %mul3A_18, %dma_wait3A] : memref<2x25088x64xf32, #tpu.memory_space<hbm>> -> memref<1x1568x64xf32, #tpu.memory_space<hbm>>
      %dma_wait3A_25 = tpu.memref_squeeze %dma_wait3A_24 : memref<1x1568x64xf32, #tpu.memory_space<hbm>> -> memref<1568x64xf32, #tpu.memory_space<hbm>>
      %dma_wait3A_26 = arith.constant 0 : i32
      %dma_wait3A_27 = tpu.memref_slice %arg7[%mul3A_16, %dma_wait3A_26] : memref<25088x64xf32, #tpu.memory_space<vmem_shared>> -> memref<1568x64xf32, #tpu.memory_space<vmem_shared>>
      tpu.wait_dma2 semaphore(%run_scoped3A : memref<!tpu.dma_semaphore, #tpu.memory_space<semaphore_mem>>) src(%dma_wait3A_27 : memref<1568x64xf32, #tpu.memory_space<vmem_shared>>) dst(%dma_wait3A_25 : memref<1568x64xf32, #tpu.memory_space<hbm>>)
      tpu.yield
    }) : () -> ()
    return
  }
}

module attributes {stable_mosaic.version = 14 : i64} {
  func.func @_conv_body(%arg0: i32, %arg1: memref<16x12800xf32, #tpu.memory_space<vmem>>, %arg2: memref<5x8x1xf32, #tpu.memory_space<vmem>>, %arg3: memref<5x8x64xf32, #tpu.memory_space<vmem>>, %arg4: memref<1x64xf32, #tpu.memory_space<vmem>>, %arg5: memref<5x64x64xf32, #tpu.memory_space<vmem>>, %arg6: memref<1x64xf32, #tpu.memory_space<vmem>>, %arg7: memref<5x64x64xf32, #tpu.memory_space<vmem>>, %arg8: memref<1x64xf32, #tpu.memory_space<vmem>>, %arg9: memref<200x64xf32, #tpu.memory_space<vmem>>) attributes {dimension_semantics = [#tpu.dimension_semantics<arbitrary>], iteration_bounds = array<i64: 250>, scalar_prefetch = 0 : i64, scratch_operands = 0 : i64, tpu.core_type = #tpu.core_type<tc>, window_params = [{transform_indices = @transform_0, window_bounds = array<i64: 16, 12800>}, {pipeline_mode = #tpu.pipeline_mode<synchronous>, transform_indices = @transform_1, window_bounds = array<i64: 5, 8, 1>}, {pipeline_mode = #tpu.pipeline_mode<synchronous>, transform_indices = @transform_2, window_bounds = array<i64: 5, 8, 64>}, {pipeline_mode = #tpu.pipeline_mode<synchronous>, transform_indices = @transform_3, window_bounds = array<i64: 1, 64>}, {pipeline_mode = #tpu.pipeline_mode<synchronous>, transform_indices = @transform_4, window_bounds = array<i64: 5, 64, 64>}, {pipeline_mode = #tpu.pipeline_mode<synchronous>, transform_indices = @transform_5, window_bounds = array<i64: 1, 64>}, {pipeline_mode = #tpu.pipeline_mode<synchronous>, transform_indices = @transform_6, window_bounds = array<i64: 5, 64, 64>}, {pipeline_mode = #tpu.pipeline_mode<synchronous>, transform_indices = @transform_7, window_bounds = array<i64: 1, 64>}, {transform_indices = @transform_8, window_bounds = array<i64: 200, 64>}]} {
    %get3A = arith.constant 0 : index
    %get3A_0 = arith.constant 0 : index
    %get3A_1 = vector.load %arg1[%get3A, %get3A_0] : memref<16x12800xf32, #tpu.memory_space<vmem>>, vector<8x12800xf32>
    %get3A_2 = arith.constant 8 : index
    %get3A_3 = arith.constant 0 : index
    %get3A_4 = vector.load %arg1[%get3A_2, %get3A_3] : memref<16x12800xf32, #tpu.memory_space<vmem>>, vector<8x12800xf32>
    %get3A_5 = arith.constant 0 : index
    %get3A_6 = arith.constant 0 : index
    %get3A_7 = arith.constant 0 : index
    %get3A_8 = vector.load %arg2[%get3A_5, %get3A_6, %get3A_7] : memref<5x8x1xf32, #tpu.memory_space<vmem>>, vector<1x8x1xf32>
    %get3A_9 = vector.shape_cast %get3A_8 : vector<1x8x1xf32> to vector<8x1xf32>
    %gt3A = arith.constant 5.000000e-01 : f32
    %gt3A_10 = vector.broadcast %gt3A : f32 to vector<8x1xf32>
    %gt3A_11 = arith.cmpf ogt, %get3A_9, %gt3A_10 : vector<8x1xf32>
    %broadcast_in_dim3A = vector.shape_cast %gt3A_11 : vector<8x1xi1> to vector<8x1xi1>
    %broadcast_in_dim3A_12 = vector.broadcast %broadcast_in_dim3A : vector<8x1xi1> to vector<8x12800xi1>
    %select_n3A = arith.select %broadcast_in_dim3A_12, %get3A_4, %get3A_1 : vector<8x12800xi1>, vector<8x12800xf32>
    %get3A_13 = arith.constant 0 : index
    %get3A_14 = arith.constant 0 : index
    %get3A_15 = arith.constant 0 : index
    %get3A_16 = vector.load %arg3[%get3A_13, %get3A_14, %get3A_15] : memref<5x8x64xf32, #tpu.memory_space<vmem>>, vector<1x8x64xf32>
    %get3A_17 = vector.shape_cast %get3A_16 : vector<1x8x64xf32> to vector<8x64xf32>
    %dot_general3A = arith.constant dense<0.000000e+00> : vector<12800x64xf32>
    %dot_general3A_18 = tpu.matmul %select_n3A, %get3A_17, %dot_general3A {dimension_numbers = #tpu.dot_dimension_numbers<[0], [0], [1], [1], [0, 1, 1, 1], [], []>, transpose_lhs_hint = false} : vector<8x12800xf32>, vector<8x64xf32>, vector<12800x64xf32> -> vector<12800x64xf32>
    %get3A_19 = arith.constant 1 : index
    %get3A_20 = arith.constant 0 : index
    %get3A_21 = arith.constant 0 : index
    %get3A_22 = vector.load %arg2[%get3A_19, %get3A_20, %get3A_21] : memref<5x8x1xf32, #tpu.memory_space<vmem>>, vector<1x8x1xf32>
    %get3A_23 = vector.shape_cast %get3A_22 : vector<1x8x1xf32> to vector<8x1xf32>
    %gt3A_24 = arith.constant 5.000000e-01 : f32
    %gt3A_25 = vector.broadcast %gt3A_24 : f32 to vector<8x1xf32>
    %gt3A_26 = arith.cmpf ogt, %get3A_23, %gt3A_25 : vector<8x1xf32>
    %broadcast_in_dim3A_27 = vector.shape_cast %gt3A_26 : vector<8x1xi1> to vector<8x1xi1>
    %broadcast_in_dim3A_28 = vector.broadcast %broadcast_in_dim3A_27 : vector<8x1xi1> to vector<8x12800xi1>
    %select_n3A_29 = arith.select %broadcast_in_dim3A_28, %get3A_4, %get3A_1 : vector<8x12800xi1>, vector<8x12800xf32>
    %get3A_30 = arith.constant 1 : index
    %get3A_31 = arith.constant 0 : index
    %get3A_32 = arith.constant 0 : index
    %get3A_33 = vector.load %arg3[%get3A_30, %get3A_31, %get3A_32] : memref<5x8x64xf32, #tpu.memory_space<vmem>>, vector<1x8x64xf32>
    %get3A_34 = vector.shape_cast %get3A_33 : vector<1x8x64xf32> to vector<8x64xf32>
    %dot_general3A_35 = arith.constant dense<0.000000e+00> : vector<12800x64xf32>
    %dot_general3A_36 = tpu.matmul %select_n3A_29, %get3A_34, %dot_general3A_35 {dimension_numbers = #tpu.dot_dimension_numbers<[0], [0], [1], [1], [0, 1, 1, 1], [], []>, transpose_lhs_hint = false} : vector<8x12800xf32>, vector<8x64xf32>, vector<12800x64xf32> -> vector<12800x64xf32>
    %max3A = arith.maximumf %dot_general3A_18, %dot_general3A_36 : vector<12800x64xf32>
    %get3A_37 = arith.constant 2 : index
    %get3A_38 = arith.constant 0 : index
    %get3A_39 = arith.constant 0 : index
    %get3A_40 = vector.load %arg2[%get3A_37, %get3A_38, %get3A_39] : memref<5x8x1xf32, #tpu.memory_space<vmem>>, vector<1x8x1xf32>
    %get3A_41 = vector.shape_cast %get3A_40 : vector<1x8x1xf32> to vector<8x1xf32>
    %gt3A_42 = arith.constant 5.000000e-01 : f32
    %gt3A_43 = vector.broadcast %gt3A_42 : f32 to vector<8x1xf32>
    %gt3A_44 = arith.cmpf ogt, %get3A_41, %gt3A_43 : vector<8x1xf32>
    %broadcast_in_dim3A_45 = vector.shape_cast %gt3A_44 : vector<8x1xi1> to vector<8x1xi1>
    %broadcast_in_dim3A_46 = vector.broadcast %broadcast_in_dim3A_45 : vector<8x1xi1> to vector<8x12800xi1>
    %select_n3A_47 = arith.select %broadcast_in_dim3A_46, %get3A_4, %get3A_1 : vector<8x12800xi1>, vector<8x12800xf32>
    %get3A_48 = arith.constant 2 : index
    %get3A_49 = arith.constant 0 : index
    %get3A_50 = arith.constant 0 : index
    %get3A_51 = vector.load %arg3[%get3A_48, %get3A_49, %get3A_50] : memref<5x8x64xf32, #tpu.memory_space<vmem>>, vector<1x8x64xf32>
    %get3A_52 = vector.shape_cast %get3A_51 : vector<1x8x64xf32> to vector<8x64xf32>
    %dot_general3A_53 = arith.constant dense<0.000000e+00> : vector<12800x64xf32>
    %dot_general3A_54 = tpu.matmul %select_n3A_47, %get3A_52, %dot_general3A_53 {dimension_numbers = #tpu.dot_dimension_numbers<[0], [0], [1], [1], [0, 1, 1, 1], [], []>, transpose_lhs_hint = false} : vector<8x12800xf32>, vector<8x64xf32>, vector<12800x64xf32> -> vector<12800x64xf32>
    %max3A_55 = arith.maximumf %max3A, %dot_general3A_54 : vector<12800x64xf32>
    %get3A_56 = arith.constant 3 : index
    %get3A_57 = arith.constant 0 : index
    %get3A_58 = arith.constant 0 : index
    %get3A_59 = vector.load %arg2[%get3A_56, %get3A_57, %get3A_58] : memref<5x8x1xf32, #tpu.memory_space<vmem>>, vector<1x8x1xf32>
    %get3A_60 = vector.shape_cast %get3A_59 : vector<1x8x1xf32> to vector<8x1xf32>
    %gt3A_61 = arith.constant 5.000000e-01 : f32
    %gt3A_62 = vector.broadcast %gt3A_61 : f32 to vector<8x1xf32>
    %gt3A_63 = arith.cmpf ogt, %get3A_60, %gt3A_62 : vector<8x1xf32>
    %broadcast_in_dim3A_64 = vector.shape_cast %gt3A_63 : vector<8x1xi1> to vector<8x1xi1>
    %broadcast_in_dim3A_65 = vector.broadcast %broadcast_in_dim3A_64 : vector<8x1xi1> to vector<8x12800xi1>
    %select_n3A_66 = arith.select %broadcast_in_dim3A_65, %get3A_4, %get3A_1 : vector<8x12800xi1>, vector<8x12800xf32>
    %get3A_67 = arith.constant 3 : index
    %get3A_68 = arith.constant 0 : index
    %get3A_69 = arith.constant 0 : index
    %get3A_70 = vector.load %arg3[%get3A_67, %get3A_68, %get3A_69] : memref<5x8x64xf32, #tpu.memory_space<vmem>>, vector<1x8x64xf32>
    %get3A_71 = vector.shape_cast %get3A_70 : vector<1x8x64xf32> to vector<8x64xf32>
    %dot_general3A_72 = arith.constant dense<0.000000e+00> : vector<12800x64xf32>
    %dot_general3A_73 = tpu.matmul %select_n3A_66, %get3A_71, %dot_general3A_72 {dimension_numbers = #tpu.dot_dimension_numbers<[0], [0], [1], [1], [0, 1, 1, 1], [], []>, transpose_lhs_hint = false} : vector<8x12800xf32>, vector<8x64xf32>, vector<12800x64xf32> -> vector<12800x64xf32>
    %max3A_74 = arith.maximumf %max3A_55, %dot_general3A_73 : vector<12800x64xf32>
    %get3A_75 = arith.constant 4 : index
    %get3A_76 = arith.constant 0 : index
    %get3A_77 = arith.constant 0 : index
    %get3A_78 = vector.load %arg2[%get3A_75, %get3A_76, %get3A_77] : memref<5x8x1xf32, #tpu.memory_space<vmem>>, vector<1x8x1xf32>
    %get3A_79 = vector.shape_cast %get3A_78 : vector<1x8x1xf32> to vector<8x1xf32>
    %gt3A_80 = arith.constant 5.000000e-01 : f32
    %gt3A_81 = vector.broadcast %gt3A_80 : f32 to vector<8x1xf32>
    %gt3A_82 = arith.cmpf ogt, %get3A_79, %gt3A_81 : vector<8x1xf32>
    %broadcast_in_dim3A_83 = vector.shape_cast %gt3A_82 : vector<8x1xi1> to vector<8x1xi1>
    %broadcast_in_dim3A_84 = vector.broadcast %broadcast_in_dim3A_83 : vector<8x1xi1> to vector<8x12800xi1>
    %select_n3A_85 = arith.select %broadcast_in_dim3A_84, %get3A_4, %get3A_1 : vector<8x12800xi1>, vector<8x12800xf32>
    %get3A_86 = arith.constant 4 : index
    %get3A_87 = arith.constant 0 : index
    %get3A_88 = arith.constant 0 : index
    %get3A_89 = vector.load %arg3[%get3A_86, %get3A_87, %get3A_88] : memref<5x8x64xf32, #tpu.memory_space<vmem>>, vector<1x8x64xf32>
    %get3A_90 = vector.shape_cast %get3A_89 : vector<1x8x64xf32> to vector<8x64xf32>
    %dot_general3A_91 = arith.constant dense<0.000000e+00> : vector<12800x64xf32>
    %dot_general3A_92 = tpu.matmul %select_n3A_85, %get3A_90, %dot_general3A_91 {dimension_numbers = #tpu.dot_dimension_numbers<[0], [0], [1], [1], [0, 1, 1, 1], [], []>, transpose_lhs_hint = false} : vector<8x12800xf32>, vector<8x64xf32>, vector<12800x64xf32> -> vector<12800x64xf32>
    %max3A_93 = arith.maximumf %max3A_74, %dot_general3A_92 : vector<12800x64xf32>
    %get3A_94 = arith.constant 0 : index
    %get3A_95 = arith.constant 0 : index
    %get3A_96 = vector.load %arg4[%get3A_94, %get3A_95] : memref<1x64xf32, #tpu.memory_space<vmem>>, vector<1x64xf32>
    %add3A = vector.broadcast %get3A_96 : vector<1x64xf32> to vector<12800x64xf32>
    %add3A_97 = arith.addf %max3A_93, %add3A : vector<12800x64xf32>
    %get3A_98 = arith.constant 0 : index
    %get3A_99 = arith.constant 0 : index
    %get3A_100 = arith.constant 0 : index
    %get3A_101 = vector.load %arg5[%get3A_98, %get3A_99, %get3A_100] : memref<5x64x64xf32, #tpu.memory_space<vmem>>, vector<1x64x64xf32>
    %get3A_102 = vector.shape_cast %get3A_101 : vector<1x64x64xf32> to vector<64x64xf32>
    %dot_general3A_103 = arith.constant dense<0.000000e+00> : vector<12800x64xf32>
    %dot_general3A_104 = tpu.matmul %add3A_97, %get3A_102, %dot_general3A_103 {dimension_numbers = #tpu.dot_dimension_numbers<[1], [0], [0], [1], [0, 0, 1, 1], [], []>, transpose_lhs_hint = false} : vector<12800x64xf32>, vector<64x64xf32>, vector<12800x64xf32> -> vector<12800x64xf32>
    %get3A_105 = arith.constant 1 : index
    %get3A_106 = arith.constant 0 : index
    %get3A_107 = arith.constant 0 : index
    %get3A_108 = vector.load %arg5[%get3A_105, %get3A_106, %get3A_107] : memref<5x64x64xf32, #tpu.memory_space<vmem>>, vector<1x64x64xf32>
    %get3A_109 = vector.shape_cast %get3A_108 : vector<1x64x64xf32> to vector<64x64xf32>
    %dot_general3A_110 = arith.constant dense<0.000000e+00> : vector<12800x64xf32>
    %dot_general3A_111 = tpu.matmul %add3A_97, %get3A_109, %dot_general3A_110 {dimension_numbers = #tpu.dot_dimension_numbers<[1], [0], [0], [1], [0, 0, 1, 1], [], []>, transpose_lhs_hint = false} : vector<12800x64xf32>, vector<64x64xf32>, vector<12800x64xf32> -> vector<12800x64xf32>
    %slice3A = vector.extract_strided_slice %dot_general3A_111 {offsets = [1, 0], sizes = [12799, 64], strides = [1, 1]} : vector<12800x64xf32> to vector<12799x64xf32>
    %broadcast_in_dim3A_112 = arith.constant 0.000000e+00 : f32
    %broadcast_in_dim3A_113 = vector.broadcast %broadcast_in_dim3A_112 : f32 to vector<1x64xf32>
    %concatenate3A = tpu.concatenate %slice3A, %broadcast_in_dim3A_113 in 0 : vector<12799x64xf32>, vector<1x64xf32> -> vector<12800x64xf32>
    %add3A_114 = arith.addf %dot_general3A_104, %concatenate3A : vector<12800x64xf32>
    %get3A_115 = arith.constant 2 : index
    %get3A_116 = arith.constant 0 : index
    %get3A_117 = arith.constant 0 : index
    %get3A_118 = vector.load %arg5[%get3A_115, %get3A_116, %get3A_117] : memref<5x64x64xf32, #tpu.memory_space<vmem>>, vector<1x64x64xf32>
    %get3A_119 = vector.shape_cast %get3A_118 : vector<1x64x64xf32> to vector<64x64xf32>
    %dot_general3A_120 = arith.constant dense<0.000000e+00> : vector<12800x64xf32>
    %dot_general3A_121 = tpu.matmul %add3A_97, %get3A_119, %dot_general3A_120 {dimension_numbers = #tpu.dot_dimension_numbers<[1], [0], [0], [1], [0, 0, 1, 1], [], []>, transpose_lhs_hint = false} : vector<12800x64xf32>, vector<64x64xf32>, vector<12800x64xf32> -> vector<12800x64xf32>
    %slice3A_122 = vector.extract_strided_slice %dot_general3A_121 {offsets = [2, 0], sizes = [12798, 64], strides = [1, 1]} : vector<12800x64xf32> to vector<12798x64xf32>
    %broadcast_in_dim3A_123 = arith.constant 0.000000e+00 : f32
    %broadcast_in_dim3A_124 = vector.broadcast %broadcast_in_dim3A_123 : f32 to vector<2x64xf32>
    %concatenate3A_125 = tpu.concatenate %slice3A_122, %broadcast_in_dim3A_124 in 0 : vector<12798x64xf32>, vector<2x64xf32> -> vector<12800x64xf32>
    %add3A_126 = arith.addf %add3A_114, %concatenate3A_125 : vector<12800x64xf32>
    %get3A_127 = arith.constant 3 : index
    %get3A_128 = arith.constant 0 : index
    %get3A_129 = arith.constant 0 : index
    %get3A_130 = vector.load %arg5[%get3A_127, %get3A_128, %get3A_129] : memref<5x64x64xf32, #tpu.memory_space<vmem>>, vector<1x64x64xf32>
    %get3A_131 = vector.shape_cast %get3A_130 : vector<1x64x64xf32> to vector<64x64xf32>
    %dot_general3A_132 = arith.constant dense<0.000000e+00> : vector<12800x64xf32>
    %dot_general3A_133 = tpu.matmul %add3A_97, %get3A_131, %dot_general3A_132 {dimension_numbers = #tpu.dot_dimension_numbers<[1], [0], [0], [1], [0, 0, 1, 1], [], []>, transpose_lhs_hint = false} : vector<12800x64xf32>, vector<64x64xf32>, vector<12800x64xf32> -> vector<12800x64xf32>
    %slice3A_134 = vector.extract_strided_slice %dot_general3A_133 {offsets = [3, 0], sizes = [12797, 64], strides = [1, 1]} : vector<12800x64xf32> to vector<12797x64xf32>
    %broadcast_in_dim3A_135 = arith.constant 0.000000e+00 : f32
    %broadcast_in_dim3A_136 = vector.broadcast %broadcast_in_dim3A_135 : f32 to vector<3x64xf32>
    %concatenate3A_137 = tpu.concatenate %slice3A_134, %broadcast_in_dim3A_136 in 0 : vector<12797x64xf32>, vector<3x64xf32> -> vector<12800x64xf32>
    %add3A_138 = arith.addf %add3A_126, %concatenate3A_137 : vector<12800x64xf32>
    %get3A_139 = arith.constant 4 : index
    %get3A_140 = arith.constant 0 : index
    %get3A_141 = arith.constant 0 : index
    %get3A_142 = vector.load %arg5[%get3A_139, %get3A_140, %get3A_141] : memref<5x64x64xf32, #tpu.memory_space<vmem>>, vector<1x64x64xf32>
    %get3A_143 = vector.shape_cast %get3A_142 : vector<1x64x64xf32> to vector<64x64xf32>
    %dot_general3A_144 = arith.constant dense<0.000000e+00> : vector<12800x64xf32>
    %dot_general3A_145 = tpu.matmul %add3A_97, %get3A_143, %dot_general3A_144 {dimension_numbers = #tpu.dot_dimension_numbers<[1], [0], [0], [1], [0, 0, 1, 1], [], []>, transpose_lhs_hint = false} : vector<12800x64xf32>, vector<64x64xf32>, vector<12800x64xf32> -> vector<12800x64xf32>
    %slice3A_146 = vector.extract_strided_slice %dot_general3A_145 {offsets = [4, 0], sizes = [12796, 64], strides = [1, 1]} : vector<12800x64xf32> to vector<12796x64xf32>
    %broadcast_in_dim3A_147 = arith.constant 0.000000e+00 : f32
    %broadcast_in_dim3A_148 = vector.broadcast %broadcast_in_dim3A_147 : f32 to vector<4x64xf32>
    %concatenate3A_149 = tpu.concatenate %slice3A_146, %broadcast_in_dim3A_148 in 0 : vector<12796x64xf32>, vector<4x64xf32> -> vector<12800x64xf32>
    %add3A_150 = arith.addf %add3A_138, %concatenate3A_149 : vector<12800x64xf32>
    %get3A_151 = arith.constant 0 : index
    %get3A_152 = arith.constant 0 : index
    %get3A_153 = vector.load %arg6[%get3A_151, %get3A_152] : memref<1x64xf32, #tpu.memory_space<vmem>>, vector<1x64xf32>
    %add3A_154 = vector.broadcast %get3A_153 : vector<1x64xf32> to vector<12800x64xf32>
    %add3A_155 = arith.addf %add3A_150, %add3A_154 : vector<12800x64xf32>
    %slice3A_156 = vector.extract_strided_slice %add3A_155 {offsets = [1, 0], sizes = [12799, 64], strides = [1, 1]} : vector<12800x64xf32> to vector<12799x64xf32>
    %broadcast_in_dim3A_157 = arith.constant 0.000000e+00 : f32
    %broadcast_in_dim3A_158 = vector.broadcast %broadcast_in_dim3A_157 : f32 to vector<1x64xf32>
    %concatenate3A_159 = tpu.concatenate %slice3A_156, %broadcast_in_dim3A_158 in 0 : vector<12799x64xf32>, vector<1x64xf32> -> vector<12800x64xf32>
    %max3A_160 = arith.maximumf %add3A_155, %concatenate3A_159 : vector<12800x64xf32>
    %slice3A_161 = vector.extract_strided_slice %add3A_155 {offsets = [2, 0], sizes = [12798, 64], strides = [1, 1]} : vector<12800x64xf32> to vector<12798x64xf32>
    %broadcast_in_dim3A_162 = arith.constant 0.000000e+00 : f32
    %broadcast_in_dim3A_163 = vector.broadcast %broadcast_in_dim3A_162 : f32 to vector<2x64xf32>
    %concatenate3A_164 = tpu.concatenate %slice3A_161, %broadcast_in_dim3A_163 in 0 : vector<12798x64xf32>, vector<2x64xf32> -> vector<12800x64xf32>
    %max3A_165 = arith.maximumf %max3A_160, %concatenate3A_164 : vector<12800x64xf32>
    %slice3A_166 = vector.extract_strided_slice %add3A_155 {offsets = [3, 0], sizes = [12797, 64], strides = [1, 1]} : vector<12800x64xf32> to vector<12797x64xf32>
    %broadcast_in_dim3A_167 = arith.constant 0.000000e+00 : f32
    %broadcast_in_dim3A_168 = vector.broadcast %broadcast_in_dim3A_167 : f32 to vector<3x64xf32>
    %concatenate3A_169 = tpu.concatenate %slice3A_166, %broadcast_in_dim3A_168 in 0 : vector<12797x64xf32>, vector<3x64xf32> -> vector<12800x64xf32>
    %max3A_170 = arith.maximumf %max3A_165, %concatenate3A_169 : vector<12800x64xf32>
    %slice3A_171 = vector.extract_strided_slice %add3A_155 {offsets = [4, 0], sizes = [12796, 64], strides = [1, 1]} : vector<12800x64xf32> to vector<12796x64xf32>
    %broadcast_in_dim3A_172 = arith.constant 0.000000e+00 : f32
    %broadcast_in_dim3A_173 = vector.broadcast %broadcast_in_dim3A_172 : f32 to vector<4x64xf32>
    %concatenate3A_174 = tpu.concatenate %slice3A_171, %broadcast_in_dim3A_173 in 0 : vector<12796x64xf32>, vector<4x64xf32> -> vector<12800x64xf32>
    %max3A_175 = arith.maximumf %max3A_170, %concatenate3A_174 : vector<12800x64xf32>
    %get3A_176 = arith.constant 0 : index
    %get3A_177 = arith.constant 0 : index
    %get3A_178 = arith.constant 0 : index
    %get3A_179 = vector.load %arg7[%get3A_176, %get3A_177, %get3A_178] : memref<5x64x64xf32, #tpu.memory_space<vmem>>, vector<1x64x64xf32>
    %get3A_180 = vector.shape_cast %get3A_179 : vector<1x64x64xf32> to vector<64x64xf32>
    %dot_general3A_181 = arith.constant dense<0.000000e+00> : vector<12800x64xf32>
    %dot_general3A_182 = tpu.matmul %max3A_175, %get3A_180, %dot_general3A_181 {dimension_numbers = #tpu.dot_dimension_numbers<[1], [0], [0], [1], [0, 0, 1, 1], [], []>, transpose_lhs_hint = false} : vector<12800x64xf32>, vector<64x64xf32>, vector<12800x64xf32> -> vector<12800x64xf32>
    %get3A_183 = arith.constant 1 : index
    %get3A_184 = arith.constant 0 : index
    %get3A_185 = arith.constant 0 : index
    %get3A_186 = vector.load %arg7[%get3A_183, %get3A_184, %get3A_185] : memref<5x64x64xf32, #tpu.memory_space<vmem>>, vector<1x64x64xf32>
    %get3A_187 = vector.shape_cast %get3A_186 : vector<1x64x64xf32> to vector<64x64xf32>
    %dot_general3A_188 = arith.constant dense<0.000000e+00> : vector<12800x64xf32>
    %dot_general3A_189 = tpu.matmul %max3A_175, %get3A_187, %dot_general3A_188 {dimension_numbers = #tpu.dot_dimension_numbers<[1], [0], [0], [1], [0, 0, 1, 1], [], []>, transpose_lhs_hint = false} : vector<12800x64xf32>, vector<64x64xf32>, vector<12800x64xf32> -> vector<12800x64xf32>
    %slice3A_190 = vector.extract_strided_slice %dot_general3A_189 {offsets = [5, 0], sizes = [12795, 64], strides = [1, 1]} : vector<12800x64xf32> to vector<12795x64xf32>
    %broadcast_in_dim3A_191 = arith.constant 0.000000e+00 : f32
    %broadcast_in_dim3A_192 = vector.broadcast %broadcast_in_dim3A_191 : f32 to vector<5x64xf32>
    %concatenate3A_193 = tpu.concatenate %slice3A_190, %broadcast_in_dim3A_192 in 0 : vector<12795x64xf32>, vector<5x64xf32> -> vector<12800x64xf32>
    %add3A_194 = arith.addf %dot_general3A_182, %concatenate3A_193 : vector<12800x64xf32>
    %get3A_195 = arith.constant 2 : index
    %get3A_196 = arith.constant 0 : index
    %get3A_197 = arith.constant 0 : index
    %get3A_198 = vector.load %arg7[%get3A_195, %get3A_196, %get3A_197] : memref<5x64x64xf32, #tpu.memory_space<vmem>>, vector<1x64x64xf32>
    %get3A_199 = vector.shape_cast %get3A_198 : vector<1x64x64xf32> to vector<64x64xf32>
    %dot_general3A_200 = arith.constant dense<0.000000e+00> : vector<12800x64xf32>
    %dot_general3A_201 = tpu.matmul %max3A_175, %get3A_199, %dot_general3A_200 {dimension_numbers = #tpu.dot_dimension_numbers<[1], [0], [0], [1], [0, 0, 1, 1], [], []>, transpose_lhs_hint = false} : vector<12800x64xf32>, vector<64x64xf32>, vector<12800x64xf32> -> vector<12800x64xf32>
    %slice3A_202 = vector.extract_strided_slice %dot_general3A_201 {offsets = [10, 0], sizes = [12790, 64], strides = [1, 1]} : vector<12800x64xf32> to vector<12790x64xf32>
    %broadcast_in_dim3A_203 = arith.constant 0.000000e+00 : f32
    %broadcast_in_dim3A_204 = vector.broadcast %broadcast_in_dim3A_203 : f32 to vector<10x64xf32>
    %concatenate3A_205 = tpu.concatenate %slice3A_202, %broadcast_in_dim3A_204 in 0 : vector<12790x64xf32>, vector<10x64xf32> -> vector<12800x64xf32>
    %add3A_206 = arith.addf %add3A_194, %concatenate3A_205 : vector<12800x64xf32>
    %get3A_207 = arith.constant 3 : index
    %get3A_208 = arith.constant 0 : index
    %get3A_209 = arith.constant 0 : index
    %get3A_210 = vector.load %arg7[%get3A_207, %get3A_208, %get3A_209] : memref<5x64x64xf32, #tpu.memory_space<vmem>>, vector<1x64x64xf32>
    %get3A_211 = vector.shape_cast %get3A_210 : vector<1x64x64xf32> to vector<64x64xf32>
    %dot_general3A_212 = arith.constant dense<0.000000e+00> : vector<12800x64xf32>
    %dot_general3A_213 = tpu.matmul %max3A_175, %get3A_211, %dot_general3A_212 {dimension_numbers = #tpu.dot_dimension_numbers<[1], [0], [0], [1], [0, 0, 1, 1], [], []>, transpose_lhs_hint = false} : vector<12800x64xf32>, vector<64x64xf32>, vector<12800x64xf32> -> vector<12800x64xf32>
    %slice3A_214 = vector.extract_strided_slice %dot_general3A_213 {offsets = [15, 0], sizes = [12785, 64], strides = [1, 1]} : vector<12800x64xf32> to vector<12785x64xf32>
    %broadcast_in_dim3A_215 = arith.constant 0.000000e+00 : f32
    %broadcast_in_dim3A_216 = vector.broadcast %broadcast_in_dim3A_215 : f32 to vector<15x64xf32>
    %concatenate3A_217 = tpu.concatenate %slice3A_214, %broadcast_in_dim3A_216 in 0 : vector<12785x64xf32>, vector<15x64xf32> -> vector<12800x64xf32>
    %add3A_218 = arith.addf %add3A_206, %concatenate3A_217 : vector<12800x64xf32>
    %get3A_219 = arith.constant 4 : index
    %get3A_220 = arith.constant 0 : index
    %get3A_221 = arith.constant 0 : index
    %get3A_222 = vector.load %arg7[%get3A_219, %get3A_220, %get3A_221] : memref<5x64x64xf32, #tpu.memory_space<vmem>>, vector<1x64x64xf32>
    %get3A_223 = vector.shape_cast %get3A_222 : vector<1x64x64xf32> to vector<64x64xf32>
    %dot_general3A_224 = arith.constant dense<0.000000e+00> : vector<12800x64xf32>
    %dot_general3A_225 = tpu.matmul %max3A_175, %get3A_223, %dot_general3A_224 {dimension_numbers = #tpu.dot_dimension_numbers<[1], [0], [0], [1], [0, 0, 1, 1], [], []>, transpose_lhs_hint = false} : vector<12800x64xf32>, vector<64x64xf32>, vector<12800x64xf32> -> vector<12800x64xf32>
    %slice3A_226 = vector.extract_strided_slice %dot_general3A_225 {offsets = [20, 0], sizes = [12780, 64], strides = [1, 1]} : vector<12800x64xf32> to vector<12780x64xf32>
    %broadcast_in_dim3A_227 = arith.constant 0.000000e+00 : f32
    %broadcast_in_dim3A_228 = vector.broadcast %broadcast_in_dim3A_227 : f32 to vector<20x64xf32>
    %concatenate3A_229 = tpu.concatenate %slice3A_226, %broadcast_in_dim3A_228 in 0 : vector<12780x64xf32>, vector<20x64xf32> -> vector<12800x64xf32>
    %add3A_230 = arith.addf %add3A_218, %concatenate3A_229 : vector<12800x64xf32>
    %get3A_231 = arith.constant 0 : index
    %get3A_232 = arith.constant 0 : index
    %get3A_233 = vector.load %arg8[%get3A_231, %get3A_232] : memref<1x64xf32, #tpu.memory_space<vmem>>, vector<1x64xf32>
    %add3A_234 = vector.broadcast %get3A_233 : vector<1x64xf32> to vector<12800x64xf32>
    %add3A_235 = arith.addf %add3A_230, %add3A_234 : vector<12800x64xf32>
    %reshape3A = vector.shape_cast %add3A_235 : vector<12800x64xf32> to vector<200x64x64xf32>
    %slice3A_236 = vector.extract_strided_slice %reshape3A {offsets = [0, 0, 0], sizes = [200, 1, 64], strides = [1, 1, 1]} : vector<200x64x64xf32> to vector<200x1x64xf32>
    %squeeze3A = vector.shape_cast %slice3A_236 : vector<200x1x64xf32> to vector<200x64xf32>
    %slice3A_237 = vector.extract_strided_slice %reshape3A {offsets = [0, 5, 0], sizes = [200, 1, 64], strides = [1, 1, 1]} : vector<200x64x64xf32> to vector<200x1x64xf32>
    %squeeze3A_238 = vector.shape_cast %slice3A_237 : vector<200x1x64xf32> to vector<200x64xf32>
    %max3A_239 = arith.maximumf %squeeze3A, %squeeze3A_238 : vector<200x64xf32>
    %slice3A_240 = vector.extract_strided_slice %reshape3A {offsets = [0, 10, 0], sizes = [200, 1, 64], strides = [1, 1, 1]} : vector<200x64x64xf32> to vector<200x1x64xf32>
    %squeeze3A_241 = vector.shape_cast %slice3A_240 : vector<200x1x64xf32> to vector<200x64xf32>
    %max3A_242 = arith.maximumf %max3A_239, %squeeze3A_241 : vector<200x64xf32>
    %swap3A = arith.constant 0 : index
    %swap3A_243 = arith.constant 0 : index
    %swap3A_244 = vector.load %arg9[%swap3A, %swap3A_243] : memref<200x64xf32, #tpu.memory_space<vmem>>, vector<200x64xf32>
    tpu.vector_store %arg9[%swap3A, %swap3A_243], %max3A_242 {strides = array<i32>} : memref<200x64xf32, #tpu.memory_space<vmem>>, vector<200x64xf32>,
    return
  }
  func.func @transform_0(%arg0: i32) -> (i32, i32) {
    %c0_i32 = arith.constant 0 : i32
    %c0_i32_0 = arith.constant 0 : i32
    return %c0_i32, %arg0 : i32, i32
  }
  func.func @transform_1(%arg0: i32) -> (i32, i32, i32) {
    %c0_i32 = arith.constant 0 : i32
    %c0_i32_0 = arith.constant 0 : i32
    %c0_i32_1 = arith.constant 0 : i32
    %c0_i32_2 = arith.constant 0 : i32
    return %c0_i32, %c0_i32_0, %c0_i32_1 : i32, i32, i32
  }
  func.func @transform_2(%arg0: i32) -> (i32, i32, i32) {
    %c0_i32 = arith.constant 0 : i32
    %c0_i32_0 = arith.constant 0 : i32
    %c0_i32_1 = arith.constant 0 : i32
    %c0_i32_2 = arith.constant 0 : i32
    return %c0_i32, %c0_i32_0, %c0_i32_1 : i32, i32, i32
  }
  func.func @transform_3(%arg0: i32) -> (i32, i32) {
    %c0_i32 = arith.constant 0 : i32
    %c0_i32_0 = arith.constant 0 : i32
    %c0_i32_1 = arith.constant 0 : i32
    return %c0_i32, %c0_i32_0 : i32, i32
  }
  func.func @transform_4(%arg0: i32) -> (i32, i32, i32) {
    %c0_i32 = arith.constant 0 : i32
    %c0_i32_0 = arith.constant 0 : i32
    %c0_i32_1 = arith.constant 0 : i32
    %c0_i32_2 = arith.constant 0 : i32
    return %c0_i32, %c0_i32_0, %c0_i32_1 : i32, i32, i32
  }
  func.func @transform_5(%arg0: i32) -> (i32, i32) {
    %c0_i32 = arith.constant 0 : i32
    %c0_i32_0 = arith.constant 0 : i32
    %c0_i32_1 = arith.constant 0 : i32
    return %c0_i32, %c0_i32_0 : i32, i32
  }
  func.func @transform_6(%arg0: i32) -> (i32, i32, i32) {
    %c0_i32 = arith.constant 0 : i32
    %c0_i32_0 = arith.constant 0 : i32
    %c0_i32_1 = arith.constant 0 : i32
    %c0_i32_2 = arith.constant 0 : i32
    return %c0_i32, %c0_i32_0, %c0_i32_1 : i32, i32, i32
  }
  func.func @transform_7(%arg0: i32) -> (i32, i32) {
    %c0_i32 = arith.constant 0 : i32
    %c0_i32_0 = arith.constant 0 : i32
    %c0_i32_1 = arith.constant 0 : i32
    return %c0_i32, %c0_i32_0 : i32, i32
  }
  func.func @transform_8(%arg0: i32) -> (i32, i32) {
    %c0_i32 = arith.constant 0 : i32
    %c0_i32_0 = arith.constant 0 : i32
    return %arg0, %c0_i32 : i32, i32
  }
}

module attributes {stable_mosaic.version = 14 : i64} {
  func.func @_gcmm_body(%arg0: i32, %arg1: memref<2000x64xf32, #tpu.memory_space<vmem>>, %arg2: memref<2000x64xf32, #tpu.memory_space<vmem>>, %arg3: memref<64x64xf32, #tpu.memory_space<vmem>>, %arg4: memref<64x64xf32, #tpu.memory_space<vmem>>, %arg5: memref<1x64xf32, #tpu.memory_space<vmem>>, %arg6: memref<2000x64xf32, #tpu.memory_space<vmem>>) attributes {dimension_semantics = [#tpu.dimension_semantics<arbitrary>], iteration_bounds = array<i64: 25>, scalar_prefetch = 0 : i64, scratch_operands = 0 : i64, tpu.core_type = #tpu.core_type<tc>, window_params = [{transform_indices = @transform_0, window_bounds = array<i64: 2000, 64>}, {transform_indices = @transform_1, window_bounds = array<i64: 2000, 64>}, {pipeline_mode = #tpu.pipeline_mode<synchronous>, transform_indices = @transform_2, window_bounds = array<i64: 64, 64>}, {pipeline_mode = #tpu.pipeline_mode<synchronous>, transform_indices = @transform_3, window_bounds = array<i64: 64, 64>}, {pipeline_mode = #tpu.pipeline_mode<synchronous>, transform_indices = @transform_4, window_bounds = array<i64: 1, 64>}, {transform_indices = @transform_5, window_bounds = array<i64: 2000, 64>}]} {
    %get3A = arith.constant 0 : index
    %get3A_0 = arith.constant 0 : index
    %get3A_1 = vector.load %arg1[%get3A, %get3A_0] : memref<2000x64xf32, #tpu.memory_space<vmem>>, vector<2000x64xf32>
    %get3A_2 = arith.constant 0 : index
    %get3A_3 = arith.constant 0 : index
    %get3A_4 = vector.load %arg3[%get3A_2, %get3A_3] : memref<64x64xf32, #tpu.memory_space<vmem>>, vector<64x64xf32>
    %dot_general3A = arith.constant dense<0.000000e+00> : vector<2000x64xf32>
    %dot_general3A_5 = tpu.matmul %get3A_1, %get3A_4, %dot_general3A {dimension_numbers = #tpu.dot_dimension_numbers<[1], [0], [0], [1], [0, 0, 1, 1], [], []>, transpose_lhs_hint = false} : vector<2000x64xf32>, vector<64x64xf32>, vector<2000x64xf32> -> vector<2000x64xf32>
    %get3A_6 = arith.constant 0 : index
    %get3A_7 = arith.constant 0 : index
    %get3A_8 = vector.load %arg2[%get3A_6, %get3A_7] : memref<2000x64xf32, #tpu.memory_space<vmem>>, vector<2000x64xf32>
    %get3A_9 = arith.constant 0 : index
    %get3A_10 = arith.constant 0 : index
    %get3A_11 = vector.load %arg4[%get3A_9, %get3A_10] : memref<64x64xf32, #tpu.memory_space<vmem>>, vector<64x64xf32>
    %dot_general3A_12 = arith.constant dense<0.000000e+00> : vector<2000x64xf32>
    %dot_general3A_13 = tpu.matmul %get3A_8, %get3A_11, %dot_general3A_12 {dimension_numbers = #tpu.dot_dimension_numbers<[1], [0], [0], [1], [0, 0, 1, 1], [], []>, transpose_lhs_hint = false} : vector<2000x64xf32>, vector<64x64xf32>, vector<2000x64xf32> -> vector<2000x64xf32>
    %add3A = arith.addf %dot_general3A_5, %dot_general3A_13 : vector<2000x64xf32>
    %get3A_14 = arith.constant 0 : index
    %get3A_15 = arith.constant 0 : index
    %get3A_16 = vector.load %arg5[%get3A_14, %get3A_15] : memref<1x64xf32, #tpu.memory_space<vmem>>, vector<1x64xf32>
    %get3A_17 = vector.shape_cast %get3A_16 : vector<1x64xf32> to vector<64xf32>
    %broadcast_in_dim3A = vector.shape_cast %get3A_17 : vector<64xf32> to vector<1x64xf32>
    %add3A_18 = vector.broadcast %broadcast_in_dim3A : vector<1x64xf32> to vector<2000x64xf32>
    %add3A_19 = arith.addf %add3A, %add3A_18 : vector<2000x64xf32>
    %ge3A = arith.constant 0.000000e+00 : f32
    %ge3A_20 = vector.broadcast %ge3A : f32 to vector<2000x64xf32>
    %ge3A_21 = arith.cmpf oge, %add3A_19, %ge3A_20 : vector<2000x64xf32>
    %mul3A = arith.constant 0.00999999977 : f32
    %mul3A_22 = vector.broadcast %mul3A : f32 to vector<2000x64xf32>
    %mul3A_23 = arith.mulf %mul3A_22, %add3A_19 : vector<2000x64xf32>
    %select_n3A = arith.select %ge3A_21, %add3A_19, %mul3A_23 : vector<2000x64xi1>, vector<2000x64xf32>
    %swap3A = arith.constant 0 : index
    %swap3A_24 = arith.constant 0 : index
    %swap3A_25 = vector.load %arg6[%swap3A, %swap3A_24] : memref<2000x64xf32, #tpu.memory_space<vmem>>, vector<2000x64xf32>
    tpu.vector_store %arg6[%swap3A, %swap3A_24], %select_n3A {strides = array<i32>} : memref<2000x64xf32, #tpu.memory_space<vmem>>, vector<2000x64xf32>,
    return
  }
  func.func @transform_0(%arg0: i32) -> (i32, i32) {
    %c0_i32 = arith.constant 0 : i32
    %c0_i32_0 = arith.constant 0 : i32
    return %arg0, %c0_i32 : i32, i32
  }
  func.func @transform_1(%arg0: i32) -> (i32, i32) {
    %c0_i32 = arith.constant 0 : i32
    %c0_i32_0 = arith.constant 0 : i32
    return %arg0, %c0_i32 : i32, i32
  }
  func.func @transform_2(%arg0: i32) -> (i32, i32) {
    %c0_i32 = arith.constant 0 : i32
    %c0_i32_0 = arith.constant 0 : i32
    %c0_i32_1 = arith.constant 0 : i32
    return %c0_i32, %c0_i32_0 : i32, i32
  }
  func.func @transform_3(%arg0: i32) -> (i32, i32) {
    %c0_i32 = arith.constant 0 : i32
    %c0_i32_0 = arith.constant 0 : i32
    %c0_i32_1 = arith.constant 0 : i32
    return %c0_i32, %c0_i32_0 : i32, i32
  }
  func.func @transform_4(%arg0: i32) -> (i32, i32) {
    %c0_i32 = arith.constant 0 : i32
    %c0_i32_0 = arith.constant 0 : i32
    %c0_i32_1 = arith.constant 0 : i32
    return %c0_i32, %c0_i32_0 : i32, i32
  }
  func.func @transform_5(%arg0: i32) -> (i32, i32) {
    %c0_i32 = arith.constant 0 : i32
    %c0_i32_0 = arith.constant 0 : i32
    return %arg0, %c0_i32 : i32, i32
  }
}

module attributes {stable_mosaic.version = 14 : i64} {
  func.func @_gcmm_body(%arg0: i32, %arg1: memref<2000x64xf32, #tpu.memory_space<vmem>>, %arg2: memref<2000x64xf32, #tpu.memory_space<vmem>>, %arg3: memref<64x64xf32, #tpu.memory_space<vmem>>, %arg4: memref<64x64xf32, #tpu.memory_space<vmem>>, %arg5: memref<1x64xf32, #tpu.memory_space<vmem>>, %arg6: memref<2000x64xf32, #tpu.memory_space<vmem>>) attributes {dimension_semantics = [#tpu.dimension_semantics<arbitrary>], iteration_bounds = array<i64: 25>, scalar_prefetch = 0 : i64, scratch_operands = 0 : i64, tpu.core_type = #tpu.core_type<tc>, window_params = [{transform_indices = @transform_0, window_bounds = array<i64: 2000, 64>}, {transform_indices = @transform_1, window_bounds = array<i64: 2000, 64>}, {pipeline_mode = #tpu.pipeline_mode<synchronous>, transform_indices = @transform_2, window_bounds = array<i64: 64, 64>}, {pipeline_mode = #tpu.pipeline_mode<synchronous>, transform_indices = @transform_3, window_bounds = array<i64: 64, 64>}, {pipeline_mode = #tpu.pipeline_mode<synchronous>, transform_indices = @transform_4, window_bounds = array<i64: 1, 64>}, {transform_indices = @transform_5, window_bounds = array<i64: 2000, 64>}]} {
    %get3A = arith.constant 0 : index
    %get3A_0 = arith.constant 0 : index
    %get3A_1 = vector.load %arg1[%get3A, %get3A_0] : memref<2000x64xf32, #tpu.memory_space<vmem>>, vector<2000x64xf32>
    %get3A_2 = arith.constant 0 : index
    %get3A_3 = arith.constant 0 : index
    %get3A_4 = vector.load %arg3[%get3A_2, %get3A_3] : memref<64x64xf32, #tpu.memory_space<vmem>>, vector<64x64xf32>
    %dot_general3A = arith.constant dense<0.000000e+00> : vector<2000x64xf32>
    %dot_general3A_5 = tpu.matmul %get3A_1, %get3A_4, %dot_general3A {dimension_numbers = #tpu.dot_dimension_numbers<[1], [0], [0], [1], [0, 0, 1, 1], [], []>, transpose_lhs_hint = false} : vector<2000x64xf32>, vector<64x64xf32>, vector<2000x64xf32> -> vector<2000x64xf32>
    %get3A_6 = arith.constant 0 : index
    %get3A_7 = arith.constant 0 : index
    %get3A_8 = vector.load %arg2[%get3A_6, %get3A_7] : memref<2000x64xf32, #tpu.memory_space<vmem>>, vector<2000x64xf32>
    %get3A_9 = arith.constant 0 : index
    %get3A_10 = arith.constant 0 : index
    %get3A_11 = vector.load %arg4[%get3A_9, %get3A_10] : memref<64x64xf32, #tpu.memory_space<vmem>>, vector<64x64xf32>
    %dot_general3A_12 = arith.constant dense<0.000000e+00> : vector<2000x64xf32>
    %dot_general3A_13 = tpu.matmul %get3A_8, %get3A_11, %dot_general3A_12 {dimension_numbers = #tpu.dot_dimension_numbers<[1], [0], [0], [1], [0, 0, 1, 1], [], []>, transpose_lhs_hint = false} : vector<2000x64xf32>, vector<64x64xf32>, vector<2000x64xf32> -> vector<2000x64xf32>
    %add3A = arith.addf %dot_general3A_5, %dot_general3A_13 : vector<2000x64xf32>
    %get3A_14 = arith.constant 0 : index
    %get3A_15 = arith.constant 0 : index
    %get3A_16 = vector.load %arg5[%get3A_14, %get3A_15] : memref<1x64xf32, #tpu.memory_space<vmem>>, vector<1x64xf32>
    %get3A_17 = vector.shape_cast %get3A_16 : vector<1x64xf32> to vector<64xf32>
    %broadcast_in_dim3A = vector.shape_cast %get3A_17 : vector<64xf32> to vector<1x64xf32>
    %add3A_18 = vector.broadcast %broadcast_in_dim3A : vector<1x64xf32> to vector<2000x64xf32>
    %add3A_19 = arith.addf %add3A, %add3A_18 : vector<2000x64xf32>
    %swap3A = arith.constant 0 : index
    %swap3A_20 = arith.constant 0 : index
    %swap3A_21 = vector.load %arg6[%swap3A, %swap3A_20] : memref<2000x64xf32, #tpu.memory_space<vmem>>, vector<2000x64xf32>
    tpu.vector_store %arg6[%swap3A, %swap3A_20], %add3A_19 {strides = array<i32>} : memref<2000x64xf32, #tpu.memory_space<vmem>>, vector<2000x64xf32>,
    return
  }
  func.func @transform_0(%arg0: i32) -> (i32, i32) {
    %c0_i32 = arith.constant 0 : i32
    %c0_i32_0 = arith.constant 0 : i32
    return %arg0, %c0_i32 : i32, i32
  }
  func.func @transform_1(%arg0: i32) -> (i32, i32) {
    %c0_i32 = arith.constant 0 : i32
    %c0_i32_0 = arith.constant 0 : i32
    return %arg0, %c0_i32 : i32, i32
  }
  func.func @transform_2(%arg0: i32) -> (i32, i32) {
    %c0_i32 = arith.constant 0 : i32
    %c0_i32_0 = arith.constant 0 : i32
    %c0_i32_1 = arith.constant 0 : i32
    return %c0_i32, %c0_i32_0 : i32, i32
  }
  func.func @transform_3(%arg0: i32) -> (i32, i32) {
    %c0_i32 = arith.constant 0 : i32
    %c0_i32_0 = arith.constant 0 : i32
    %c0_i32_1 = arith.constant 0 : i32
    return %c0_i32, %c0_i32_0 : i32, i32
  }
  func.func @transform_4(%arg0: i32) -> (i32, i32) {
    %c0_i32 = arith.constant 0 : i32
    %c0_i32_0 = arith.constant 0 : i32
    %c0_i32_1 = arith.constant 0 : i32
    return %c0_i32, %c0_i32_0 : i32, i32
  }
  func.func @transform_5(%arg0: i32) -> (i32, i32) {
    %c0_i32 = arith.constant 0 : i32
    %c0_i32_0 = arith.constant 0 : i32
    return %arg0, %c0_i32 : i32, i32
  }
}

module attributes {stable_mosaic.version = 14 : i64} {
  func.func @_pool_body(%arg0: i32, %arg1: memref<25xi32, #tpu.memory_space<smem>>, %arg2: memref<25xi32, #tpu.memory_space<smem>>, %arg3: memref<2000x64xf32, #tpu.memory_space<vmem>>, %arg4: memref<1x2000x1xi32, #tpu.memory_space<vmem>>, %arg5: memref<64x64xf32, #tpu.memory_space<vmem>>, %arg6: memref<1x64xf32, #tpu.memory_space<vmem>>, %arg7: memref<64x8xf32, #tpu.memory_space<vmem>>, %arg8: memref<1x8xf32, #tpu.memory_space<vmem>>, %arg9: memref<128x8xf32, #tpu.memory_space<vmem>>, %arg10: memref<128x64xf32, #tpu.memory_space<vmem>>) attributes {dimension_semantics = [#tpu.dimension_semantics<arbitrary>], iteration_bounds = array<i64: 25>, scalar_prefetch = 2 : i64, scratch_operands = 1 : i64, tpu.core_type = #tpu.core_type<tc>, window_params = [{transform_indices = @transform_0, window_bounds = array<i64: 2000, 64>}, {transform_indices = @transform_1, window_bounds = array<i64: 1, 2000, 1>}, {pipeline_mode = #tpu.pipeline_mode<synchronous>, transform_indices = @transform_2, window_bounds = array<i64: 64, 64>}, {pipeline_mode = #tpu.pipeline_mode<synchronous>, transform_indices = @transform_3, window_bounds = array<i64: 1, 64>}, {pipeline_mode = #tpu.pipeline_mode<synchronous>, transform_indices = @transform_4, window_bounds = array<i64: 64, 8>}, {pipeline_mode = #tpu.pipeline_mode<synchronous>, transform_indices = @transform_5, window_bounds = array<i64: 1, 8>}, {pipeline_mode = #tpu.pipeline_mode<synchronous>, transform_indices = @transform_6, window_bounds = array<i64: 128, 8>}]} {
    %eq3A = arith.constant 0 : i32
    %eq3A_0 = arith.cmpi eq, %arg0, %eq3A : i32
    %convert_element_type3A = arith.extui %eq3A_0 : i1 to i32
    %cond3A = arith.constant 0 : i32
    %cond3A_1 = arith.cmpi ne, %convert_element_type3A, %cond3A : i32
    scf.if %cond3A_1 {
      %broadcast_in_dim3A = arith.constant 0xFF800000 : f32
      %broadcast_in_dim3A_29 = vector.broadcast %broadcast_in_dim3A : f32 to vector<128x64xf32>
      %swap3A = arith.constant 0 : index
      %swap3A_30 = arith.constant 0 : index
      %swap3A_31 = vector.load %arg10[%swap3A, %swap3A_30] : memref<128x64xf32, #tpu.memory_space<vmem>>, vector<128x64xf32>
      tpu.vector_store %arg10[%swap3A, %swap3A_30], %broadcast_in_dim3A_29 {strides = array<i32>} : memref<128x64xf32, #tpu.memory_space<vmem>>, vector<128x64xf32>,
    } else {
    }
    %get3A = arith.constant 0 : index
    %get3A_2 = arith.constant 0 : index
    %get3A_3 = vector.load %arg3[%get3A, %get3A_2] : memref<2000x64xf32, #tpu.memory_space<vmem>>, vector<2000x64xf32>
    %get3A_4 = arith.constant 0 : index
    %get3A_5 = arith.constant 0 : index
    %get3A_6 = arith.constant 0 : index
    %get3A_7 = vector.load %arg4[%get3A_4, %get3A_5, %get3A_6] : memref<1x2000x1xi32, #tpu.memory_space<vmem>>, vector<1x2000x1xi32>
    %get3A_8 = vector.shape_cast %get3A_7 : vector<1x2000x1xi32> to vector<2000x1xi32>
    %iota3A = tpu.iota {dimensions = array<i32: 0>} : vector<128x1xi32>
    %get3A_9 = arith.index_cast %arg0 : i32 to index
    %get3A_10 = memref.load %arg1[%get3A_9] : memref<25xi32, #tpu.memory_space<smem>>
    %get3A_11 = arith.index_cast %arg0 : i32 to index
    %get3A_12 = memref.load %arg2[%get3A_11] : memref<25xi32, #tpu.memory_space<smem>>
    %add3A = arith.constant 1 : i32
    %add3A_13 = arith.addi %get3A_12, %add3A : i32
    %while3A = arith.constant 0 : i32
    %while3A_14 = arith.subi %add3A_13, %get3A_10 : i32
    %while3A_15 = arith.addi %get3A_10, %while3A_14 : i32
    %while3A_16 = arith.constant 1 : i32
    %while3A_17 = arith.divsi %while3A_14, %while3A_16 : i32
    %while3A_18 = arith.muli %while3A_17, %while3A_16 : i32
    %while3A_19 = arith.addi %get3A_10, %while3A_18 : i32
    %while3A_20 = arith.constant 1 : i32
    %while3A_21 = scf.for %while3A_29 = %get3A_10 to %while3A_19 step %while3A_20 iter_args(%while3A_30 = %while3A) -> (i32)  : i32 {
      %eq3A_31 = vector.broadcast %while3A_29 : i32 to vector<2000x1xi32>
      %eq3A_32 = arith.cmpi eq, %get3A_8, %eq3A_31 : vector<2000x1xi32>
      %jit3A = arith.constant 0xFF800000 : f32
      %broadcast_in_dim3A = vector.shape_cast %eq3A_32 : vector<2000x1xi1> to vector<2000x1xi1>
      %broadcast_in_dim3A_33 = vector.broadcast %broadcast_in_dim3A : vector<2000x1xi1> to vector<2000x64xi1>
      %broadcast_in_dim3A_34 = vector.broadcast %jit3A : f32 to vector<2000x64xf32>
      %select_n3A = arith.select %broadcast_in_dim3A_33, %get3A_3, %broadcast_in_dim3A_34 : vector<2000x64xi1>, vector<2000x64xf32>
      %reduce_max3A = arith.constant dense<0xFF800000> : vector<64xf32>
      %reduce_max3A_35 = vector.multi_reduction <maximumf>, %select_n3A, %reduce_max3A [0] : vector<2000x64xf32> to vector<64xf32>
      %get3A_36 = arith.constant 0 : index
      %get3A_37 = arith.constant 0 : index
      %get3A_38 = vector.load %arg10[%get3A_36, %get3A_37] : memref<128x64xf32, #tpu.memory_space<vmem>>, vector<128x64xf32>
      %eq3A_39 = vector.broadcast %while3A_29 : i32 to vector<128x1xi32>
      %eq3A_40 = arith.cmpi eq, %iota3A, %eq3A_39 : vector<128x1xi32>
      %broadcast_in_dim3A_41 = vector.shape_cast %reduce_max3A_35 : vector<64xf32> to vector<1x64xf32>
      %jit3A_42 = arith.constant 0xFF800000 : f32
      %broadcast_in_dim3A_43 = vector.shape_cast %eq3A_40 : vector<128x1xi1> to vector<128x1xi1>
      %broadcast_in_dim3A_44 = vector.broadcast %broadcast_in_dim3A_43 : vector<128x1xi1> to vector<128x64xi1>
      %broadcast_in_dim3A_45 = vector.shape_cast %broadcast_in_dim3A_41 : vector<1x64xf32> to vector<1x64xf32>
      %broadcast_in_dim3A_46 = vector.broadcast %broadcast_in_dim3A_45 : vector<1x64xf32> to vector<128x64xf32>
      %broadcast_in_dim3A_47 = vector.broadcast %jit3A_42 : f32 to vector<128x64xf32>
      %select_n3A_48 = arith.select %broadcast_in_dim3A_44, %broadcast_in_dim3A_46, %broadcast_in_dim3A_47 : vector<128x64xi1>, vector<128x64xf32>
      %max3A = arith.maximumf %get3A_38, %select_n3A_48 : vector<128x64xf32>
      %swap3A = arith.constant 0 : index
      %swap3A_49 = arith.constant 0 : index
      %swap3A_50 = vector.load %arg10[%swap3A, %swap3A_49] : memref<128x64xf32, #tpu.memory_space<vmem>>, vector<128x64xf32>
      tpu.vector_store %arg10[%swap3A, %swap3A_49], %max3A {strides = array<i32>} : memref<128x64xf32, #tpu.memory_space<vmem>>, vector<128x64xf32>,
      %while3A_51 = arith.constant 0 : i32
      scf.yield %while3A_51 : i32
    }
    %while3A_22 = arith.constant 1 : i32
    %while3A_23 = scf.for %while3A_29 = %while3A_19 to %while3A_15 step %while3A_22 iter_args(%while3A_30 = %while3A_21) -> (i32)  : i32 {
      %eq3A_31 = vector.broadcast %while3A_29 : i32 to vector<2000x1xi32>
      %eq3A_32 = arith.cmpi eq, %get3A_8, %eq3A_31 : vector<2000x1xi32>
      %jit3A = arith.constant 0xFF800000 : f32
      %broadcast_in_dim3A = vector.shape_cast %eq3A_32 : vector<2000x1xi1> to vector<2000x1xi1>
      %broadcast_in_dim3A_33 = vector.broadcast %broadcast_in_dim3A : vector<2000x1xi1> to vector<2000x64xi1>
      %broadcast_in_dim3A_34 = vector.broadcast %jit3A : f32 to vector<2000x64xf32>
      %select_n3A = arith.select %broadcast_in_dim3A_33, %get3A_3, %broadcast_in_dim3A_34 : vector<2000x64xi1>, vector<2000x64xf32>
      %reduce_max3A = arith.constant dense<0xFF800000> : vector<64xf32>
      %reduce_max3A_35 = vector.multi_reduction <maximumf>, %select_n3A, %reduce_max3A [0] : vector<2000x64xf32> to vector<64xf32>
      %get3A_36 = arith.constant 0 : index
      %get3A_37 = arith.constant 0 : index
      %get3A_38 = vector.load %arg10[%get3A_36, %get3A_37] : memref<128x64xf32, #tpu.memory_space<vmem>>, vector<128x64xf32>
      %eq3A_39 = vector.broadcast %while3A_29 : i32 to vector<128x1xi32>
      %eq3A_40 = arith.cmpi eq, %iota3A, %eq3A_39 : vector<128x1xi32>
      %broadcast_in_dim3A_41 = vector.shape_cast %reduce_max3A_35 : vector<64xf32> to vector<1x64xf32>
      %jit3A_42 = arith.constant 0xFF800000 : f32
      %broadcast_in_dim3A_43 = vector.shape_cast %eq3A_40 : vector<128x1xi1> to vector<128x1xi1>
      %broadcast_in_dim3A_44 = vector.broadcast %broadcast_in_dim3A_43 : vector<128x1xi1> to vector<128x64xi1>
      %broadcast_in_dim3A_45 = vector.shape_cast %broadcast_in_dim3A_41 : vector<1x64xf32> to vector<1x64xf32>
      %broadcast_in_dim3A_46 = vector.broadcast %broadcast_in_dim3A_45 : vector<1x64xf32> to vector<128x64xf32>
      %broadcast_in_dim3A_47 = vector.broadcast %jit3A_42 : f32 to vector<128x64xf32>
      %select_n3A_48 = arith.select %broadcast_in_dim3A_44, %broadcast_in_dim3A_46, %broadcast_in_dim3A_47 : vector<128x64xi1>, vector<128x64xf32>
      %max3A = arith.maximumf %get3A_38, %select_n3A_48 : vector<128x64xf32>
      %swap3A = arith.constant 0 : index
      %swap3A_49 = arith.constant 0 : index
      %swap3A_50 = vector.load %arg10[%swap3A, %swap3A_49] : memref<128x64xf32, #tpu.memory_space<vmem>>, vector<128x64xf32>
      tpu.vector_store %arg10[%swap3A, %swap3A_49], %max3A {strides = array<i32>} : memref<128x64xf32, #tpu.memory_space<vmem>>, vector<128x64xf32>,
      %while3A_51 = arith.constant 0 : i32
      scf.yield %while3A_51 : i32
    }
    %eq3A_24 = arith.constant 24 : i32
    %eq3A_25 = arith.cmpi eq, %arg0, %eq3A_24 : i32
    %convert_element_type3A_26 = arith.extui %eq3A_25 : i1 to i32
    %cond3A_27 = arith.constant 0 : i32
    %cond3A_28 = arith.cmpi ne, %convert_element_type3A_26, %cond3A_27 : i32
    scf.if %cond3A_28 {
      %get3A_29 = arith.constant 0 : index
      %get3A_30 = arith.constant 0 : index
      %get3A_31 = vector.load %arg10[%get3A_29, %get3A_30] : memref<128x64xf32, #tpu.memory_space<vmem>>, vector<128x64xf32>
      %get3A_32 = arith.constant 0 : index
      %get3A_33 = arith.constant 0 : index
      %get3A_34 = vector.load %arg5[%get3A_32, %get3A_33] : memref<64x64xf32, #tpu.memory_space<vmem>>, vector<64x64xf32>
      %dot_general3A = arith.constant dense<0.000000e+00> : vector<128x64xf32>
      %dot_general3A_35 = tpu.matmul %get3A_31, %get3A_34, %dot_general3A {dimension_numbers = #tpu.dot_dimension_numbers<[1], [0], [0], [1], [0, 0, 1, 1], [], []>, transpose_lhs_hint = false} : vector<128x64xf32>, vector<64x64xf32>, vector<128x64xf32> -> vector<128x64xf32>
      %get3A_36 = arith.constant 0 : index
      %get3A_37 = arith.constant 0 : index
      %get3A_38 = vector.load %arg6[%get3A_36, %get3A_37] : memref<1x64xf32, #tpu.memory_space<vmem>>, vector<1x64xf32>
      %get3A_39 = vector.shape_cast %get3A_38 : vector<1x64xf32> to vector<64xf32>
      %broadcast_in_dim3A = vector.shape_cast %get3A_39 : vector<64xf32> to vector<1x64xf32>
      %add3A_40 = vector.broadcast %broadcast_in_dim3A : vector<1x64xf32> to vector<128x64xf32>
      %add3A_41 = arith.addf %dot_general3A_35, %add3A_40 : vector<128x64xf32>
      %ge3A = arith.constant 0.000000e+00 : f32
      %ge3A_42 = vector.broadcast %ge3A : f32 to vector<128x64xf32>
      %ge3A_43 = arith.cmpf oge, %add3A_41, %ge3A_42 : vector<128x64xf32>
      %mul3A = arith.constant 0.00999999977 : f32
      %mul3A_44 = vector.broadcast %mul3A : f32 to vector<128x64xf32>
      %mul3A_45 = arith.mulf %mul3A_44, %add3A_41 : vector<128x64xf32>
      %select_n3A = arith.select %ge3A_43, %add3A_41, %mul3A_45 : vector<128x64xi1>, vector<128x64xf32>
      %get3A_46 = arith.constant 0 : index
      %get3A_47 = arith.constant 0 : index
      %get3A_48 = vector.load %arg7[%get3A_46, %get3A_47] : memref<64x8xf32, #tpu.memory_space<vmem>>, vector<64x8xf32>
      %dot_general3A_49 = arith.constant dense<0.000000e+00> : vector<128x8xf32>
      %dot_general3A_50 = tpu.matmul %select_n3A, %get3A_48, %dot_general3A_49 {dimension_numbers = #tpu.dot_dimension_numbers<[1], [0], [0], [1], [0, 0, 1, 1], [], []>, transpose_lhs_hint = false} : vector<128x64xf32>, vector<64x8xf32>, vector<128x8xf32> -> vector<128x8xf32>
      %get3A_51 = arith.constant 0 : index
      %get3A_52 = arith.constant 0 : index
      %get3A_53 = vector.load %arg8[%get3A_51, %get3A_52] : memref<1x8xf32, #tpu.memory_space<vmem>>, vector<1x8xf32>
      %get3A_54 = vector.shape_cast %get3A_53 : vector<1x8xf32> to vector<8xf32>
      %broadcast_in_dim3A_55 = vector.shape_cast %get3A_54 : vector<8xf32> to vector<1x8xf32>
      %add3A_56 = vector.broadcast %broadcast_in_dim3A_55 : vector<1x8xf32> to vector<128x8xf32>
      %add3A_57 = arith.addf %dot_general3A_50, %add3A_56 : vector<128x8xf32>
      %swap3A = arith.constant 0 : index
      %swap3A_58 = arith.constant 0 : index
      %swap3A_59 = vector.load %arg9[%swap3A, %swap3A_58] : memref<128x8xf32, #tpu.memory_space<vmem>>, vector<128x8xf32>
      tpu.vector_store %arg9[%swap3A, %swap3A_58], %add3A_57 {strides = array<i32>} : memref<128x8xf32, #tpu.memory_space<vmem>>, vector<128x8xf32>,
    } else {
    }
    return
  }
  func.func @transform_0(%arg0: i32, %arg1: memref<25xi32, #tpu.memory_space<smem>>, %arg2: memref<25xi32, #tpu.memory_space<smem>>) -> (i32, i32) {
    %c0_i32 = arith.constant 0 : i32
    %c0_i32_0 = arith.constant 0 : i32
    return %arg0, %c0_i32 : i32, i32
  }
  func.func @transform_1(%arg0: i32, %arg1: memref<25xi32, #tpu.memory_space<smem>>, %arg2: memref<25xi32, #tpu.memory_space<smem>>) -> (i32, i32, i32) {
    %c0_i32 = arith.constant 0 : i32
    %c0_i32_0 = arith.constant 0 : i32
    %c0_i32_1 = arith.constant 0 : i32
    return %arg0, %c0_i32, %c0_i32_0 : i32, i32, i32
  }
  func.func @transform_2(%arg0: i32, %arg1: memref<25xi32, #tpu.memory_space<smem>>, %arg2: memref<25xi32, #tpu.memory_space<smem>>) -> (i32, i32) {
    %c0_i32 = arith.constant 0 : i32
    %c0_i32_0 = arith.constant 0 : i32
    %c0_i32_1 = arith.constant 0 : i32
    return %c0_i32, %c0_i32_0 : i32, i32
  }
  func.func @transform_3(%arg0: i32, %arg1: memref<25xi32, #tpu.memory_space<smem>>, %arg2: memref<25xi32, #tpu.memory_space<smem>>) -> (i32, i32) {
    %c0_i32 = arith.constant 0 : i32
    %c0_i32_0 = arith.constant 0 : i32
    %c0_i32_1 = arith.constant 0 : i32
    return %c0_i32, %c0_i32_0 : i32, i32
  }
  func.func @transform_4(%arg0: i32, %arg1: memref<25xi32, #tpu.memory_space<smem>>, %arg2: memref<25xi32, #tpu.memory_space<smem>>) -> (i32, i32) {
    %c0_i32 = arith.constant 0 : i32
    %c0_i32_0 = arith.constant 0 : i32
    %c0_i32_1 = arith.constant 0 : i32
    return %c0_i32, %c0_i32_0 : i32, i32
  }
  func.func @transform_5(%arg0: i32, %arg1: memref<25xi32, #tpu.memory_space<smem>>, %arg2: memref<25xi32, #tpu.memory_space<smem>>) -> (i32, i32) {
    %c0_i32 = arith.constant 0 : i32
    %c0_i32_0 = arith.constant 0 : i32
    %c0_i32_1 = arith.constant 0 : i32
    return %c0_i32, %c0_i32_0 : i32, i32
  }
  func.func @transform_6(%arg0: i32, %arg1: memref<25xi32, #tpu.memory_space<smem>>, %arg2: memref<25xi32, #tpu.memory_space<smem>>) -> (i32, i32) {
    %c0_i32 = arith.constant 0 : i32
    %c0_i32_0 = arith.constant 0 : i32
    %c0_i32_1 = arith.constant 0 : i32
    return %c0_i32, %c0_i32_0 : i32, i32
  }
}

</mosaic_0001>

<sc_bundles>
// kernel: kernel.12.cloned.1.call-start
scs
__scs_entry_jumppad:
0x0: {  	(pc) =	sbr.rel $0x88, $3  }
0x1: {  	(tag) =	ssettag $0x0;
	lr =	simm.s32 $0x1  }
0x2: {  	[smem:$0x3F88] =	sst lr;
	_ =	strace $0xD0000000  }
0x3: {  	_ = 	snop  }
0x4: {  	_ = 	snop  }
0x5: {  	_ = 	snop  }
0x6: {  	_ = 	snop  }
0x7: {  	_ = 	snop  }
__scs_overlays_trampoline_lowered:
0x8: {  	[smem:$0x3F97] =	sst s0  }
0x9: {  	[smem:$0x3F98] =	sst s1  }
0xa: {  	[smem:$0x3F99] =	sst s2  }
0xb: {  	[smem:$0x3F9A] =	sst s3  }
0xc: {  	[smem:$0x3F9B] =	sst s4  }
0xd: {  	[smem:$0x3F9C] =	sst s5  }
0xe: {  	[smem:$0x3F9D] =	sst s6  }
0xf: {  	[smem:$0x3F9E] =	sst s7  }
0x10: {  	[smem:$0x3F9F] =	sst s8  }
0x11: {  	[smem:$0x3FA0] =	sst s9;
	s0 =	simm.s32 @!p0 $0x0  }
0x12: {  	s1 =	sld [smem:$0x3F86];
	s0 =	simm.s32 @p0 $0x1  }
0x13: {  	[smem:$0x3FA1] =	sst s0;
	s0 =	simm.s32 @!p1 $0x0  }
0x14: {  	s2 =	sld [smem:$0x3F85];
	s0 =	simm.s32 @p1 $0x1  }
0x15: {  	[smem:$0x3FA2] =	sst s0;
	s0 =	simm.s32 @!p2 $0x0  }
0x16: {  	s3 =	sld [smem:$0x3FDB];
	s0 =	simm.s32 @p2 $0x1  }
0x17: {  	s4 =	simm.s32 $0x1BF5;
	[smem:$0x3FA4] =	sst s0  }
0x18: {  	s0 =	sld [smem:$0x3F87];
	_ =	swait.ge [sflag:s4], $0x0  }
0x19: {  	s7 =	sld [smem:$0x3F88]  }
0x1a: {  	s8 =	sadd.s32 $0xFFFFE003, lr  }
0x1b: {  	s9 =	sadd.s32 $0xFFFFFEF7, lr;
	s5 =	simm.s32 $0xFFFFFFFF;
	p2 =	slt.u32 s8, $0xFFFFF086  }
0x1c: {  	p1 =	slt.u32 s9, $0xF7A;
	s5 =	simm.s32 @!p2 $0x0  }
0x1d: {  	s5 =	simm.s32 @p1 $0x1;
	p0 =	seq.s32 s7, s2  }
0x1e: {  	s7 =	smul.u32 @!p0 $0xF7A, s2;
	p2 =	seq.s32 @!p0 s5, $0x0  }
0x1f: {  	s9 =	smul.u32 $0xF7A, s1;
	s8 =	simm.s32 @!p0 $0x1BF5;
	p2 =	por !p2, p0  }
0x20: {  	[sflag:s8] =	ssyncset.s32 @!p0 $0xFFFFF086;
	s6 =	sadd.s32 @!p0 s3, s7;
	s7 =	simm.s32 @!p0 $0x108  }
0x21: {  	s3 =	sadd.s32 s3, s9;
	s6 =	sadd.s32 @!p0 $0x88, s6;
	s7 =	simm.s32 @p2 $0x1082  }
0x22: {  	[simem:s7], [sflag:s8] =	dma.local @!p0 [hbm:s6], $0xF7A  }
0x23: {  	s9 =	sor.u32 $0xD0000000, s2;
	s6 =	simm.s32 $0x108;
	_ =	swait.ge @!p0 [sflag:s8], $0x0  }
0x24: {  	s3 =	sadd.s32 $0x88, s3;
	s6 =	simm.s32 @!p1 $0x1082;
	[sflag:s4] =	ssyncset.s32 $0xFFFFF086  }
0x25: {  	[simem:s6], [sflag:s4] =	dma.local [hbm:s3], $0xF7A  }
0x26: {  	[smem:$0x3F88] =	sst s1;
	(tag) =	ssettag s2;
	_ =	strace s9  }
0x27: {  	s1 =	sld [smem:$0x3F98]  }
0x28: {  	s2 =	sld [smem:$0x3F99]  }
0x29: {  	s4 =	sld [smem:$0x3F9B]  }
0x2a: {  	p0 =	seq.s32 s5, $0x0;
	s5 =	sld [smem:$0x3F9C]  }
0x2b: {  	s6 =	sld [smem:$0x3F9D]  }
0x2c: {  	s7 =	sld [smem:$0x3F9E]  }
0x2d: {  	s3 =	simm.s32 $0x108;
	s8 =	sld [smem:$0x3F9F]  }
0x2e: {  	s3 =	simm.s32 @!p0 $0x1082;
	s9 =	sld [smem:$0x3FA0]  }
0x2f: {  	lr =	sadd.s32 s0, s3;
	s0 =	sld [smem:$0x3F97]  }
0x30: {  	s3 =	sld [smem:$0x3F9A]  }
0x31: {  	[smem:$0x3FA3] =	sst s10  }
0x32: {  	s10 =	sld [smem:$0x3FA1];
	_ =	sdelay $0x3  }
0x33: {  	p0 =	seq.s32 s10, $0x1;
	s10 =	sld [smem:$0x3FA3];
	_ =	sdelay $0x3  }
0x34: {  	[smem:$0x3FA3] =	sst s10  }
0x35: {  	s10 =	sld [smem:$0x3FA2];
	_ =	sdelay $0x3  }
0x36: {  	p1 =	seq.s32 s10, $0x1;
	s10 =	sld [smem:$0x3FA3];
	_ =	sdelay $0x3  }
0x37: {  	[smem:$0x3FA3] =	sst s10  }
0x38: {  	s10 =	sld [smem:$0x3FA4]  }
0x39: {  	_ = 	snop;
	(pc) =	sbr.ind lr, $3  }
0x3a: {  	_ = 	snop  }
0x3b: {  	_ = 	snop  }
0x3c: {  	p2 =	seq.s32 s10, $0x1;
	s10 =	sld [smem:$0x3FA3]  }
0x3d: {  	_ =	shalt  }
0x3e: {  	_ =	shalt  }
0x3f: {  	_ =	shalt  }
0x40: {  	_ =	shalt  }
0x41: {  	_ =	shalt  }
0x42: {  	_ =	shalt  }
0x43: {  	_ =	shalt  }
0x44: {  	_ =	shalt  }
0x45: {  	_ =	shalt  }
0x46: {  	_ =	shalt  }
0x47: {  	_ =	shalt  }
0x48: {  	_ =	shalt  }
0x49: {  	_ =	shalt  }
0x4a: {  	_ =	shalt  }
0x4b: {  	_ =	shalt  }
0x4c: {  	_ =	shalt  }
0x4d: {  	_ =	shalt  }
0x4e: {  	_ =	shalt  }
0x4f: {  	_ =	shalt  }
0x50: {  	_ =	shalt  }
0x51: {  	_ =	shalt  }
0x52: {  	_ =	shalt  }
0x53: {  	_ =	shalt  }
0x54: {  	_ =	shalt  }
0x55: {  	_ =	shalt  }
0x56: {  	_ =	shalt  }
0x57: {  	_ =	shalt  }
0x58: {  	_ =	shalt  }
0x59: {  	_ =	shalt  }
0x5a: {  	_ =	shalt  }
0x5b: {  	_ =	shalt  }
0x5c: {  	_ =	shalt  }
0x5d: {  	_ =	shalt  }
0x5e: {  	_ =	shalt  }
0x5f: {  	_ =	shalt  }
0x60: {  	_ =	shalt  }
0x61: {  	_ =	shalt  }
0x62: {  	_ =	shalt  }
0x63: {  	_ =	shalt  }
0x64: {  	_ =	shalt  }
0x65: {  	_ =	shalt  }
0x66: {  	_ =	shalt  }
0x67: {  	_ =	shalt  }
0x68: {  	_ =	shalt  }
0x69: {  	_ =	shalt  }
0x6a: {  	_ =	shalt  }
0x6b: {  	_ =	shalt  }
0x6c: {  	_ =	shalt  }
0x6d: {  	_ =	shalt  }
0x6e: {  	_ =	shalt  }
0x6f: {  	_ =	shalt  }
0x70: {  	_ =	shalt  }
0x71: {  	_ =	shalt  }
0x72: {  	_ =	shalt  }
0x73: {  	_ =	shalt  }
0x74: {  	_ =	shalt  }
0x75: {  	_ =	shalt  }
0x76: {  	_ =	shalt  }
0x77: {  	_ =	shalt  }
0x78: {  	_ =	shalt  }
0x79: {  	_ =	shalt  }
0x7a: {  	_ =	shalt  }
0x7b: {  	_ =	shalt  }
0x7c: {  	_ =	shalt  }
0x7d: {  	_ =	shalt  }
0x7e: {  	_ =	shalt  }
0x7f: {  	_ =	shalt  }
0x80: {  	_ =	shalt  }
0x81: {  	_ =	shalt  }
0x82: {  	_ =	shalt  }
0x83: {  	_ =	shalt  }
0x84: {  	_ =	shalt  }
0x85: {  	_ =	shalt  }
0x86: {  	_ =	shalt  }
0x87: {  	_ =	shalt  }
.Lfunc_end0:
.L_simem_size_0:
called_computation.1_lowered:
.L_overlay_start_0:
0x88: {  	s2 =	sld [smem:$0x3FD9]  }
0x89: {  	s3 =	sld [smem:$0x3FFE];
	_ =	sdelay $0x1  }
0x8a: {  	s1 =	srdreg.scid  }
0x8b: {  	s0 =	sand.u32 $0x1, s1  }
0x8c: {  	s16 =	sshll.u32 s0, $0xA;
	s2 =	sadd.s32 s3, s2  }
0x8d: {  	s2 =	sadd.s32 s2, s16  }
0x8e: {  	[smem:$0x3FAF] =	sst s2  }
0x8f: {  	_ = 	snop  }
0x90: {  	(tm) =	ssettm $0x1  }
0x91: {  	s17 =	sld [smem:$0x3FFB];
	_ =	sdelay $0x3  }
0x92: {  	_ =	strace s17  }
0x93: {  	s2 =	sld [smem:$0x3FFC];
	_ =	sdelay $0x3  }
0x94: {  	_ =	strace s2  }
0x95: {  	s2 =	sld [smem:$0x3FFD];
	_ =	sdelay $0x3  }
0x96: {  	_ =	strace s2  }
0x97: {  	_ =	strace $0x8FFFFFFF  }
0x98: {  	s18 =	sld [smem:$0x3FDB];
	_ =	sdelay $0x1  }
0x99: {  	s19 =	simm.s32 $_scs_section_size  }
0x9a: {  	s4 =	simm.s32 $_size__tile_overlayer_lowered;
	s5 =	simm.s32 $_tile_overlayer_lowered  }
0x9b: {  	s22 =	simm.s32 $0x1BFF;
	s21 =	sshll.u32 s5, $0x1;
	s2 =	sadd.s32 s19, s18  }
0x9c: {  	s6 =	simm.s32 $0x0;
	s20 =	sshll.u32 s4, $0x1;
	s4 =	sadd.s32 s21, s2  }
0x9d: {  	[timem:s6], [sflag:s22] =	dma.local [hbm:s4], s20  }
0x9e: {  	_ =	swait.ge [sflag:s22], s20  }
0x9f: {  	s3 =	ssub.s32 $0x0, s20;
	[sflag:s22] =	ssyncset.done $0x0  }
0xa0: {  	[sflag:s22] =	ssyncadd.s32 s3;
	_ =	sdelay $0x1  }
0xa1: {  	s23 =	simm.s32 $0x1B8B  }
0xa2: {  	_ =	swait.ge [sflag:s23], $0x1  }
0xa3: {  	[sflag:s23] =	ssyncset.done $0x0  }
0xa4: {  	s25 =	simm.s32 $0x1B8E;
	s24 =	sld [smem:$0x3FFE];
	[sflag:s23] =	ssyncadd.s32 $0xFFFFFFFF  }
0xa5: {  	s26 =	simm.s32 $execute0_lowered;
	[smem:$0x3FD2] =	sst s25  }
0xa6: {  	s4 =	sshll.u32 s26, $0x1;
	_ =	strace $0x80000049;
	[dreg:$0x1] =	wrdreg $0xFFFFFFFF  }
0xa7: {  	s28 =	simm.s32 $_size_execute0_lowered;
	s2 =	sadd.s32 s2, s4;
	[dreg:$0x0] =	wrdreg $0x0  }
0xa8: {  	s4 =	sshll.u32 s28, $0x1;
	[dreg:$0x2] =	wrdreg s2  }
0xa9: {  	[dreg:$0x3] =	wrdreg s4  }
0xaa: {  	[dreg:$0x4] =	wrdreg $0xC0  }
0xab: {  	_ =	task [dreg:s6], $0x5FFFF  }
0xac: {  	[dreg:$0x1] =	wrdreg $0xFFFFFFFF  }
0xad: {  	[dreg:$0x0] =	wrdreg $0x60  }
0xae: {  	[dreg:$0x2] =	wrdreg s24  }
0xaf: {  	[dreg:$0x3] =	wrdreg $0x0  }
0xb0: {  	[dreg:$0x4] =	wrdreg $0x9  }
0xb1: {  	_ =	task.clear_ibuf [dreg:s6], $0x5FFFF;
	_ =	strace $0x90000049  }
0xb2: {  	s29 =	simm.s32 $0x9;
	_ =	strace $0x8000004B  }
0xb3: {  	_ =	swait.ge [sflag:s29], $0x1  }
0xb4: {  	[sflag:s29] =	ssyncadd.s32 $0xFFFFFFFF  }
0xb5: {  	_ =	strace $0x9000004B  }
0xb6: {  	_ =	sfence  }
0xb7: {  	s30 =	sld [smem:$0x0];
	_ =	sdelay $0x2  }
0xb8: {  	s31 =	sshll.u32 s1, $0xD;
	s1 =	sshrl.u32 s1, $0x2  }
0xb9: {  	s3 =	sand.u32 $0x4000, s31;
	s1 =	sadd.s32 s1, s30  }
0xba: {  	s0 =	sor.u32 s3, s0;
	s1 =	sshll.u32 s1, $0x11  }
0xbb: {  	s0 =	sor.u32 s1, s0  }
0xbc: {  	s0 =	sadd.s32 $0x8F2B, s0  }
0xbd: {  	[sflag:s0] =	ssyncadd.remote.s32 $0x1  }
0xbe: {  	_ =	sfence.sel $0xFFFF  }
0xbf: {  	[dreg:$0x0] =	wrdreg $0xFFFFFFFF;
	(pc) =	sbr.abs _section_cstart, $3  }
0xc0: {  	[dreg:$0x1] =	wrdreg $0xFFFFFFFF  }
0xc1: {  	_ =	task.clear_ibuf [dreg:s6], $0x2FFFF;
	_ =	strace $0x9FFFFFFF  }
0xc2: {  	(tm) =	ssettm $0x7FFFFFFF  }
0xc3: {  	_ =	shalt  }
tec
execute0_lowered:
.L_overlay_start_1:
0x0: {  	(tag) =	ssettag $0x1  }
0x1: {  	s5 =	rddreg [dreg:$0x0]  }
0x2: {  	s2 =	rddreg [dreg:$0x1]  }
0x3: {  	s3 =	simm.s32 $0x0;
	s0 =	stileid.u32;
	s4 =	srdreg.scid  }
0x4: {  	s19 =	simm.s32 $0x80;
	s20 =	simm.s32 $0x18900;
	s21 =	simm.s32 $0x18880  }
0x5: {  	s22 =	simm.s32 $0x1A900;
	s23 =	simm.s32 $0x1C900;
	s24 =	simm.s32 $0x1  }
0x6: {  	s25 =	simm.s32 $0x2;
	s26 =	simm.s32 $0x0;
	s6 =	smul.u32 $0x18800, s0  }
0x7: {  	[smem:$0x7FF] =	sst s3;
	s7 =	sand.u32 $0x1, s4;
	s12 =	smul.u32 $0xC400, s0  }
0x8: {  	s4 =	sadd.s32 $0xC7A00, s5;
	s14 =	sadd.s32 $0x7D9A00, s5;
	s17 =	smul.u32 $0x1880, s0  }
0x9: {  	s15 =	sadd.s32 $0x18B400, s5;
	s28 =	sshll.u32 s0, $0x6;
	s8 =	smul.u32 $0x188000, s7  }
0xa: {  	_ =	strace $0x8000004A;
	s10 =	ssub.s32 $0x2, s7;
	s7 =	smul.u32 $0xC4000, s7  }
0xb: {  	s9 =	sshrl.u32 s6, $0x3;
	s11 =	sshrl.u32 s10, $0x1;
	s16 =	sadd.s32 s6, s2  }
0xc: {  	s29 =	sshrl.u32 s12, $0x3;
	s9 =	sadd.s32 s9, s5;
	s8 =	sadd.s32 s6, s8  }
0xd: {  	s10 =	ssub.s32 s10, s11;
	s6 =	sor.u32 $0x1C03, s28;
	s13 =	sadd.s32 s12, s7  }
0xe: {  	s7 =	sadd.s32 s14, s29;
	s14 =	sadd.s32 s17, s14;
	s16 =	sshrl.u32 s16, $0x3  }
0xf: {  	s17 =	simm.s32 $0x3;
	s8 =	sshrl.u32 s8, $0x3;
	s30 =	sshrl.u32 s13, $0x3  }
0x10: {  	s11 =	sadd.s32 $0x1870, s7;
	s18 =	sor.u32 $0x80, s13;
	s8 =	sadd.s32 s8, s5  }
0x11: {  	s5 =	sadd.s32 $0x129600, s9;
	s9 =	smax.u32 s10, $0x1;
	s10 =	sadd.s32 s30, s15  }
0x12: {  	s31 =	sshrl.u32 s18, $0x3;
	s18 =	simm.s32 $0x18800;
	s8 =	sadd.s32 $0x1BC400, s8  }
0x13: {  	s12 =	sadd.s32 $0x1860, s10;
	s13 =	sadd.s32 $0x1870, s10;
	s15 =	sadd.s32 s31, s15  }
.LBB2_1:
0x14: {  	[spmem:s16], [sflag:s6] =	dma.local [hbm:s5], $0x3100  }
0x15: {  	_ =	swait.ge [sflag:s17], $0x3100  }
0x16: {  	[sflag:s17] =	ssyncset.done $0x0  }
0x17: {  	[sflag:s17] =	ssyncadd.s32 $0xFFFFCF00  }
0x18: {  	[bflag:$0x0] =	sbarrier.arrive $0xFFFF  }
0x19: {  	[tilespmem:s18], [sflag:$0x3] =	stream.linear.gather [hbm4b:s7+s3], $0x80, $0x38;
	[tilespmem:$0x1C980] =	vst v63  }
0x1a: {  	_ =	swait.ge [sflag:s17], $0x80  }
0x1b: {  	[sflag:s17] =	ssyncset.done $0x0  }
0x1c: {  	s28 =	sadd.s32 $0x0, s14;
	[sflag:s17] =	ssyncadd.s32 $0xFFFFFF80  }
0x1d: {  	[tilespmem:s20], [sflag:$0x1] =	stream.indirect.gather [hbm4b:s4+s19], $0x40, s18, s19, $0xb8;
	[tilespmem:$0x1C980] =	vst v63  }
0x1e: {  	s29 =	sadd.s32 $0x10, s28  }
0x1f: {  	[tilespmem:s21], [sflag:$0x3] =	stream.linear.gather [hbm4b:s29+s3], $0x80, $0x38;
	[tilespmem:$0x1C980] =	vst v63  }
0x20: {  	_ =	swait.ge [sflag:s17], $0x80  }
0x21: {  	[sflag:s17] =	ssyncset.done $0x0  }
0x22: {  	[sflag:s17] =	ssyncadd.s32 $0xFFFFFF80  }
0x23: {  	[tilespmem:s22], [sflag:$0x2] =	stream.indirect.gather [hbm4b:s4+s19], $0x40, s21, s19, $0xb8;
	[tilespmem:$0x1C980] =	vst v63  }
0x24: {  	s1 =	sadd.s32 $0x0, s10  }
0x25: {  	[tilespmem:s23], [sflag:$0x3] =	stream.linear.gather [hbm4b:s1+s3], $0x80, $0x38;
	[tilespmem:$0x1C980] =	vst v63  }
0x26: {  	_ =	swait.ge [sflag:s17], $0x80  }
0x27: {  	[sflag:s17] =	ssyncset.done $0x0  }
0x28: {  	[sflag:s17] =	ssyncadd.s32 $0xFFFFFF80  }
0x29: {  	_ =	swait.ge [sflag:s24], $0x2000  }
0x2a: {  	[sflag:s24] =	ssyncset.done $0x0  }
0x2b: {  	[sflag:s24] =	ssyncadd.s32 $0xFFFFE000  }
0x2c: {  	[spmem:s2] =	stream.indirect.scatter.add.f32 [tilespmem:s20], [sflag:$0x3], $0x40, s23, s19, $0xb8;
	[tilespmem:$0x1C980] =	vst v63  }
0x2d: {  	_ =	swait.ge [sflag:s17], $0x2000  }
0x2e: {  	[sflag:s17] =	ssyncset.done $0x0  }
0x2f: {  	s28 =	sadd.s32 $0x20, s28;
	[sflag:s17] =	ssyncadd.s32 $0xFFFFE000  }
0x30: {  	[tilespmem:s18], [sflag:$0x3] =	stream.linear.gather [hbm4b:s28+s3], $0x80, $0x38;
	[tilespmem:$0x1C980] =	vst v63  }
0x31: {  	_ =	swait.ge [sflag:s17], $0x80  }
0x32: {  	[sflag:s17] =	ssyncset.done $0x0  }
0x33: {  	[sflag:s17] =	ssyncadd.s32 $0xFFFFFF80  }
0x34: {  	[tilespmem:s20], [sflag:$0x1] =	stream.indirect.gather [hbm4b:s4+s19], $0x40, s18, s19, $0xb8;
	[tilespmem:$0x1C980] =	vst v63  }
0x35: {  	s28 =	sadd.s32 $0x0, s15  }
0x36: {  	[tilespmem:s23], [sflag:$0x3] =	stream.linear.gather [hbm4b:s28+s3], $0x80, $0x38;
	[tilespmem:$0x1C980] =	vst v63  }
0x37: {  	_ =	swait.ge [sflag:s17], $0x80  }
0x38: {  	[sflag:s17] =	ssyncset.done $0x0  }
0x39: {  	[sflag:s17] =	ssyncadd.s32 $0xFFFFFF80  }
0x3a: {  	_ =	swait.ge [sflag:s25], $0x2000  }
0x3b: {  	[sflag:s25] =	ssyncset.done $0x0  }
0x3c: {  	[sflag:s25] =	ssyncadd.s32 $0xFFFFE000  }
0x3d: {  	[spmem:s2] =	stream.indirect.scatter.add.f32 [tilespmem:s22], [sflag:$0x3], $0x40, s23, s19, $0xb8;
	[tilespmem:$0x1C980] =	vst v63  }
0x3e: {  	s31 =	simm.s32 $0x40;
	_ =	swait.ge [sflag:s17], $0x2000  }
0x3f: {  	s30 =	sadd.s32 $0x20, s14;
	s28 =	simm.s32 $0x20;
	[sflag:s17] =	ssyncset.done $0x0  }
.LBB2_2:
0x40: {  	s0 =	sadd.s32 $0x10, s30  }
0x41: {  	[sflag:s17] =	ssyncadd.s32 $0xFFFFE000;
	s1 =	smov.u32 s31;
	s29 =	sadd.s32 $0x20, s31  }
0x42: {  	[tilespmem:s21], [sflag:$0x3] =	stream.linear.gather [hbm4b:s0+s3], $0x80, $0x38;
	[tilespmem:$0x1C980] =	vst v63  }
0x43: {  	p0 =	sne.s32 s31, $0x1840;
	_ =	swait.ge [sflag:s17], $0x80  }
0x44: {  	[sflag:s17] =	ssyncset.done $0x0  }
0x45: {  	[sflag:s17] =	ssyncadd.s32 $0xFFFFFF80  }
0x46: {  	[tilespmem:s22], [sflag:$0x2] =	stream.indirect.gather [hbm4b:s4+s19], $0x40, s21, s19, $0xb8;
	[tilespmem:$0x1C980] =	vst v63  }
0x47: {  	s0 =	sadd.s32 s28, s10  }
0x48: {  	[tilespmem:s23], [sflag:$0x3] =	stream.linear.gather [hbm4b:s0+s3], $0x80, $0x38;
	[tilespmem:$0x1C980] =	vst v63  }
0x49: {  	_ =	swait.ge [sflag:s17], $0x80  }
0x4a: {  	[sflag:s17] =	ssyncset.done $0x0  }
0x4b: {  	[sflag:s17] =	ssyncadd.s32 $0xFFFFFF80  }
0x4c: {  	_ =	swait.ge [sflag:s24], $0x2000  }
0x4d: {  	[sflag:s24] =	ssyncset.done $0x0  }
0x4e: {  	[sflag:s24] =	ssyncadd.s32 $0xFFFFE000  }
0x4f: {  	[spmem:s2] =	stream.indirect.scatter.add.f32 [tilespmem:s20], [sflag:$0x3], $0x40, s23, s19, $0xb8;
	[tilespmem:$0x1C980] =	vst v63  }
0x50: {  	_ =	swait.ge [sflag:s17], $0x2000  }
0x51: {  	[sflag:s17] =	ssyncset.done $0x0  }
0x52: {  	s0 =	sadd.s32 $0x20, s30;
	[sflag:s17] =	ssyncadd.s32 $0xFFFFE000  }
0x53: {  	[tilespmem:s18], [sflag:$0x3] =	stream.linear.gather [hbm4b:s0+s3], $0x80, $0x38;
	[tilespmem:$0x1C980] =	vst v63  }
0x54: {  	_ =	swait.ge [sflag:s17], $0x80  }
0x55: {  	[sflag:s17] =	ssyncset.done $0x0  }
0x56: {  	[sflag:s17] =	ssyncadd.s32 $0xFFFFFF80  }
0x57: {  	[tilespmem:s20], [sflag:$0x1] =	stream.indirect.gather [hbm4b:s4+s19], $0x40, s18, s19, $0xb8;
	[tilespmem:$0x1C980] =	vst v63  }
0x58: {  	s0 =	sadd.s32 s28, s15;
	s28 =	smov.u32 s1  }
0x59: {  	[tilespmem:s23], [sflag:$0x3] =	stream.linear.gather [hbm4b:s0+s3], $0x80, $0x38;
	[tilespmem:$0x1C980] =	vst v63  }
0x5a: {  	_ =	swait.ge [sflag:s17], $0x80  }
0x5b: {  	[sflag:s17] =	ssyncset.done $0x0  }
0x5c: {  	[sflag:s17] =	ssyncadd.s32 $0xFFFFFF80  }
0x5d: {  	_ =	swait.ge [sflag:s25], $0x2000  }
.Ltmp0:
0x5e: {  	[sflag:s25] =	ssyncset.done $0x0;
	(pc) =	sbr.rel @p0 .LBB2_2-.Ltmp0, $4  }
0x5f: {  	[sflag:s25] =	ssyncadd.s32 $0xFFFFE000  }
0x60: {  	[spmem:s2] =	stream.indirect.scatter.add.f32 [tilespmem:s22], [sflag:$0x3], $0x40, s23, s19, $0xb8;
	[tilespmem:$0x1C980] =	vst v63  }
0x61: {  	_ =	swait.ge [sflag:s17], $0x2000  }
0x62: {  	s31 =	smov.u32 s29;
	s30 =	sadd.s32 s28, s14;
	[sflag:s17] =	ssyncset.done $0x0  }
0x63: {  	s0 =	sadd.s32 $0x10, s30;
	[sflag:s17] =	ssyncadd.s32 $0xFFFFE000  }
0x64: {  	[tilespmem:s21], [sflag:$0x3] =	stream.linear.gather [hbm4b:s0+s3], $0x80, $0x38;
	[tilespmem:$0x1C980] =	vst v63  }
0x65: {  	_ =	swait.ge [sflag:s17], $0x80  }
0x66: {  	[sflag:s17] =	ssyncset.done $0x0  }
0x67: {  	[sflag:s17] =	ssyncadd.s32 $0xFFFFFF80  }
0x68: {  	[tilespmem:s22], [sflag:$0x2] =	stream.indirect.gather [hbm4b:s4+s19], $0x40, s21, s19, $0xb8;
	[tilespmem:$0x1C980] =	vst v63  }
0x69: {  	s29 =	sadd.s32 s28, s10  }
0x6a: {  	[tilespmem:s23], [sflag:$0x3] =	stream.linear.gather [hbm4b:s29+s3], $0x80, $0x38;
	[tilespmem:$0x1C980] =	vst v63  }
0x6b: {  	_ =	swait.ge [sflag:s17], $0x80  }
0x6c: {  	[sflag:s17] =	ssyncset.done $0x0  }
0x6d: {  	[sflag:s17] =	ssyncadd.s32 $0xFFFFFF80  }
0x6e: {  	_ =	swait.ge [sflag:s24], $0x2000  }
0x6f: {  	[sflag:s24] =	ssyncset.done $0x0  }
0x70: {  	[sflag:s24] =	ssyncadd.s32 $0xFFFFE000  }
0x71: {  	[spmem:s2] =	stream.indirect.scatter.add.f32 [tilespmem:s20], [sflag:$0x3], $0x40, s23, s19, $0xb8;
	[tilespmem:$0x1C980] =	vst v63  }
0x72: {  	_ =	swait.ge [sflag:s17], $0x2000  }
0x73: {  	[sflag:s17] =	ssyncset.done $0x0  }
0x74: {  	s30 =	sadd.s32 $0x20, s30;
	[sflag:s17] =	ssyncadd.s32 $0xFFFFE000  }
0x75: {  	[tilespmem:s18], [sflag:$0x3] =	stream.linear.gather [hbm4b:s30+s3], $0x80, $0x38;
	[tilespmem:$0x1C980] =	vst v63  }
0x76: {  	_ =	swait.ge [sflag:s17], $0x80  }
0x77: {  	[sflag:s17] =	ssyncset.done $0x0  }
0x78: {  	[sflag:s17] =	ssyncadd.s32 $0xFFFFFF80  }
0x79: {  	[tilespmem:s20], [sflag:$0x1] =	stream.indirect.gather [hbm4b:s4+s19], $0x40, s18, s19, $0xb8;
	[tilespmem:$0x1C980] =	vst v63  }
0x7a: {  	s31 =	sadd.s32 s28, s15  }
0x7b: {  	[tilespmem:s23], [sflag:$0x3] =	stream.linear.gather [hbm4b:s31+s3], $0x80, $0x38;
	[tilespmem:$0x1C980] =	vst v63  }
0x7c: {  	_ =	swait.ge [sflag:s17], $0x80  }
0x7d: {  	[sflag:s17] =	ssyncset.done $0x0  }
0x7e: {  	[sflag:s17] =	ssyncadd.s32 $0xFFFFFF80  }
0x7f: {  	_ =	swait.ge [sflag:s25], $0x2000  }
0x80: {  	[sflag:s25] =	ssyncset.done $0x0  }
0x81: {  	[sflag:s25] =	ssyncadd.s32 $0xFFFFE000  }
0x82: {  	[spmem:s2] =	stream.indirect.scatter.add.f32 [tilespmem:s22], [sflag:$0x3], $0x40, s23, s19, $0xb8;
	[tilespmem:$0x1C980] =	vst v63  }
0x83: {  	_ =	swait.ge [sflag:s17], $0x2000  }
0x84: {  	[sflag:s17] =	ssyncset.done $0x0  }
0x85: {  	[sflag:s17] =	ssyncadd.s32 $0xFFFFE000  }
0x86: {  	[tilespmem:s21], [sflag:$0x3] =	stream.linear.gather [hbm4b:s11+s3], $0x80, $0x38;
	[tilespmem:$0x1C980] =	vst v63  }
0x87: {  	_ =	swait.ge [sflag:s17], $0x80  }
0x88: {  	[sflag:s17] =	ssyncset.done $0x0  }
0x89: {  	[sflag:s17] =	ssyncadd.s32 $0xFFFFFF80  }
0x8a: {  	[tilespmem:s22], [sflag:$0x2] =	stream.indirect.gather [hbm4b:s4+s19], $0x40, s21, s19, $0xb8;
	[tilespmem:$0x1C980] =	vst v63  }
0x8b: {  	_ = 	snop  }
0x8c: {  	[tilespmem:s23], [sflag:$0x3] =	stream.linear.gather [hbm4b:s12+s3], $0x80, $0x38;
	[tilespmem:$0x1C980] =	vst v63  }
0x8d: {  	_ =	swait.ge [sflag:s17], $0x80  }
0x8e: {  	[sflag:s17] =	ssyncset.done $0x0  }
0x8f: {  	[sflag:s17] =	ssyncadd.s32 $0xFFFFFF80  }
0x90: {  	_ =	swait.ge [sflag:s24], $0x2000  }
0x91: {  	[sflag:s24] =	ssyncset.done $0x0  }
0x92: {  	[sflag:s24] =	ssyncadd.s32 $0xFFFFE000  }
0x93: {  	[spmem:s2] =	stream.indirect.scatter.add.f32 [tilespmem:s20], [sflag:$0x3], $0x40, s23, s19, $0xb8;
	[tilespmem:$0x1C980] =	vst v63  }
0x94: {  	_ =	swait.ge [sflag:s17], $0x2000  }
0x95: {  	[sflag:s17] =	ssyncset.done $0x0  }
0x96: {  	[sflag:s17] =	ssyncadd.s32 $0xFFFFE000  }
0x97: {  	[tilespmem:s23], [sflag:$0x3] =	stream.linear.gather [hbm4b:s13+s3], $0x80, $0x38;
	[tilespmem:$0x1C980] =	vst v63  }
0x98: {  	_ =	swait.ge [sflag:s17], $0x80  }
0x99: {  	[sflag:s17] =	ssyncset.done $0x0  }
0x9a: {  	[sflag:s17] =	ssyncadd.s32 $0xFFFFFF80  }
0x9b: {  	_ =	swait.ge [sflag:s25], $0x2000  }
0x9c: {  	[sflag:s25] =	ssyncset.done $0x0  }
0x9d: {  	[sflag:s25] =	ssyncadd.s32 $0xFFFFE000  }
0x9e: {  	[spmem:s2] =	stream.indirect.scatter.add.f32 [tilespmem:s22], [sflag:$0x3], $0x40, s23, s19, $0xb8;
	[tilespmem:$0x1C980] =	vst v63  }
0x9f: {  	_ =	swait.ge [sflag:s17], $0x2000  }
0xa0: {  	s26 =	sadd.s32 $0x1, s26;
	[sflag:s17] =	ssyncset.done $0x0  }
0xa1: {  	p0 =	sne.s32 s26, s9;
	[sflag:s17] =	ssyncadd.s32 $0xFFFFE000  }
.Ltmp1:
0xa2: {  	[bflag:$0x0] =	sbarrier.arrive $0xFFFF;
	(pc) =	sbr.rel @p0 .LBB2_1-.Ltmp1, $4  }
0xa3: {  	[hbm:s8], [sflag:s6] =	dma.local [spmem:s16], $0x3100  }
0xa4: {  	_ =	swait.ge [sflag:s17], $0x3100  }
0xa5: {  	[sflag:s17] =	ssyncset.done $0x0  }
0xa6: {  	[sflag:s17] =	ssyncadd.s32 $0xFFFFCF00  }
0xa7: {  	_ =	sfence.sel $0x180000  }
0xa8: {  	[bflag:$0x0] =	sbarrier.arrive $0xFFFF  }
0xa9: {  	_ =	strace $0x9000004A  }
0xaa: {  	s0 =	stileid.u32;
	[bflag:$0x2] =	sbarrier.arrive $0xFFFF  }
0xab: {  	p0 =	sne.s32 s0, $0x0;
	s0 =	rddreg [dreg:$0x2]  }
0xac: {  	s0 =	sadd.s32 @!p0 $0x100000, s0  }
0xad: {  	[sflag:s0] =	ssyncadd.tile.s32 @!p0 $0x1;
	_ =	shalt  }
.Lfunc_end2:
_tile_overlayer_lowered:
.L_overlay_start_2:
0xae: {  	(tag) =	ssettag $0x2  }
0xaf: {  	s0 =	rddreg [dreg:$0x0];
	s2 =	stileid.u32  }
0xb0: {  	s1 =	rddreg [dreg:$0x1];
	p0 =	sne.s32 s2, $0x0  }
0xb1: {  	s3 =	rddreg [dreg:$0x2];
	[bflag:$0x3] =	sbarrier.arrive $0xFFFF;
	s2 =	simm.s32 @!p0 $0x1C03  }
0xb2: {  	[timem:s3], [sflag:s2] =	dma.local @!p0 [hbm:s0], s1  }
0xb3: {  	s0 =	simm.s32 @!p0 $0x3  }
0xb4: {  	_ =	swait.ge @!p0 [sflag:s0], s1  }
0xb5: {  	s1 =	ssub.s32 @!p0 $0x0, s1;
	[sflag:s0] =	ssyncset.done @!p0 $0x0  }
0xb6: {  	[sflag:s0] =	ssyncadd.s32 @!p0 s1  }
0xb7: {  	[bflag:$0x3] =	sbarrier.arrive $0xFFFF  }
0xb8: {  	_ =	shalt  }

// kernel: kernel.15.cloned.1.call-start
scs
__scs_entry_jumppad:
0x0: {  	(pc) =	sbr.rel $0x88, $3  }
0x1: {  	(tag) =	ssettag $0x0;
	lr =	simm.s32 $0x1  }
0x2: {  	[smem:$0x3F88] =	sst lr;
	_ =	strace $0xD0000000  }
0x3: {  	_ = 	snop  }
0x4: {  	_ = 	snop  }
0x5: {  	_ = 	snop  }
0x6: {  	_ = 	snop  }
0x7: {  	_ = 	snop  }
__scs_overlays_trampoline_lowered:
0x8: {  	[smem:$0x3F97] =	sst s0  }
0x9: {  	[smem:$0x3F98] =	sst s1  }
0xa: {  	[smem:$0x3F99] =	sst s2  }
0xb: {  	[smem:$0x3F9A] =	sst s3  }
0xc: {  	[smem:$0x3F9B] =	sst s4  }
0xd: {  	[smem:$0x3F9C] =	sst s5  }
0xe: {  	[smem:$0x3F9D] =	sst s6  }
0xf: {  	[smem:$0x3F9E] =	sst s7  }
0x10: {  	[smem:$0x3F9F] =	sst s8  }
0x11: {  	[smem:$0x3FA0] =	sst s9;
	s0 =	simm.s32 @!p0 $0x0  }
0x12: {  	s1 =	sld [smem:$0x3F86];
	s0 =	simm.s32 @p0 $0x1  }
0x13: {  	[smem:$0x3FA1] =	sst s0;
	s0 =	simm.s32 @!p1 $0x0  }
0x14: {  	s2 =	sld [smem:$0x3F85];
	s0 =	simm.s32 @p1 $0x1  }
0x15: {  	[smem:$0x3FA2] =	sst s0;
	s0 =	simm.s32 @!p2 $0x0  }
0x16: {  	s3 =	sld [smem:$0x3FDB];
	s0 =	simm.s32 @p2 $0x1  }
0x17: {  	s4 =	simm.s32 $0x1BF5;
	[smem:$0x3FA4] =	sst s0  }
0x18: {  	s0 =	sld [smem:$0x3F87];
	_ =	swait.ge [sflag:s4], $0x0  }
0x19: {  	s7 =	sld [smem:$0x3F88]  }
0x1a: {  	s8 =	sadd.s32 $0xFFFFE003, lr  }
0x1b: {  	s9 =	sadd.s32 $0xFFFFFEF7, lr;
	s5 =	simm.s32 $0xFFFFFFFF;
	p2 =	slt.u32 s8, $0xFFFFF086  }
0x1c: {  	p1 =	slt.u32 s9, $0xF7A;
	s5 =	simm.s32 @!p2 $0x0  }
0x1d: {  	s5 =	simm.s32 @p1 $0x1;
	p0 =	seq.s32 s7, s2  }
0x1e: {  	s7 =	smul.u32 @!p0 $0xF7A, s2;
	p2 =	seq.s32 @!p0 s5, $0x0  }
0x1f: {  	s9 =	smul.u32 $0xF7A, s1;
	s8 =	simm.s32 @!p0 $0x1BF5;
	p2 =	por !p2, p0  }
0x20: {  	[sflag:s8] =	ssyncset.s32 @!p0 $0xFFFFF086;
	s6 =	sadd.s32 @!p0 s3, s7;
	s7 =	simm.s32 @!p0 $0x108  }
0x21: {  	s3 =	sadd.s32 s3, s9;
	s6 =	sadd.s32 @!p0 $0x88, s6;
	s7 =	simm.s32 @p2 $0x1082  }
0x22: {  	[simem:s7], [sflag:s8] =	dma.local @!p0 [hbm:s6], $0xF7A  }
0x23: {  	s9 =	sor.u32 $0xD0000000, s2;
	s6 =	simm.s32 $0x108;
	_ =	swait.ge @!p0 [sflag:s8], $0x0  }
0x24: {  	s3 =	sadd.s32 $0x88, s3;
	s6 =	simm.s32 @!p1 $0x1082;
	[sflag:s4] =	ssyncset.s32 $0xFFFFF086  }
0x25: {  	[simem:s6], [sflag:s4] =	dma.local [hbm:s3], $0xF7A  }
0x26: {  	[smem:$0x3F88] =	sst s1;
	(tag) =	ssettag s2;
	_ =	strace s9  }
0x27: {  	s1 =	sld [smem:$0x3F98]  }
0x28: {  	s2 =	sld [smem:$0x3F99]  }
0x29: {  	s4 =	sld [smem:$0x3F9B]  }
0x2a: {  	p0 =	seq.s32 s5, $0x0;
	s5 =	sld [smem:$0x3F9C]  }
0x2b: {  	s6 =	sld [smem:$0x3F9D]  }
0x2c: {  	s7 =	sld [smem:$0x3F9E]  }
0x2d: {  	s3 =	simm.s32 $0x108;
	s8 =	sld [smem:$0x3F9F]  }
0x2e: {  	s3 =	simm.s32 @!p0 $0x1082;
	s9 =	sld [smem:$0x3FA0]  }
0x2f: {  	lr =	sadd.s32 s0, s3;
	s0 =	sld [smem:$0x3F97]  }
0x30: {  	s3 =	sld [smem:$0x3F9A]  }
0x31: {  	[smem:$0x3FA3] =	sst s10  }
0x32: {  	s10 =	sld [smem:$0x3FA1];
	_ =	sdelay $0x3  }
0x33: {  	p0 =	seq.s32 s10, $0x1;
	s10 =	sld [smem:$0x3FA3];
	_ =	sdelay $0x3  }
0x34: {  	[smem:$0x3FA3] =	sst s10  }
0x35: {  	s10 =	sld [smem:$0x3FA2];
	_ =	sdelay $0x3  }
0x36: {  	p1 =	seq.s32 s10, $0x1;
	s10 =	sld [smem:$0x3FA3];
	_ =	sdelay $0x3  }
0x37: {  	[smem:$0x3FA3] =	sst s10  }
0x38: {  	s10 =	sld [smem:$0x3FA4]  }
0x39: {  	_ = 	snop;
	(pc) =	sbr.ind lr, $3  }
0x3a: {  	_ = 	snop  }
0x3b: {  	_ = 	snop  }
0x3c: {  	p2 =	seq.s32 s10, $0x1;
	s10 =	sld [smem:$0x3FA3]  }
0x3d: {  	_ =	shalt  }
0x3e: {  	_ =	shalt  }
0x3f: {  	_ =	shalt  }
0x40: {  	_ =	shalt  }
0x41: {  	_ =	shalt  }
0x42: {  	_ =	shalt  }
0x43: {  	_ =	shalt  }
0x44: {  	_ =	shalt  }
0x45: {  	_ =	shalt  }
0x46: {  	_ =	shalt  }
0x47: {  	_ =	shalt  }
0x48: {  	_ =	shalt  }
0x49: {  	_ =	shalt  }
0x4a: {  	_ =	shalt  }
0x4b: {  	_ =	shalt  }
0x4c: {  	_ =	shalt  }
0x4d: {  	_ =	shalt  }
0x4e: {  	_ =	shalt  }
0x4f: {  	_ =	shalt  }
0x50: {  	_ =	shalt  }
0x51: {  	_ =	shalt  }
0x52: {  	_ =	shalt  }
0x53: {  	_ =	shalt  }
0x54: {  	_ =	shalt  }
0x55: {  	_ =	shalt  }
0x56: {  	_ =	shalt  }
0x57: {  	_ =	shalt  }
0x58: {  	_ =	shalt  }
0x59: {  	_ =	shalt  }
0x5a: {  	_ =	shalt  }
0x5b: {  	_ =	shalt  }
0x5c: {  	_ =	shalt  }
0x5d: {  	_ =	shalt  }
0x5e: {  	_ =	shalt  }
0x5f: {  	_ =	shalt  }
0x60: {  	_ =	shalt  }
0x61: {  	_ =	shalt  }
0x62: {  	_ =	shalt  }
0x63: {  	_ =	shalt  }
0x64: {  	_ =	shalt  }
0x65: {  	_ =	shalt  }
0x66: {  	_ =	shalt  }
0x67: {  	_ =	shalt  }
0x68: {  	_ =	shalt  }
0x69: {  	_ =	shalt  }
0x6a: {  	_ =	shalt  }
0x6b: {  	_ =	shalt  }
0x6c: {  	_ =	shalt  }
0x6d: {  	_ =	shalt  }
0x6e: {  	_ =	shalt  }
0x6f: {  	_ =	shalt  }
0x70: {  	_ =	shalt  }
0x71: {  	_ =	shalt  }
0x72: {  	_ =	shalt  }
0x73: {  	_ =	shalt  }
0x74: {  	_ =	shalt  }
0x75: {  	_ =	shalt  }
0x76: {  	_ =	shalt  }
0x77: {  	_ =	shalt  }
0x78: {  	_ =	shalt  }
0x79: {  	_ =	shalt  }
0x7a: {  	_ =	shalt  }
0x7b: {  	_ =	shalt  }
0x7c: {  	_ =	shalt  }
0x7d: {  	_ =	shalt  }
0x7e: {  	_ =	shalt  }
0x7f: {  	_ =	shalt  }
0x80: {  	_ =	shalt  }
0x81: {  	_ =	shalt  }
0x82: {  	_ =	shalt  }
0x83: {  	_ =	shalt  }
0x84: {  	_ =	shalt  }
0x85: {  	_ =	shalt  }
0x86: {  	_ =	shalt  }
0x87: {  	_ =	shalt  }
.Lfunc_end0:
.L_simem_size_0:
called_computation.2_lowered:
.L_overlay_start_0:
0x88: {  	s2 =	sld [smem:$0x3FD9]  }
0x89: {  	s3 =	sld [smem:$0x3FFE];
	_ =	sdelay $0x1  }
0x8a: {  	s1 =	srdreg.scid  }
0x8b: {  	s0 =	sand.u32 $0x1, s1  }
0x8c: {  	s16 =	sshll.u32 s0, $0xA;
	s2 =	sadd.s32 s3, s2  }
0x8d: {  	s2 =	sadd.s32 s2, s16  }
0x8e: {  	[smem:$0x3FAF] =	sst s2  }
0x8f: {  	_ = 	snop  }
0x90: {  	(tm) =	ssettm $0x1  }
0x91: {  	s17 =	sld [smem:$0x3FFB];
	_ =	sdelay $0x3  }
0x92: {  	_ =	strace s17  }
0x93: {  	s2 =	sld [smem:$0x3FFC];
	_ =	sdelay $0x3  }
0x94: {  	_ =	strace s2  }
0x95: {  	s2 =	sld [smem:$0x3FFD];
	_ =	sdelay $0x3  }
0x96: {  	_ =	strace s2  }
0x97: {  	_ =	strace $0x8FFFFFFF  }
0x98: {  	s18 =	sld [smem:$0x3FDB];
	_ =	sdelay $0x1  }
0x99: {  	s19 =	simm.s32 $_scs_section_size  }
0x9a: {  	s4 =	simm.s32 $_size__tile_overlayer_lowered;
	s5 =	simm.s32 $_tile_overlayer_lowered  }
0x9b: {  	s22 =	simm.s32 $0x1BFF;
	s21 =	sshll.u32 s5, $0x1;
	s2 =	sadd.s32 s19, s18  }
0x9c: {  	s6 =	simm.s32 $0x0;
	s20 =	sshll.u32 s4, $0x1;
	s4 =	sadd.s32 s21, s2  }
0x9d: {  	[timem:s6], [sflag:s22] =	dma.local [hbm:s4], s20  }
0x9e: {  	_ =	swait.ge [sflag:s22], s20  }
0x9f: {  	s3 =	ssub.s32 $0x0, s20;
	[sflag:s22] =	ssyncset.done $0x0  }
0xa0: {  	[sflag:s22] =	ssyncadd.s32 s3;
	_ =	sdelay $0x1  }
0xa1: {  	s23 =	simm.s32 $0x1B8B  }
0xa2: {  	_ =	swait.ge [sflag:s23], $0x1  }
0xa3: {  	[sflag:s23] =	ssyncset.done $0x0  }
0xa4: {  	s25 =	simm.s32 $0x1B8E;
	s24 =	sld [smem:$0x3FFE];
	[sflag:s23] =	ssyncadd.s32 $0xFFFFFFFF  }
0xa5: {  	s26 =	simm.s32 $execute0_lowered;
	[smem:$0x3FD2] =	sst s25  }
0xa6: {  	s4 =	sshll.u32 s26, $0x1;
	_ =	strace $0x8000004C;
	[dreg:$0x1] =	wrdreg $0xFFFFFFFF  }
0xa7: {  	s28 =	simm.s32 $_size_execute0_lowered;
	s2 =	sadd.s32 s2, s4;
	[dreg:$0x0] =	wrdreg $0x0  }
0xa8: {  	s4 =	sshll.u32 s28, $0x1;
	[dreg:$0x2] =	wrdreg s2  }
0xa9: {  	[dreg:$0x3] =	wrdreg s4  }
0xaa: {  	[dreg:$0x4] =	wrdreg $0xC0  }
0xab: {  	_ =	task [dreg:s6], $0x5FFFF  }
0xac: {  	[dreg:$0x1] =	wrdreg $0xFFFFFFFF  }
0xad: {  	[dreg:$0x0] =	wrdreg $0x60  }
0xae: {  	[dreg:$0x2] =	wrdreg s24  }
0xaf: {  	[dreg:$0x3] =	wrdreg $0x0  }
0xb0: {  	[dreg:$0x4] =	wrdreg $0x9  }
0xb1: {  	_ =	task.clear_ibuf [dreg:s6], $0x5FFFF;
	_ =	strace $0x9000004C  }
0xb2: {  	s29 =	simm.s32 $0x9;
	_ =	strace $0x8000004E  }
0xb3: {  	_ =	swait.ge [sflag:s29], $0x1  }
0xb4: {  	[sflag:s29] =	ssyncadd.s32 $0xFFFFFFFF  }
0xb5: {  	_ =	strace $0x9000004E  }
0xb6: {  	_ =	sfence  }
0xb7: {  	s30 =	sld [smem:$0x0];
	_ =	sdelay $0x2  }
0xb8: {  	s31 =	sshll.u32 s1, $0xD;
	s1 =	sshrl.u32 s1, $0x2  }
0xb9: {  	s3 =	sand.u32 $0x4000, s31;
	s1 =	sadd.s32 s1, s30  }
0xba: {  	s0 =	sor.u32 s3, s0;
	s1 =	sshll.u32 s1, $0x11  }
0xbb: {  	s0 =	sor.u32 s1, s0  }
0xbc: {  	s0 =	sadd.s32 $0x8F2B, s0  }
0xbd: {  	[sflag:s0] =	ssyncadd.remote.s32 $0x1  }
0xbe: {  	_ =	sfence.sel $0xFFFF  }
0xbf: {  	[dreg:$0x0] =	wrdreg $0xFFFFFFFF;
	(pc) =	sbr.abs _section_cstart, $3  }
0xc0: {  	[dreg:$0x1] =	wrdreg $0xFFFFFFFF  }
0xc1: {  	_ =	task.clear_ibuf [dreg:s6], $0x2FFFF;
	_ =	strace $0x9FFFFFFF  }
0xc2: {  	(tm) =	ssettm $0x7FFFFFFF  }
0xc3: {  	_ =	shalt  }
tec
execute0_lowered:
.L_overlay_start_1:
0x0: {  	(tag) =	ssettag $0x1  }
0x1: {  	s5 =	rddreg [dreg:$0x0]  }
0x2: {  	s2 =	rddreg [dreg:$0x1]  }
0x3: {  	s3 =	simm.s32 $0x0;
	s0 =	stileid.u32;
	s4 =	srdreg.scid  }
0x4: {  	s19 =	simm.s32 $0x80;
	s20 =	simm.s32 $0x18900;
	s21 =	simm.s32 $0x18880  }
0x5: {  	s22 =	simm.s32 $0x1A900;
	s23 =	simm.s32 $0x1C900;
	s24 =	simm.s32 $0x1  }
0x6: {  	s25 =	simm.s32 $0x2;
	s26 =	simm.s32 $0x0;
	s6 =	smul.u32 $0x18800, s0  }
0x7: {  	[smem:$0x7FF] =	sst s3;
	s7 =	sand.u32 $0x1, s4;
	s12 =	smul.u32 $0xC400, s0  }
0x8: {  	s4 =	sadd.s32 $0x4400, s5;
	s14 =	sadd.s32 $0x7D9A00, s5;
	s17 =	smul.u32 $0x1880, s0  }
0x9: {  	s15 =	sadd.s32 $0x18B400, s5;
	s28 =	sshll.u32 s0, $0x6;
	s8 =	smul.u32 $0x188000, s7  }
0xa: {  	_ =	strace $0x8000004D;
	s10 =	ssub.s32 $0x2, s7;
	s7 =	smul.u32 $0xC4000, s7  }
0xb: {  	s9 =	sshrl.u32 s6, $0x3;
	s11 =	sshrl.u32 s10, $0x1;
	s16 =	sadd.s32 s6, s2  }
0xc: {  	s29 =	sshrl.u32 s12, $0x3;
	s9 =	sadd.s32 s9, s5;
	s8 =	sadd.s32 s6, s8  }
0xd: {  	s10 =	ssub.s32 s10, s11;
	s6 =	sor.u32 $0x1C03, s28;
	s13 =	sadd.s32 s12, s7  }
0xe: {  	s7 =	sadd.s32 s14, s29;
	s14 =	sadd.s32 s17, s14;
	s16 =	sshrl.u32 s16, $0x3  }
0xf: {  	s17 =	simm.s32 $0x3;
	s8 =	sshrl.u32 s8, $0x3;
	s30 =	sshrl.u32 s13, $0x3  }
0x10: {  	s11 =	sadd.s32 $0x1870, s7;
	s18 =	sor.u32 $0x80, s13;
	s8 =	sadd.s32 s8, s5  }
0x11: {  	s5 =	sadd.s32 $0x129600, s9;
	s9 =	smax.u32 s10, $0x1;
	s10 =	sadd.s32 s30, s15  }
0x12: {  	s31 =	sshrl.u32 s18, $0x3;
	s18 =	simm.s32 $0x18800;
	s8 =	sadd.s32 $0x66000, s8  }
0x13: {  	s12 =	sadd.s32 $0x1860, s10;
	s13 =	sadd.s32 $0x1870, s10;
	s15 =	sadd.s32 s31, s15  }
.LBB2_1:
0x14: {  	[spmem:s16], [sflag:s6] =	dma.local [hbm:s5], $0x3100  }
0x15: {  	_ =	swait.ge [sflag:s17], $0x3100  }
0x16: {  	[sflag:s17] =	ssyncset.done $0x0  }
0x17: {  	[sflag:s17] =	ssyncadd.s32 $0xFFFFCF00  }
0x18: {  	[bflag:$0x0] =	sbarrier.arrive $0xFFFF  }
0x19: {  	[tilespmem:s18], [sflag:$0x3] =	stream.linear.gather [hbm4b:s7+s3], $0x80, $0x38;
	[tilespmem:$0x1C980] =	vst v63  }
0x1a: {  	_ =	swait.ge [sflag:s17], $0x80  }
0x1b: {  	[sflag:s17] =	ssyncset.done $0x0  }
0x1c: {  	s28 =	sadd.s32 $0x0, s14;
	[sflag:s17] =	ssyncadd.s32 $0xFFFFFF80  }
0x1d: {  	[tilespmem:s20], [sflag:$0x1] =	stream.indirect.gather [hbm4b:s4+s19], $0x40, s18, s19, $0xb8;
	[tilespmem:$0x1C980] =	vst v63  }
0x1e: {  	s29 =	sadd.s32 $0x10, s28  }
0x1f: {  	[tilespmem:s21], [sflag:$0x3] =	stream.linear.gather [hbm4b:s29+s3], $0x80, $0x38;
	[tilespmem:$0x1C980] =	vst v63  }
0x20: {  	_ =	swait.ge [sflag:s17], $0x80  }
0x21: {  	[sflag:s17] =	ssyncset.done $0x0  }
0x22: {  	[sflag:s17] =	ssyncadd.s32 $0xFFFFFF80  }
0x23: {  	[tilespmem:s22], [sflag:$0x2] =	stream.indirect.gather [hbm4b:s4+s19], $0x40, s21, s19, $0xb8;
	[tilespmem:$0x1C980] =	vst v63  }
0x24: {  	s1 =	sadd.s32 $0x0, s10  }
0x25: {  	[tilespmem:s23], [sflag:$0x3] =	stream.linear.gather [hbm4b:s1+s3], $0x80, $0x38;
	[tilespmem:$0x1C980] =	vst v63  }
0x26: {  	_ =	swait.ge [sflag:s17], $0x80  }
0x27: {  	[sflag:s17] =	ssyncset.done $0x0  }
0x28: {  	[sflag:s17] =	ssyncadd.s32 $0xFFFFFF80  }
0x29: {  	_ =	swait.ge [sflag:s24], $0x2000  }
0x2a: {  	[sflag:s24] =	ssyncset.done $0x0  }
0x2b: {  	[sflag:s24] =	ssyncadd.s32 $0xFFFFE000  }
0x2c: {  	[spmem:s2] =	stream.indirect.scatter.add.f32 [tilespmem:s20], [sflag:$0x3], $0x40, s23, s19, $0xb8;
	[tilespmem:$0x1C980] =	vst v63  }
0x2d: {  	_ =	swait.ge [sflag:s17], $0x2000  }
0x2e: {  	[sflag:s17] =	ssyncset.done $0x0  }
0x2f: {  	s28 =	sadd.s32 $0x20, s28;
	[sflag:s17] =	ssyncadd.s32 $0xFFFFE000  }
0x30: {  	[tilespmem:s18], [sflag:$0x3] =	stream.linear.gather [hbm4b:s28+s3], $0x80, $0x38;
	[tilespmem:$0x1C980] =	vst v63  }
0x31: {  	_ =	swait.ge [sflag:s17], $0x80  }
0x32: {  	[sflag:s17] =	ssyncset.done $0x0  }
0x33: {  	[sflag:s17] =	ssyncadd.s32 $0xFFFFFF80  }
0x34: {  	[tilespmem:s20], [sflag:$0x1] =	stream.indirect.gather [hbm4b:s4+s19], $0x40, s18, s19, $0xb8;
	[tilespmem:$0x1C980] =	vst v63  }
0x35: {  	s28 =	sadd.s32 $0x0, s15  }
0x36: {  	[tilespmem:s23], [sflag:$0x3] =	stream.linear.gather [hbm4b:s28+s3], $0x80, $0x38;
	[tilespmem:$0x1C980] =	vst v63  }
0x37: {  	_ =	swait.ge [sflag:s17], $0x80  }
0x38: {  	[sflag:s17] =	ssyncset.done $0x0  }
0x39: {  	[sflag:s17] =	ssyncadd.s32 $0xFFFFFF80  }
0x3a: {  	_ =	swait.ge [sflag:s25], $0x2000  }
0x3b: {  	[sflag:s25] =	ssyncset.done $0x0  }
0x3c: {  	[sflag:s25] =	ssyncadd.s32 $0xFFFFE000  }
0x3d: {  	[spmem:s2] =	stream.indirect.scatter.add.f32 [tilespmem:s22], [sflag:$0x3], $0x40, s23, s19, $0xb8;
	[tilespmem:$0x1C980] =	vst v63  }
0x3e: {  	s31 =	simm.s32 $0x40;
	_ =	swait.ge [sflag:s17], $0x2000  }
0x3f: {  	s30 =	sadd.s32 $0x20, s14;
	s28 =	simm.s32 $0x20;
	[sflag:s17] =	ssyncset.done $0x0  }
.LBB2_2:
0x40: {  	s0 =	sadd.s32 $0x10, s30  }
0x41: {  	[sflag:s17] =	ssyncadd.s32 $0xFFFFE000;
	s1 =	smov.u32 s31;
	s29 =	sadd.s32 $0x20, s31  }
0x42: {  	[tilespmem:s21], [sflag:$0x3] =	stream.linear.gather [hbm4b:s0+s3], $0x80, $0x38;
	[tilespmem:$0x1C980] =	vst v63  }
0x43: {  	p0 =	sne.s32 s31, $0x1840;
	_ =	swait.ge [sflag:s17], $0x80  }
0x44: {  	[sflag:s17] =	ssyncset.done $0x0  }
0x45: {  	[sflag:s17] =	ssyncadd.s32 $0xFFFFFF80  }
0x46: {  	[tilespmem:s22], [sflag:$0x2] =	stream.indirect.gather [hbm4b:s4+s19], $0x40, s21, s19, $0xb8;
	[tilespmem:$0x1C980] =	vst v63  }
0x47: {  	s0 =	sadd.s32 s28, s10  }
0x48: {  	[tilespmem:s23], [sflag:$0x3] =	stream.linear.gather [hbm4b:s0+s3], $0x80, $0x38;
	[tilespmem:$0x1C980] =	vst v63  }
0x49: {  	_ =	swait.ge [sflag:s17], $0x80  }
0x4a: {  	[sflag:s17] =	ssyncset.done $0x0  }
0x4b: {  	[sflag:s17] =	ssyncadd.s32 $0xFFFFFF80  }
0x4c: {  	_ =	swait.ge [sflag:s24], $0x2000  }
0x4d: {  	[sflag:s24] =	ssyncset.done $0x0  }
0x4e: {  	[sflag:s24] =	ssyncadd.s32 $0xFFFFE000  }
0x4f: {  	[spmem:s2] =	stream.indirect.scatter.add.f32 [tilespmem:s20], [sflag:$0x3], $0x40, s23, s19, $0xb8;
	[tilespmem:$0x1C980] =	vst v63  }
0x50: {  	_ =	swait.ge [sflag:s17], $0x2000  }
0x51: {  	[sflag:s17] =	ssyncset.done $0x0  }
0x52: {  	s0 =	sadd.s32 $0x20, s30;
	[sflag:s17] =	ssyncadd.s32 $0xFFFFE000  }
0x53: {  	[tilespmem:s18], [sflag:$0x3] =	stream.linear.gather [hbm4b:s0+s3], $0x80, $0x38;
	[tilespmem:$0x1C980] =	vst v63  }
0x54: {  	_ =	swait.ge [sflag:s17], $0x80  }
0x55: {  	[sflag:s17] =	ssyncset.done $0x0  }
0x56: {  	[sflag:s17] =	ssyncadd.s32 $0xFFFFFF80  }
0x57: {  	[tilespmem:s20], [sflag:$0x1] =	stream.indirect.gather [hbm4b:s4+s19], $0x40, s18, s19, $0xb8;
	[tilespmem:$0x1C980] =	vst v63  }
0x58: {  	s0 =	sadd.s32 s28, s15;
	s28 =	smov.u32 s1  }
0x59: {  	[tilespmem:s23], [sflag:$0x3] =	stream.linear.gather [hbm4b:s0+s3], $0x80, $0x38;
	[tilespmem:$0x1C980] =	vst v63  }
0x5a: {  	_ =	swait.ge [sflag:s17], $0x80  }
0x5b: {  	[sflag:s17] =	ssyncset.done $0x0  }
0x5c: {  	[sflag:s17] =	ssyncadd.s32 $0xFFFFFF80  }
0x5d: {  	_ =	swait.ge [sflag:s25], $0x2000  }
.Ltmp0:
0x5e: {  	[sflag:s25] =	ssyncset.done $0x0;
	(pc) =	sbr.rel @p0 .LBB2_2-.Ltmp0, $4  }
0x5f: {  	[sflag:s25] =	ssyncadd.s32 $0xFFFFE000  }
0x60: {  	[spmem:s2] =	stream.indirect.scatter.add.f32 [tilespmem:s22], [sflag:$0x3], $0x40, s23, s19, $0xb8;
	[tilespmem:$0x1C980] =	vst v63  }
0x61: {  	_ =	swait.ge [sflag:s17], $0x2000  }
0x62: {  	s31 =	smov.u32 s29;
	s30 =	sadd.s32 s28, s14;
	[sflag:s17] =	ssyncset.done $0x0  }
0x63: {  	s0 =	sadd.s32 $0x10, s30;
	[sflag:s17] =	ssyncadd.s32 $0xFFFFE000  }
0x64: {  	[tilespmem:s21], [sflag:$0x3] =	stream.linear.gather [hbm4b:s0+s3], $0x80, $0x38;
	[tilespmem:$0x1C980] =	vst v63  }
0x65: {  	_ =	swait.ge [sflag:s17], $0x80  }
0x66: {  	[sflag:s17] =	ssyncset.done $0x0  }
0x67: {  	[sflag:s17] =	ssyncadd.s32 $0xFFFFFF80  }
0x68: {  	[tilespmem:s22], [sflag:$0x2] =	stream.indirect.gather [hbm4b:s4+s19], $0x40, s21, s19, $0xb8;
	[tilespmem:$0x1C980] =	vst v63  }
0x69: {  	s29 =	sadd.s32 s28, s10  }
0x6a: {  	[tilespmem:s23], [sflag:$0x3] =	stream.linear.gather [hbm4b:s29+s3], $0x80, $0x38;
	[tilespmem:$0x1C980] =	vst v63  }
0x6b: {  	_ =	swait.ge [sflag:s17], $0x80  }
0x6c: {  	[sflag:s17] =	ssyncset.done $0x0  }
0x6d: {  	[sflag:s17] =	ssyncadd.s32 $0xFFFFFF80  }
0x6e: {  	_ =	swait.ge [sflag:s24], $0x2000  }
0x6f: {  	[sflag:s24] =	ssyncset.done $0x0  }
0x70: {  	[sflag:s24] =	ssyncadd.s32 $0xFFFFE000  }
0x71: {  	[spmem:s2] =	stream.indirect.scatter.add.f32 [tilespmem:s20], [sflag:$0x3], $0x40, s23, s19, $0xb8;
	[tilespmem:$0x1C980] =	vst v63  }
0x72: {  	_ =	swait.ge [sflag:s17], $0x2000  }
0x73: {  	[sflag:s17] =	ssyncset.done $0x0  }
0x74: {  	s30 =	sadd.s32 $0x20, s30;
	[sflag:s17] =	ssyncadd.s32 $0xFFFFE000  }
0x75: {  	[tilespmem:s18], [sflag:$0x3] =	stream.linear.gather [hbm4b:s30+s3], $0x80, $0x38;
	[tilespmem:$0x1C980] =	vst v63  }
0x76: {  	_ =	swait.ge [sflag:s17], $0x80  }
0x77: {  	[sflag:s17] =	ssyncset.done $0x0  }
0x78: {  	[sflag:s17] =	ssyncadd.s32 $0xFFFFFF80  }
0x79: {  	[tilespmem:s20], [sflag:$0x1] =	stream.indirect.gather [hbm4b:s4+s19], $0x40, s18, s19, $0xb8;
	[tilespmem:$0x1C980] =	vst v63  }
0x7a: {  	s31 =	sadd.s32 s28, s15  }
0x7b: {  	[tilespmem:s23], [sflag:$0x3] =	stream.linear.gather [hbm4b:s31+s3], $0x80, $0x38;
	[tilespmem:$0x1C980] =	vst v63  }
0x7c: {  	_ =	swait.ge [sflag:s17], $0x80  }
0x7d: {  	[sflag:s17] =	ssyncset.done $0x0  }
0x7e: {  	[sflag:s17] =	ssyncadd.s32 $0xFFFFFF80  }
0x7f: {  	_ =	swait.ge [sflag:s25], $0x2000  }
0x80: {  	[sflag:s25] =	ssyncset.done $0x0  }
0x81: {  	[sflag:s25] =	ssyncadd.s32 $0xFFFFE000  }
0x82: {  	[spmem:s2] =	stream.indirect.scatter.add.f32 [tilespmem:s22], [sflag:$0x3], $0x40, s23, s19, $0xb8;
	[tilespmem:$0x1C980] =	vst v63  }
0x83: {  	_ =	swait.ge [sflag:s17], $0x2000  }
0x84: {  	[sflag:s17] =	ssyncset.done $0x0  }
0x85: {  	[sflag:s17] =	ssyncadd.s32 $0xFFFFE000  }
0x86: {  	[tilespmem:s21], [sflag:$0x3] =	stream.linear.gather [hbm4b:s11+s3], $0x80, $0x38;
	[tilespmem:$0x1C980] =	vst v63  }
0x87: {  	_ =	swait.ge [sflag:s17], $0x80  }
0x88: {  	[sflag:s17] =	ssyncset.done $0x0  }
0x89: {  	[sflag:s17] =	ssyncadd.s32 $0xFFFFFF80  }
0x8a: {  	[tilespmem:s22], [sflag:$0x2] =	stream.indirect.gather [hbm4b:s4+s19], $0x40, s21, s19, $0xb8;
	[tilespmem:$0x1C980] =	vst v63  }
0x8b: {  	_ = 	snop  }
0x8c: {  	[tilespmem:s23], [sflag:$0x3] =	stream.linear.gather [hbm4b:s12+s3], $0x80, $0x38;
	[tilespmem:$0x1C980] =	vst v63  }
0x8d: {  	_ =	swait.ge [sflag:s17], $0x80  }
0x8e: {  	[sflag:s17] =	ssyncset.done $0x0  }
0x8f: {  	[sflag:s17] =	ssyncadd.s32 $0xFFFFFF80  }
0x90: {  	_ =	swait.ge [sflag:s24], $0x2000  }
0x91: {  	[sflag:s24] =	ssyncset.done $0x0  }
0x92: {  	[sflag:s24] =	ssyncadd.s32 $0xFFFFE000  }
0x93: {  	[spmem:s2] =	stream.indirect.scatter.add.f32 [tilespmem:s20], [sflag:$0x3], $0x40, s23, s19, $0xb8;
	[tilespmem:$0x1C980] =	vst v63  }
0x94: {  	_ =	swait.ge [sflag:s17], $0x2000  }
0x95: {  	[sflag:s17] =	ssyncset.done $0x0  }
0x96: {  	[sflag:s17] =	ssyncadd.s32 $0xFFFFE000  }
0x97: {  	[tilespmem:s23], [sflag:$0x3] =	stream.linear.gather [hbm4b:s13+s3], $0x80, $0x38;
	[tilespmem:$0x1C980] =	vst v63  }
0x98: {  	_ =	swait.ge [sflag:s17], $0x80  }
0x99: {  	[sflag:s17] =	ssyncset.done $0x0  }
0x9a: {  	[sflag:s17] =	ssyncadd.s32 $0xFFFFFF80  }
0x9b: {  	_ =	swait.ge [sflag:s25], $0x2000  }
0x9c: {  	[sflag:s25] =	ssyncset.done $0x0  }
0x9d: {  	[sflag:s25] =	ssyncadd.s32 $0xFFFFE000  }
0x9e: {  	[spmem:s2] =	stream.indirect.scatter.add.f32 [tilespmem:s22], [sflag:$0x3], $0x40, s23, s19, $0xb8;
	[tilespmem:$0x1C980] =	vst v63  }
0x9f: {  	_ =	swait.ge [sflag:s17], $0x2000  }
0xa0: {  	s26 =	sadd.s32 $0x1, s26;
	[sflag:s17] =	ssyncset.done $0x0  }
0xa1: {  	p0 =	sne.s32 s26, s9;
	[sflag:s17] =	ssyncadd.s32 $0xFFFFE000  }
.Ltmp1:
0xa2: {  	[bflag:$0x0] =	sbarrier.arrive $0xFFFF;
	(pc) =	sbr.rel @p0 .LBB2_1-.Ltmp1, $4  }
0xa3: {  	[hbm:s8], [sflag:s6] =	dma.local [spmem:s16], $0x3100  }
0xa4: {  	_ =	swait.ge [sflag:s17], $0x3100  }
0xa5: {  	[sflag:s17] =	ssyncset.done $0x0  }
0xa6: {  	[sflag:s17] =	ssyncadd.s32 $0xFFFFCF00  }
0xa7: {  	_ =	sfence.sel $0x180000  }
0xa8: {  	[bflag:$0x0] =	sbarrier.arrive $0xFFFF  }
0xa9: {  	_ =	strace $0x9000004D  }
0xaa: {  	s0 =	stileid.u32;
	[bflag:$0x2] =	sbarrier.arrive $0xFFFF  }
0xab: {  	p0 =	sne.s32 s0, $0x0;
	s0 =	rddreg [dreg:$0x2]  }
0xac: {  	s0 =	sadd.s32 @!p0 $0x100000, s0  }
0xad: {  	[sflag:s0] =	ssyncadd.tile.s32 @!p0 $0x1;
	_ =	shalt  }
.Lfunc_end2:
_tile_overlayer_lowered:
.L_overlay_start_2:
0xae: {  	(tag) =	ssettag $0x2  }
0xaf: {  	s0 =	rddreg [dreg:$0x0];
	s2 =	stileid.u32  }
0xb0: {  	s1 =	rddreg [dreg:$0x1];
	p0 =	sne.s32 s2, $0x0  }
0xb1: {  	s3 =	rddreg [dreg:$0x2];
	[bflag:$0x3] =	sbarrier.arrive $0xFFFF;
	s2 =	simm.s32 @!p0 $0x1C03  }
0xb2: {  	[timem:s3], [sflag:s2] =	dma.local @!p0 [hbm:s0], s1  }
0xb3: {  	s0 =	simm.s32 @!p0 $0x3  }
0xb4: {  	_ =	swait.ge @!p0 [sflag:s0], s1  }
0xb5: {  	s1 =	ssub.s32 @!p0 $0x0, s1;
	[sflag:s0] =	ssyncset.done @!p0 $0x0  }
0xb6: {  	[sflag:s0] =	ssyncadd.s32 @!p0 s1  }
0xb7: {  	[bflag:$0x3] =	sbarrier.arrive $0xFFFF  }
0xb8: {  	_ =	shalt  }

// kernel: kernel.18.cloned.1.call-start
scs
__scs_entry_jumppad:
0x0: {  	(pc) =	sbr.rel $0x88, $3  }
0x1: {  	(tag) =	ssettag $0x0;
	lr =	simm.s32 $0x1  }
0x2: {  	[smem:$0x3F88] =	sst lr;
	_ =	strace $0xD0000000  }
0x3: {  	_ = 	snop  }
0x4: {  	_ = 	snop  }
0x5: {  	_ = 	snop  }
0x6: {  	_ = 	snop  }
0x7: {  	_ = 	snop  }
__scs_overlays_trampoline_lowered:
0x8: {  	[smem:$0x3F97] =	sst s0  }
0x9: {  	[smem:$0x3F98] =	sst s1  }
0xa: {  	[smem:$0x3F99] =	sst s2  }
0xb: {  	[smem:$0x3F9A] =	sst s3  }
0xc: {  	[smem:$0x3F9B] =	sst s4  }
0xd: {  	[smem:$0x3F9C] =	sst s5  }
0xe: {  	[smem:$0x3F9D] =	sst s6  }
0xf: {  	[smem:$0x3F9E] =	sst s7  }
0x10: {  	[smem:$0x3F9F] =	sst s8  }
0x11: {  	[smem:$0x3FA0] =	sst s9;
	s0 =	simm.s32 @!p0 $0x0  }
0x12: {  	s1 =	sld [smem:$0x3F86];
	s0 =	simm.s32 @p0 $0x1  }
0x13: {  	[smem:$0x3FA1] =	sst s0;
	s0 =	simm.s32 @!p1 $0x0  }
0x14: {  	s2 =	sld [smem:$0x3F85];
	s0 =	simm.s32 @p1 $0x1  }
0x15: {  	[smem:$0x3FA2] =	sst s0;
	s0 =	simm.s32 @!p2 $0x0  }
0x16: {  	s3 =	sld [smem:$0x3FDB];
	s0 =	simm.s32 @p2 $0x1  }
0x17: {  	s4 =	simm.s32 $0x1BF5;
	[smem:$0x3FA4] =	sst s0  }
0x18: {  	s0 =	sld [smem:$0x3F87];
	_ =	swait.ge [sflag:s4], $0x0  }
0x19: {  	s7 =	sld [smem:$0x3F88]  }
0x1a: {  	s8 =	sadd.s32 $0xFFFFE003, lr  }
0x1b: {  	s9 =	sadd.s32 $0xFFFFFEF7, lr;
	s5 =	simm.s32 $0xFFFFFFFF;
	p2 =	slt.u32 s8, $0xFFFFF086  }
0x1c: {  	p1 =	slt.u32 s9, $0xF7A;
	s5 =	simm.s32 @!p2 $0x0  }
0x1d: {  	s5 =	simm.s32 @p1 $0x1;
	p0 =	seq.s32 s7, s2  }
0x1e: {  	s7 =	smul.u32 @!p0 $0xF7A, s2;
	p2 =	seq.s32 @!p0 s5, $0x0  }
0x1f: {  	s9 =	smul.u32 $0xF7A, s1;
	s8 =	simm.s32 @!p0 $0x1BF5;
	p2 =	por !p2, p0  }
0x20: {  	[sflag:s8] =	ssyncset.s32 @!p0 $0xFFFFF086;
	s6 =	sadd.s32 @!p0 s3, s7;
	s7 =	simm.s32 @!p0 $0x108  }
0x21: {  	s3 =	sadd.s32 s3, s9;
	s6 =	sadd.s32 @!p0 $0x88, s6;
	s7 =	simm.s32 @p2 $0x1082  }
0x22: {  	[simem:s7], [sflag:s8] =	dma.local @!p0 [hbm:s6], $0xF7A  }
0x23: {  	s9 =	sor.u32 $0xD0000000, s2;
	s6 =	simm.s32 $0x108;
	_ =	swait.ge @!p0 [sflag:s8], $0x0  }
0x24: {  	s3 =	sadd.s32 $0x88, s3;
	s6 =	simm.s32 @!p1 $0x1082;
	[sflag:s4] =	ssyncset.s32 $0xFFFFF086  }
0x25: {  	[simem:s6], [sflag:s4] =	dma.local [hbm:s3], $0xF7A  }
0x26: {  	[smem:$0x3F88] =	sst s1;
	(tag) =	ssettag s2;
	_ =	strace s9  }
0x27: {  	s1 =	sld [smem:$0x3F98]  }
0x28: {  	s2 =	sld [smem:$0x3F99]  }
0x29: {  	s4 =	sld [smem:$0x3F9B]  }
0x2a: {  	p0 =	seq.s32 s5, $0x0;
	s5 =	sld [smem:$0x3F9C]  }
0x2b: {  	s6 =	sld [smem:$0x3F9D]  }
0x2c: {  	s7 =	sld [smem:$0x3F9E]  }
0x2d: {  	s3 =	simm.s32 $0x108;
	s8 =	sld [smem:$0x3F9F]  }
0x2e: {  	s3 =	simm.s32 @!p0 $0x1082;
	s9 =	sld [smem:$0x3FA0]  }
0x2f: {  	lr =	sadd.s32 s0, s3;
	s0 =	sld [smem:$0x3F97]  }
0x30: {  	s3 =	sld [smem:$0x3F9A]  }
0x31: {  	[smem:$0x3FA3] =	sst s10  }
0x32: {  	s10 =	sld [smem:$0x3FA1];
	_ =	sdelay $0x3  }
0x33: {  	p0 =	seq.s32 s10, $0x1;
	s10 =	sld [smem:$0x3FA3];
	_ =	sdelay $0x3  }
0x34: {  	[smem:$0x3FA3] =	sst s10  }
0x35: {  	s10 =	sld [smem:$0x3FA2];
	_ =	sdelay $0x3  }
0x36: {  	p1 =	seq.s32 s10, $0x1;
	s10 =	sld [smem:$0x3FA3];
	_ =	sdelay $0x3  }
0x37: {  	[smem:$0x3FA3] =	sst s10  }
0x38: {  	s10 =	sld [smem:$0x3FA4]  }
0x39: {  	_ = 	snop;
	(pc) =	sbr.ind lr, $3  }
0x3a: {  	_ = 	snop  }
0x3b: {  	_ = 	snop  }
0x3c: {  	p2 =	seq.s32 s10, $0x1;
	s10 =	sld [smem:$0x3FA3]  }
0x3d: {  	_ =	shalt  }
0x3e: {  	_ =	shalt  }
0x3f: {  	_ =	shalt  }
0x40: {  	_ =	shalt  }
0x41: {  	_ =	shalt  }
0x42: {  	_ =	shalt  }
0x43: {  	_ =	shalt  }
0x44: {  	_ =	shalt  }
0x45: {  	_ =	shalt  }
0x46: {  	_ =	shalt  }
0x47: {  	_ =	shalt  }
0x48: {  	_ =	shalt  }
0x49: {  	_ =	shalt  }
0x4a: {  	_ =	shalt  }
0x4b: {  	_ =	shalt  }
0x4c: {  	_ =	shalt  }
0x4d: {  	_ =	shalt  }
0x4e: {  	_ =	shalt  }
0x4f: {  	_ =	shalt  }
0x50: {  	_ =	shalt  }
0x51: {  	_ =	shalt  }
0x52: {  	_ =	shalt  }
0x53: {  	_ =	shalt  }
0x54: {  	_ =	shalt  }
0x55: {  	_ =	shalt  }
0x56: {  	_ =	shalt  }
0x57: {  	_ =	shalt  }
0x58: {  	_ =	shalt  }
0x59: {  	_ =	shalt  }
0x5a: {  	_ =	shalt  }
0x5b: {  	_ =	shalt  }
0x5c: {  	_ =	shalt  }
0x5d: {  	_ =	shalt  }
0x5e: {  	_ =	shalt  }
0x5f: {  	_ =	shalt  }
0x60: {  	_ =	shalt  }
0x61: {  	_ =	shalt  }
0x62: {  	_ =	shalt  }
0x63: {  	_ =	shalt  }
0x64: {  	_ =	shalt  }
0x65: {  	_ =	shalt  }
0x66: {  	_ =	shalt  }
0x67: {  	_ =	shalt  }
0x68: {  	_ =	shalt  }
0x69: {  	_ =	shalt  }
0x6a: {  	_ =	shalt  }
0x6b: {  	_ =	shalt  }
0x6c: {  	_ =	shalt  }
0x6d: {  	_ =	shalt  }
0x6e: {  	_ =	shalt  }
0x6f: {  	_ =	shalt  }
0x70: {  	_ =	shalt  }
0x71: {  	_ =	shalt  }
0x72: {  	_ =	shalt  }
0x73: {  	_ =	shalt  }
0x74: {  	_ =	shalt  }
0x75: {  	_ =	shalt  }
0x76: {  	_ =	shalt  }
0x77: {  	_ =	shalt  }
0x78: {  	_ =	shalt  }
0x79: {  	_ =	shalt  }
0x7a: {  	_ =	shalt  }
0x7b: {  	_ =	shalt  }
0x7c: {  	_ =	shalt  }
0x7d: {  	_ =	shalt  }
0x7e: {  	_ =	shalt  }
0x7f: {  	_ =	shalt  }
0x80: {  	_ =	shalt  }
0x81: {  	_ =	shalt  }
0x82: {  	_ =	shalt  }
0x83: {  	_ =	shalt  }
0x84: {  	_ =	shalt  }
0x85: {  	_ =	shalt  }
0x86: {  	_ =	shalt  }
0x87: {  	_ =	shalt  }
.Lfunc_end0:
.L_simem_size_0:
called_computation.3_lowered:
.L_overlay_start_0:
0x88: {  	s2 =	sld [smem:$0x3FD9]  }
0x89: {  	s3 =	sld [smem:$0x3FFE];
	_ =	sdelay $0x1  }
0x8a: {  	s1 =	srdreg.scid  }
0x8b: {  	s0 =	sand.u32 $0x1, s1  }
0x8c: {  	s16 =	sshll.u32 s0, $0xA;
	s2 =	sadd.s32 s3, s2  }
0x8d: {  	s2 =	sadd.s32 s2, s16  }
0x8e: {  	[smem:$0x3FAF] =	sst s2  }
0x8f: {  	_ = 	snop  }
0x90: {  	(tm) =	ssettm $0x1  }
0x91: {  	s17 =	sld [smem:$0x3FFB];
	_ =	sdelay $0x3  }
0x92: {  	_ =	strace s17  }
0x93: {  	s2 =	sld [smem:$0x3FFC];
	_ =	sdelay $0x3  }
0x94: {  	_ =	strace s2  }
0x95: {  	s2 =	sld [smem:$0x3FFD];
	_ =	sdelay $0x3  }
0x96: {  	_ =	strace s2  }
0x97: {  	_ =	strace $0x8FFFFFFF  }
0x98: {  	s18 =	sld [smem:$0x3FDB];
	_ =	sdelay $0x1  }
0x99: {  	s19 =	simm.s32 $_scs_section_size  }
0x9a: {  	s4 =	simm.s32 $_size__tile_overlayer_lowered;
	s5 =	simm.s32 $_tile_overlayer_lowered  }
0x9b: {  	s22 =	simm.s32 $0x1BFF;
	s21 =	sshll.u32 s5, $0x1;
	s2 =	sadd.s32 s19, s18  }
0x9c: {  	s6 =	simm.s32 $0x0;
	s20 =	sshll.u32 s4, $0x1;
	s4 =	sadd.s32 s21, s2  }
0x9d: {  	[timem:s6], [sflag:s22] =	dma.local [hbm:s4], s20  }
0x9e: {  	_ =	swait.ge [sflag:s22], s20  }
0x9f: {  	s3 =	ssub.s32 $0x0, s20;
	[sflag:s22] =	ssyncset.done $0x0  }
0xa0: {  	[sflag:s22] =	ssyncadd.s32 s3;
	_ =	sdelay $0x1  }
0xa1: {  	s23 =	simm.s32 $0x1B8B  }
0xa2: {  	_ =	swait.ge [sflag:s23], $0x1  }
0xa3: {  	[sflag:s23] =	ssyncset.done $0x0  }
0xa4: {  	s25 =	simm.s32 $0x1B8E;
	s24 =	sld [smem:$0x3FFE];
	[sflag:s23] =	ssyncadd.s32 $0xFFFFFFFF  }
0xa5: {  	s26 =	simm.s32 $execute0_lowered;
	[smem:$0x3FD2] =	sst s25  }
0xa6: {  	s4 =	sshll.u32 s26, $0x1;
	_ =	strace $0x8000004F;
	[dreg:$0x1] =	wrdreg $0xFFFFFFFF  }
0xa7: {  	s28 =	simm.s32 $_size_execute0_lowered;
	s2 =	sadd.s32 s2, s4;
	[dreg:$0x0] =	wrdreg $0x0  }
0xa8: {  	s4 =	sshll.u32 s28, $0x1;
	[dreg:$0x2] =	wrdreg s2  }
0xa9: {  	[dreg:$0x3] =	wrdreg s4  }
0xaa: {  	[dreg:$0x4] =	wrdreg $0xC0  }
0xab: {  	_ =	task [dreg:s6], $0x5FFFF  }
0xac: {  	[dreg:$0x1] =	wrdreg $0xFFFFFFFF  }
0xad: {  	[dreg:$0x0] =	wrdreg $0x60  }
0xae: {  	[dreg:$0x2] =	wrdreg s24  }
0xaf: {  	[dreg:$0x3] =	wrdreg $0x0  }
0xb0: {  	[dreg:$0x4] =	wrdreg $0x9  }
0xb1: {  	_ =	task.clear_ibuf [dreg:s6], $0x5FFFF;
	_ =	strace $0x9000004F  }
0xb2: {  	s29 =	simm.s32 $0x9;
	_ =	strace $0x80000051  }
0xb3: {  	_ =	swait.ge [sflag:s29], $0x1  }
0xb4: {  	[sflag:s29] =	ssyncadd.s32 $0xFFFFFFFF  }
0xb5: {  	_ =	strace $0x90000051  }
0xb6: {  	_ =	sfence  }
0xb7: {  	s30 =	sld [smem:$0x0];
	_ =	sdelay $0x2  }
0xb8: {  	s31 =	sshll.u32 s1, $0xD;
	s1 =	sshrl.u32 s1, $0x2  }
0xb9: {  	s3 =	sand.u32 $0x4000, s31;
	s1 =	sadd.s32 s1, s30  }
0xba: {  	s0 =	sor.u32 s3, s0;
	s1 =	sshll.u32 s1, $0x11  }
0xbb: {  	s0 =	sor.u32 s1, s0  }
0xbc: {  	s0 =	sadd.s32 $0x8F2B, s0  }
0xbd: {  	[sflag:s0] =	ssyncadd.remote.s32 $0x1  }
0xbe: {  	_ =	sfence.sel $0xFFFF  }
0xbf: {  	[dreg:$0x0] =	wrdreg $0xFFFFFFFF;
	(pc) =	sbr.abs _section_cstart, $3  }
0xc0: {  	[dreg:$0x1] =	wrdreg $0xFFFFFFFF  }
0xc1: {  	_ =	task.clear_ibuf [dreg:s6], $0x2FFFF;
	_ =	strace $0x9FFFFFFF  }
0xc2: {  	(tm) =	ssettm $0x7FFFFFFF  }
0xc3: {  	_ =	shalt  }
tec
execute0_lowered:
.L_overlay_start_1:
0x0: {  	(tag) =	ssettag $0x1  }
0x1: {  	s5 =	rddreg [dreg:$0x0]  }
0x2: {  	s2 =	rddreg [dreg:$0x1]  }
0x3: {  	s3 =	simm.s32 $0x0;
	s0 =	stileid.u32;
	s4 =	srdreg.scid  }
0x4: {  	s19 =	simm.s32 $0x80;
	s20 =	simm.s32 $0x18900;
	s21 =	simm.s32 $0x18880  }
0x5: {  	s22 =	simm.s32 $0x1A900;
	s23 =	simm.s32 $0x1C900;
	s24 =	simm.s32 $0x1  }
0x6: {  	s25 =	simm.s32 $0x2;
	s26 =	simm.s32 $0x0;
	s6 =	smul.u32 $0x18800, s0  }
0x7: {  	[smem:$0x7FF] =	sst s3;
	s7 =	sand.u32 $0x1, s4;
	s12 =	smul.u32 $0xC400, s0  }
0x8: {  	s4 =	sadd.s32 $0xC7A00, s5;
	s14 =	sadd.s32 $0x7D9A00, s5;
	s17 =	smul.u32 $0x1880, s0  }
0x9: {  	s15 =	sadd.s32 $0x18B400, s5;
	s28 =	sshll.u32 s0, $0x6;
	s8 =	smul.u32 $0x188000, s7  }
0xa: {  	_ =	strace $0x80000050;
	s10 =	ssub.s32 $0x2, s7;
	s7 =	smul.u32 $0xC4000, s7  }
0xb: {  	s9 =	sshrl.u32 s6, $0x3;
	s11 =	sshrl.u32 s10, $0x1;
	s16 =	sadd.s32 s6, s2  }
0xc: {  	s29 =	sshrl.u32 s12, $0x3;
	s9 =	sadd.s32 s9, s5;
	s8 =	sadd.s32 s6, s8  }
0xd: {  	s10 =	ssub.s32 s10, s11;
	s6 =	sor.u32 $0x1C03, s28;
	s13 =	sadd.s32 s12, s7  }
0xe: {  	s7 =	sadd.s32 s14, s29;
	s14 =	sadd.s32 s17, s14;
	s16 =	sshrl.u32 s16, $0x3  }
0xf: {  	s17 =	simm.s32 $0x3;
	s8 =	sshrl.u32 s8, $0x3;
	s30 =	sshrl.u32 s13, $0x3  }
0x10: {  	s11 =	sadd.s32 $0x1870, s7;
	s18 =	sor.u32 $0x80, s13;
	s8 =	sadd.s32 s8, s5  }
0x11: {  	s5 =	sadd.s32 $0x129600, s9;
	s9 =	smax.u32 s10, $0x1;
	s10 =	sadd.s32 s30, s15  }
0x12: {  	s31 =	sshrl.u32 s18, $0x3;
	s18 =	simm.s32 $0x18800;
	s8 =	sadd.s32 $0x1BC400, s8  }
0x13: {  	s12 =	sadd.s32 $0x1860, s10;
	s13 =	sadd.s32 $0x1870, s10;
	s15 =	sadd.s32 s31, s15  }
.LBB2_1:
0x14: {  	[spmem:s16], [sflag:s6] =	dma.local [hbm:s5], $0x3100  }
0x15: {  	_ =	swait.ge [sflag:s17], $0x3100  }
0x16: {  	[sflag:s17] =	ssyncset.done $0x0  }
0x17: {  	[sflag:s17] =	ssyncadd.s32 $0xFFFFCF00  }
0x18: {  	[bflag:$0x0] =	sbarrier.arrive $0xFFFF  }
0x19: {  	[tilespmem:s18], [sflag:$0x3] =	stream.linear.gather [hbm4b:s7+s3], $0x80, $0x38;
	[tilespmem:$0x1C980] =	vst v63  }
0x1a: {  	_ =	swait.ge [sflag:s17], $0x80  }
0x1b: {  	[sflag:s17] =	ssyncset.done $0x0  }
0x1c: {  	s28 =	sadd.s32 $0x0, s14;
	[sflag:s17] =	ssyncadd.s32 $0xFFFFFF80  }
0x1d: {  	[tilespmem:s20], [sflag:$0x1] =	stream.indirect.gather [hbm4b:s4+s19], $0x40, s18, s19, $0xb8;
	[tilespmem:$0x1C980] =	vst v63  }
0x1e: {  	s29 =	sadd.s32 $0x10, s28  }
0x1f: {  	[tilespmem:s21], [sflag:$0x3] =	stream.linear.gather [hbm4b:s29+s3], $0x80, $0x38;
	[tilespmem:$0x1C980] =	vst v63  }
0x20: {  	_ =	swait.ge [sflag:s17], $0x80  }
0x21: {  	[sflag:s17] =	ssyncset.done $0x0  }
0x22: {  	[sflag:s17] =	ssyncadd.s32 $0xFFFFFF80  }
0x23: {  	[tilespmem:s22], [sflag:$0x2] =	stream.indirect.gather [hbm4b:s4+s19], $0x40, s21, s19, $0xb8;
	[tilespmem:$0x1C980] =	vst v63  }
0x24: {  	s1 =	sadd.s32 $0x0, s10  }
0x25: {  	[tilespmem:s23], [sflag:$0x3] =	stream.linear.gather [hbm4b:s1+s3], $0x80, $0x38;
	[tilespmem:$0x1C980] =	vst v63  }
0x26: {  	_ =	swait.ge [sflag:s17], $0x80  }
0x27: {  	[sflag:s17] =	ssyncset.done $0x0  }
0x28: {  	[sflag:s17] =	ssyncadd.s32 $0xFFFFFF80  }
0x29: {  	_ =	swait.ge [sflag:s24], $0x2000  }
0x2a: {  	[sflag:s24] =	ssyncset.done $0x0  }
0x2b: {  	[sflag:s24] =	ssyncadd.s32 $0xFFFFE000  }
0x2c: {  	[spmem:s2] =	stream.indirect.scatter.add.f32 [tilespmem:s20], [sflag:$0x3], $0x40, s23, s19, $0xb8;
	[tilespmem:$0x1C980] =	vst v63  }
0x2d: {  	_ =	swait.ge [sflag:s17], $0x2000  }
0x2e: {  	[sflag:s17] =	ssyncset.done $0x0  }
0x2f: {  	s28 =	sadd.s32 $0x20, s28;
	[sflag:s17] =	ssyncadd.s32 $0xFFFFE000  }
0x30: {  	[tilespmem:s18], [sflag:$0x3] =	stream.linear.gather [hbm4b:s28+s3], $0x80, $0x38;
	[tilespmem:$0x1C980] =	vst v63  }
0x31: {  	_ =	swait.ge [sflag:s17], $0x80  }
0x32: {  	[sflag:s17] =	ssyncset.done $0x0  }
0x33: {  	[sflag:s17] =	ssyncadd.s32 $0xFFFFFF80  }
0x34: {  	[tilespmem:s20], [sflag:$0x1] =	stream.indirect.gather [hbm4b:s4+s19], $0x40, s18, s19, $0xb8;
	[tilespmem:$0x1C980] =	vst v63  }
0x35: {  	s28 =	sadd.s32 $0x0, s15  }
0x36: {  	[tilespmem:s23], [sflag:$0x3] =	stream.linear.gather [hbm4b:s28+s3], $0x80, $0x38;
	[tilespmem:$0x1C980] =	vst v63  }
0x37: {  	_ =	swait.ge [sflag:s17], $0x80  }
0x38: {  	[sflag:s17] =	ssyncset.done $0x0  }
0x39: {  	[sflag:s17] =	ssyncadd.s32 $0xFFFFFF80  }
0x3a: {  	_ =	swait.ge [sflag:s25], $0x2000  }
0x3b: {  	[sflag:s25] =	ssyncset.done $0x0  }
0x3c: {  	[sflag:s25] =	ssyncadd.s32 $0xFFFFE000  }
0x3d: {  	[spmem:s2] =	stream.indirect.scatter.add.f32 [tilespmem:s22], [sflag:$0x3], $0x40, s23, s19, $0xb8;
	[tilespmem:$0x1C980] =	vst v63  }
0x3e: {  	s31 =	simm.s32 $0x40;
	_ =	swait.ge [sflag:s17], $0x2000  }
0x3f: {  	s30 =	sadd.s32 $0x20, s14;
	s28 =	simm.s32 $0x20;
	[sflag:s17] =	ssyncset.done $0x0  }
.LBB2_2:
0x40: {  	s0 =	sadd.s32 $0x10, s30  }
0x41: {  	[sflag:s17] =	ssyncadd.s32 $0xFFFFE000;
	s1 =	smov.u32 s31;
	s29 =	sadd.s32 $0x20, s31  }
0x42: {  	[tilespmem:s21], [sflag:$0x3] =	stream.linear.gather [hbm4b:s0+s3], $0x80, $0x38;
	[tilespmem:$0x1C980] =	vst v63  }
0x43: {  	p0 =	sne.s32 s31, $0x1840;
	_ =	swait.ge [sflag:s17], $0x80  }
0x44: {  	[sflag:s17] =	ssyncset.done $0x0  }
0x45: {  	[sflag:s17] =	ssyncadd.s32 $0xFFFFFF80  }
0x46: {  	[tilespmem:s22], [sflag:$0x2] =	stream.indirect.gather [hbm4b:s4+s19], $0x40, s21, s19, $0xb8;
	[tilespmem:$0x1C980] =	vst v63  }
0x47: {  	s0 =	sadd.s32 s28, s10  }
0x48: {  	[tilespmem:s23], [sflag:$0x3] =	stream.linear.gather [hbm4b:s0+s3], $0x80, $0x38;
	[tilespmem:$0x1C980] =	vst v63  }
0x49: {  	_ =	swait.ge [sflag:s17], $0x80  }
0x4a: {  	[sflag:s17] =	ssyncset.done $0x0  }
0x4b: {  	[sflag:s17] =	ssyncadd.s32 $0xFFFFFF80  }
0x4c: {  	_ =	swait.ge [sflag:s24], $0x2000  }
0x4d: {  	[sflag:s24] =	ssyncset.done $0x0  }
0x4e: {  	[sflag:s24] =	ssyncadd.s32 $0xFFFFE000  }
0x4f: {  	[spmem:s2] =	stream.indirect.scatter.add.f32 [tilespmem:s20], [sflag:$0x3], $0x40, s23, s19, $0xb8;
	[tilespmem:$0x1C980] =	vst v63  }
0x50: {  	_ =	swait.ge [sflag:s17], $0x2000  }
0x51: {  	[sflag:s17] =	ssyncset.done $0x0  }
0x52: {  	s0 =	sadd.s32 $0x20, s30;
	[sflag:s17] =	ssyncadd.s32 $0xFFFFE000  }
0x53: {  	[tilespmem:s18], [sflag:$0x3] =	stream.linear.gather [hbm4b:s0+s3], $0x80, $0x38;
	[tilespmem:$0x1C980] =	vst v63  }
0x54: {  	_ =	swait.ge [sflag:s17], $0x80  }
0x55: {  	[sflag:s17] =	ssyncset.done $0x0  }
0x56: {  	[sflag:s17] =	ssyncadd.s32 $0xFFFFFF80  }
0x57: {  	[tilespmem:s20], [sflag:$0x1] =	stream.indirect.gather [hbm4b:s4+s19], $0x40, s18, s19, $0xb8;
	[tilespmem:$0x1C980] =	vst v63  }
0x58: {  	s0 =	sadd.s32 s28, s15;
	s28 =	smov.u32 s1  }
0x59: {  	[tilespmem:s23], [sflag:$0x3] =	stream.linear.gather [hbm4b:s0+s3], $0x80, $0x38;
	[tilespmem:$0x1C980] =	vst v63  }
0x5a: {  	_ =	swait.ge [sflag:s17], $0x80  }
0x5b: {  	[sflag:s17] =	ssyncset.done $0x0  }
0x5c: {  	[sflag:s17] =	ssyncadd.s32 $0xFFFFFF80  }
0x5d: {  	_ =	swait.ge [sflag:s25], $0x2000  }
.Ltmp0:
0x5e: {  	[sflag:s25] =	ssyncset.done $0x0;
	(pc) =	sbr.rel @p0 .LBB2_2-.Ltmp0, $4  }
0x5f: {  	[sflag:s25] =	ssyncadd.s32 $0xFFFFE000  }
0x60: {  	[spmem:s2] =	stream.indirect.scatter.add.f32 [tilespmem:s22], [sflag:$0x3], $0x40, s23, s19, $0xb8;
	[tilespmem:$0x1C980] =	vst v63  }
0x61: {  	_ =	swait.ge [sflag:s17], $0x2000  }
0x62: {  	s31 =	smov.u32 s29;
	s30 =	sadd.s32 s28, s14;
	[sflag:s17] =	ssyncset.done $0x0  }
0x63: {  	s0 =	sadd.s32 $0x10, s30;
	[sflag:s17] =	ssyncadd.s32 $0xFFFFE000  }
0x64: {  	[tilespmem:s21], [sflag:$0x3] =	stream.linear.gather [hbm4b:s0+s3], $0x80, $0x38;
	[tilespmem:$0x1C980] =	vst v63  }
0x65: {  	_ =	swait.ge [sflag:s17], $0x80  }
0x66: {  	[sflag:s17] =	ssyncset.done $0x0  }
0x67: {  	[sflag:s17] =	ssyncadd.s32 $0xFFFFFF80  }
0x68: {  	[tilespmem:s22], [sflag:$0x2] =	stream.indirect.gather [hbm4b:s4+s19], $0x40, s21, s19, $0xb8;
	[tilespmem:$0x1C980] =	vst v63  }
0x69: {  	s29 =	sadd.s32 s28, s10  }
0x6a: {  	[tilespmem:s23], [sflag:$0x3] =	stream.linear.gather [hbm4b:s29+s3], $0x80, $0x38;
	[tilespmem:$0x1C980] =	vst v63  }
0x6b: {  	_ =	swait.ge [sflag:s17], $0x80  }
0x6c: {  	[sflag:s17] =	ssyncset.done $0x0  }
0x6d: {  	[sflag:s17] =	ssyncadd.s32 $0xFFFFFF80  }
0x6e: {  	_ =	swait.ge [sflag:s24], $0x2000  }
0x6f: {  	[sflag:s24] =	ssyncset.done $0x0  }
0x70: {  	[sflag:s24] =	ssyncadd.s32 $0xFFFFE000  }
0x71: {  	[spmem:s2] =	stream.indirect.scatter.add.f32 [tilespmem:s20], [sflag:$0x3], $0x40, s23, s19, $0xb8;
	[tilespmem:$0x1C980] =	vst v63  }
0x72: {  	_ =	swait.ge [sflag:s17], $0x2000  }
0x73: {  	[sflag:s17] =	ssyncset.done $0x0  }
0x74: {  	s30 =	sadd.s32 $0x20, s30;
	[sflag:s17] =	ssyncadd.s32 $0xFFFFE000  }
0x75: {  	[tilespmem:s18], [sflag:$0x3] =	stream.linear.gather [hbm4b:s30+s3], $0x80, $0x38;
	[tilespmem:$0x1C980] =	vst v63  }
0x76: {  	_ =	swait.ge [sflag:s17], $0x80  }
0x77: {  	[sflag:s17] =	ssyncset.done $0x0  }
0x78: {  	[sflag:s17] =	ssyncadd.s32 $0xFFFFFF80  }
0x79: {  	[tilespmem:s20], [sflag:$0x1] =	stream.indirect.gather [hbm4b:s4+s19], $0x40, s18, s19, $0xb8;
	[tilespmem:$0x1C980] =	vst v63  }
0x7a: {  	s31 =	sadd.s32 s28, s15  }
0x7b: {  	[tilespmem:s23], [sflag:$0x3] =	stream.linear.gather [hbm4b:s31+s3], $0x80, $0x38;
	[tilespmem:$0x1C980] =	vst v63  }
0x7c: {  	_ =	swait.ge [sflag:s17], $0x80  }
0x7d: {  	[sflag:s17] =	ssyncset.done $0x0  }
0x7e: {  	[sflag:s17] =	ssyncadd.s32 $0xFFFFFF80  }
0x7f: {  	_ =	swait.ge [sflag:s25], $0x2000  }
0x80: {  	[sflag:s25] =	ssyncset.done $0x0  }
0x81: {  	[sflag:s25] =	ssyncadd.s32 $0xFFFFE000  }
0x82: {  	[spmem:s2] =	stream.indirect.scatter.add.f32 [tilespmem:s22], [sflag:$0x3], $0x40, s23, s19, $0xb8;
	[tilespmem:$0x1C980] =	vst v63  }
0x83: {  	_ =	swait.ge [sflag:s17], $0x2000  }
0x84: {  	[sflag:s17] =	ssyncset.done $0x0  }
0x85: {  	[sflag:s17] =	ssyncadd.s32 $0xFFFFE000  }
0x86: {  	[tilespmem:s21], [sflag:$0x3] =	stream.linear.gather [hbm4b:s11+s3], $0x80, $0x38;
	[tilespmem:$0x1C980] =	vst v63  }
0x87: {  	_ =	swait.ge [sflag:s17], $0x80  }
0x88: {  	[sflag:s17] =	ssyncset.done $0x0  }
0x89: {  	[sflag:s17] =	ssyncadd.s32 $0xFFFFFF80  }
0x8a: {  	[tilespmem:s22], [sflag:$0x2] =	stream.indirect.gather [hbm4b:s4+s19], $0x40, s21, s19, $0xb8;
	[tilespmem:$0x1C980] =	vst v63  }
0x8b: {  	_ = 	snop  }
0x8c: {  	[tilespmem:s23], [sflag:$0x3] =	stream.linear.gather [hbm4b:s12+s3], $0x80, $0x38;
	[tilespmem:$0x1C980] =	vst v63  }
0x8d: {  	_ =	swait.ge [sflag:s17], $0x80  }
0x8e: {  	[sflag:s17] =	ssyncset.done $0x0  }
0x8f: {  	[sflag:s17] =	ssyncadd.s32 $0xFFFFFF80  }
0x90: {  	_ =	swait.ge [sflag:s24], $0x2000  }
0x91: {  	[sflag:s24] =	ssyncset.done $0x0  }
0x92: {  	[sflag:s24] =	ssyncadd.s32 $0xFFFFE000  }
0x93: {  	[spmem:s2] =	stream.indirect.scatter.add.f32 [tilespmem:s20], [sflag:$0x3], $0x40, s23, s19, $0xb8;
	[tilespmem:$0x1C980] =	vst v63  }
0x94: {  	_ =	swait.ge [sflag:s17], $0x2000  }
0x95: {  	[sflag:s17] =	ssyncset.done $0x0  }
0x96: {  	[sflag:s17] =	ssyncadd.s32 $0xFFFFE000  }
0x97: {  	[tilespmem:s23], [sflag:$0x3] =	stream.linear.gather [hbm4b:s13+s3], $0x80, $0x38;
	[tilespmem:$0x1C980] =	vst v63  }
0x98: {  	_ =	swait.ge [sflag:s17], $0x80  }
0x99: {  	[sflag:s17] =	ssyncset.done $0x0  }
0x9a: {  	[sflag:s17] =	ssyncadd.s32 $0xFFFFFF80  }
0x9b: {  	_ =	swait.ge [sflag:s25], $0x2000  }
0x9c: {  	[sflag:s25] =	ssyncset.done $0x0  }
0x9d: {  	[sflag:s25] =	ssyncadd.s32 $0xFFFFE000  }
0x9e: {  	[spmem:s2] =	stream.indirect.scatter.add.f32 [tilespmem:s22], [sflag:$0x3], $0x40, s23, s19, $0xb8;
	[tilespmem:$0x1C980] =	vst v63  }
0x9f: {  	_ =	swait.ge [sflag:s17], $0x2000  }
0xa0: {  	s26 =	sadd.s32 $0x1, s26;
	[sflag:s17] =	ssyncset.done $0x0  }
0xa1: {  	p0 =	sne.s32 s26, s9;
	[sflag:s17] =	ssyncadd.s32 $0xFFFFE000  }
.Ltmp1:
0xa2: {  	[bflag:$0x0] =	sbarrier.arrive $0xFFFF;
	(pc) =	sbr.rel @p0 .LBB2_1-.Ltmp1, $4  }
0xa3: {  	[hbm:s8], [sflag:s6] =	dma.local [spmem:s16], $0x3100  }
0xa4: {  	_ =	swait.ge [sflag:s17], $0x3100  }
0xa5: {  	[sflag:s17] =	ssyncset.done $0x0  }
0xa6: {  	[sflag:s17] =	ssyncadd.s32 $0xFFFFCF00  }
0xa7: {  	_ =	sfence.sel $0x180000  }
0xa8: {  	[bflag:$0x0] =	sbarrier.arrive $0xFFFF  }
0xa9: {  	_ =	strace $0x90000050  }
0xaa: {  	s0 =	stileid.u32;
	[bflag:$0x2] =	sbarrier.arrive $0xFFFF  }
0xab: {  	p0 =	sne.s32 s0, $0x0;
	s0 =	rddreg [dreg:$0x2]  }
0xac: {  	s0 =	sadd.s32 @!p0 $0x100000, s0  }
0xad: {  	[sflag:s0] =	ssyncadd.tile.s32 @!p0 $0x1;
	_ =	shalt  }
.Lfunc_end2:
_tile_overlayer_lowered:
.L_overlay_start_2:
0xae: {  	(tag) =	ssettag $0x2  }
0xaf: {  	s0 =	rddreg [dreg:$0x0];
	s2 =	stileid.u32  }
0xb0: {  	s1 =	rddreg [dreg:$0x1];
	p0 =	sne.s32 s2, $0x0  }
0xb1: {  	s3 =	rddreg [dreg:$0x2];
	[bflag:$0x3] =	sbarrier.arrive $0xFFFF;
	s2 =	simm.s32 @!p0 $0x1C03  }
0xb2: {  	[timem:s3], [sflag:s2] =	dma.local @!p0 [hbm:s0], s1  }
0xb3: {  	s0 =	simm.s32 @!p0 $0x3  }
0xb4: {  	_ =	swait.ge @!p0 [sflag:s0], s1  }
0xb5: {  	s1 =	ssub.s32 @!p0 $0x0, s1;
	[sflag:s0] =	ssyncset.done @!p0 $0x0  }
0xb6: {  	[sflag:s0] =	ssyncadd.s32 @!p0 s1  }
0xb7: {  	[bflag:$0x3] =	sbarrier.arrive $0xFFFF  }
0xb8: {  	_ =	shalt  }

// kernel: kernel.21.cloned.1.call-start
scs
__scs_entry_jumppad:
0x0: {  	(pc) =	sbr.rel $0x88, $3  }
0x1: {  	(tag) =	ssettag $0x0;
	lr =	simm.s32 $0x1  }
0x2: {  	[smem:$0x3F88] =	sst lr;
	_ =	strace $0xD0000000  }
0x3: {  	_ = 	snop  }
0x4: {  	_ = 	snop  }
0x5: {  	_ = 	snop  }
0x6: {  	_ = 	snop  }
0x7: {  	_ = 	snop  }
__scs_overlays_trampoline_lowered:
0x8: {  	[smem:$0x3F97] =	sst s0  }
0x9: {  	[smem:$0x3F98] =	sst s1  }
0xa: {  	[smem:$0x3F99] =	sst s2  }
0xb: {  	[smem:$0x3F9A] =	sst s3  }
0xc: {  	[smem:$0x3F9B] =	sst s4  }
0xd: {  	[smem:$0x3F9C] =	sst s5  }
0xe: {  	[smem:$0x3F9D] =	sst s6  }
0xf: {  	[smem:$0x3F9E] =	sst s7  }
0x10: {  	[smem:$0x3F9F] =	sst s8  }
0x11: {  	[smem:$0x3FA0] =	sst s9;
	s0 =	simm.s32 @!p0 $0x0  }
0x12: {  	s1 =	sld [smem:$0x3F86];
	s0 =	simm.s32 @p0 $0x1  }
0x13: {  	[smem:$0x3FA1] =	sst s0;
	s0 =	simm.s32 @!p1 $0x0  }
0x14: {  	s2 =	sld [smem:$0x3F85];
	s0 =	simm.s32 @p1 $0x1  }
0x15: {  	[smem:$0x3FA2] =	sst s0;
	s0 =	simm.s32 @!p2 $0x0  }
0x16: {  	s3 =	sld [smem:$0x3FDB];
	s0 =	simm.s32 @p2 $0x1  }
0x17: {  	s4 =	simm.s32 $0x1BF5;
	[smem:$0x3FA4] =	sst s0  }
0x18: {  	s0 =	sld [smem:$0x3F87];
	_ =	swait.ge [sflag:s4], $0x0  }
0x19: {  	s7 =	sld [smem:$0x3F88]  }
0x1a: {  	s8 =	sadd.s32 $0xFFFFE003, lr  }
0x1b: {  	s9 =	sadd.s32 $0xFFFFFEF7, lr;
	s5 =	simm.s32 $0xFFFFFFFF;
	p2 =	slt.u32 s8, $0xFFFFF086  }
0x1c: {  	p1 =	slt.u32 s9, $0xF7A;
	s5 =	simm.s32 @!p2 $0x0  }
0x1d: {  	s5 =	simm.s32 @p1 $0x1;
	p0 =	seq.s32 s7, s2  }
0x1e: {  	s7 =	smul.u32 @!p0 $0xF7A, s2;
	p2 =	seq.s32 @!p0 s5, $0x0  }
0x1f: {  	s9 =	smul.u32 $0xF7A, s1;
	s8 =	simm.s32 @!p0 $0x1BF5;
	p2 =	por !p2, p0  }
0x20: {  	[sflag:s8] =	ssyncset.s32 @!p0 $0xFFFFF086;
	s6 =	sadd.s32 @!p0 s3, s7;
	s7 =	simm.s32 @!p0 $0x108  }
0x21: {  	s3 =	sadd.s32 s3, s9;
	s6 =	sadd.s32 @!p0 $0x88, s6;
	s7 =	simm.s32 @p2 $0x1082  }
0x22: {  	[simem:s7], [sflag:s8] =	dma.local @!p0 [hbm:s6], $0xF7A  }
0x23: {  	s9 =	sor.u32 $0xD0000000, s2;
	s6 =	simm.s32 $0x108;
	_ =	swait.ge @!p0 [sflag:s8], $0x0  }
0x24: {  	s3 =	sadd.s32 $0x88, s3;
	s6 =	simm.s32 @!p1 $0x1082;
	[sflag:s4] =	ssyncset.s32 $0xFFFFF086  }
0x25: {  	[simem:s6], [sflag:s4] =	dma.local [hbm:s3], $0xF7A  }
0x26: {  	[smem:$0x3F88] =	sst s1;
	(tag) =	ssettag s2;
	_ =	strace s9  }
0x27: {  	s1 =	sld [smem:$0x3F98]  }
0x28: {  	s2 =	sld [smem:$0x3F99]  }
0x29: {  	s4 =	sld [smem:$0x3F9B]  }
0x2a: {  	p0 =	seq.s32 s5, $0x0;
	s5 =	sld [smem:$0x3F9C]  }
0x2b: {  	s6 =	sld [smem:$0x3F9D]  }
0x2c: {  	s7 =	sld [smem:$0x3F9E]  }
0x2d: {  	s3 =	simm.s32 $0x108;
	s8 =	sld [smem:$0x3F9F]  }
0x2e: {  	s3 =	simm.s32 @!p0 $0x1082;
	s9 =	sld [smem:$0x3FA0]  }
0x2f: {  	lr =	sadd.s32 s0, s3;
	s0 =	sld [smem:$0x3F97]  }
0x30: {  	s3 =	sld [smem:$0x3F9A]  }
0x31: {  	[smem:$0x3FA3] =	sst s10  }
0x32: {  	s10 =	sld [smem:$0x3FA1];
	_ =	sdelay $0x3  }
0x33: {  	p0 =	seq.s32 s10, $0x1;
	s10 =	sld [smem:$0x3FA3];
	_ =	sdelay $0x3  }
0x34: {  	[smem:$0x3FA3] =	sst s10  }
0x35: {  	s10 =	sld [smem:$0x3FA2];
	_ =	sdelay $0x3  }
0x36: {  	p1 =	seq.s32 s10, $0x1;
	s10 =	sld [smem:$0x3FA3];
	_ =	sdelay $0x3  }
0x37: {  	[smem:$0x3FA3] =	sst s10  }
0x38: {  	s10 =	sld [smem:$0x3FA4]  }
0x39: {  	_ = 	snop;
	(pc) =	sbr.ind lr, $3  }
0x3a: {  	_ = 	snop  }
0x3b: {  	_ = 	snop  }
0x3c: {  	p2 =	seq.s32 s10, $0x1;
	s10 =	sld [smem:$0x3FA3]  }
0x3d: {  	_ =	shalt  }
0x3e: {  	_ =	shalt  }
0x3f: {  	_ =	shalt  }
0x40: {  	_ =	shalt  }
0x41: {  	_ =	shalt  }
0x42: {  	_ =	shalt  }
0x43: {  	_ =	shalt  }
0x44: {  	_ =	shalt  }
0x45: {  	_ =	shalt  }
0x46: {  	_ =	shalt  }
0x47: {  	_ =	shalt  }
0x48: {  	_ =	shalt  }
0x49: {  	_ =	shalt  }
0x4a: {  	_ =	shalt  }
0x4b: {  	_ =	shalt  }
0x4c: {  	_ =	shalt  }
0x4d: {  	_ =	shalt  }
0x4e: {  	_ =	shalt  }
0x4f: {  	_ =	shalt  }
0x50: {  	_ =	shalt  }
0x51: {  	_ =	shalt  }
0x52: {  	_ =	shalt  }
0x53: {  	_ =	shalt  }
0x54: {  	_ =	shalt  }
0x55: {  	_ =	shalt  }
0x56: {  	_ =	shalt  }
0x57: {  	_ =	shalt  }
0x58: {  	_ =	shalt  }
0x59: {  	_ =	shalt  }
0x5a: {  	_ =	shalt  }
0x5b: {  	_ =	shalt  }
0x5c: {  	_ =	shalt  }
0x5d: {  	_ =	shalt  }
0x5e: {  	_ =	shalt  }
0x5f: {  	_ =	shalt  }
0x60: {  	_ =	shalt  }
0x61: {  	_ =	shalt  }
0x62: {  	_ =	shalt  }
0x63: {  	_ =	shalt  }
0x64: {  	_ =	shalt  }
0x65: {  	_ =	shalt  }
0x66: {  	_ =	shalt  }
0x67: {  	_ =	shalt  }
0x68: {  	_ =	shalt  }
0x69: {  	_ =	shalt  }
0x6a: {  	_ =	shalt  }
0x6b: {  	_ =	shalt  }
0x6c: {  	_ =	shalt  }
0x6d: {  	_ =	shalt  }
0x6e: {  	_ =	shalt  }
0x6f: {  	_ =	shalt  }
0x70: {  	_ =	shalt  }
0x71: {  	_ =	shalt  }
0x72: {  	_ =	shalt  }
0x73: {  	_ =	shalt  }
0x74: {  	_ =	shalt  }
0x75: {  	_ =	shalt  }
0x76: {  	_ =	shalt  }
0x77: {  	_ =	shalt  }
0x78: {  	_ =	shalt  }
0x79: {  	_ =	shalt  }
0x7a: {  	_ =	shalt  }
0x7b: {  	_ =	shalt  }
0x7c: {  	_ =	shalt  }
0x7d: {  	_ =	shalt  }
0x7e: {  	_ =	shalt  }
0x7f: {  	_ =	shalt  }
0x80: {  	_ =	shalt  }
0x81: {  	_ =	shalt  }
0x82: {  	_ =	shalt  }
0x83: {  	_ =	shalt  }
0x84: {  	_ =	shalt  }
0x85: {  	_ =	shalt  }
0x86: {  	_ =	shalt  }
0x87: {  	_ =	shalt  }
.Lfunc_end0:
.L_simem_size_0:
called_computation.4_lowered:
.L_overlay_start_0:
0x88: {  	s2 =	sld [smem:$0x3FD9]  }
0x89: {  	s3 =	sld [smem:$0x3FFE];
	_ =	sdelay $0x1  }
0x8a: {  	s1 =	srdreg.scid  }
0x8b: {  	s0 =	sand.u32 $0x1, s1  }
0x8c: {  	s16 =	sshll.u32 s0, $0xA;
	s2 =	sadd.s32 s3, s2  }
0x8d: {  	s2 =	sadd.s32 s2, s16  }
0x8e: {  	[smem:$0x3FAF] =	sst s2  }
0x8f: {  	_ = 	snop  }
0x90: {  	(tm) =	ssettm $0x1  }
0x91: {  	s17 =	sld [smem:$0x3FFB];
	_ =	sdelay $0x3  }
0x92: {  	_ =	strace s17  }
0x93: {  	s2 =	sld [smem:$0x3FFC];
	_ =	sdelay $0x3  }
0x94: {  	_ =	strace s2  }
0x95: {  	s2 =	sld [smem:$0x3FFD];
	_ =	sdelay $0x3  }
0x96: {  	_ =	strace s2  }
0x97: {  	_ =	strace $0x8FFFFFFF  }
0x98: {  	s18 =	sld [smem:$0x3FDB];
	_ =	sdelay $0x1  }
0x99: {  	s19 =	simm.s32 $_scs_section_size  }
0x9a: {  	s4 =	simm.s32 $_size__tile_overlayer_lowered;
	s5 =	simm.s32 $_tile_overlayer_lowered  }
0x9b: {  	s22 =	simm.s32 $0x1BFF;
	s21 =	sshll.u32 s5, $0x1;
	s2 =	sadd.s32 s19, s18  }
0x9c: {  	s6 =	simm.s32 $0x0;
	s20 =	sshll.u32 s4, $0x1;
	s4 =	sadd.s32 s21, s2  }
0x9d: {  	[timem:s6], [sflag:s22] =	dma.local [hbm:s4], s20  }
0x9e: {  	_ =	swait.ge [sflag:s22], s20  }
0x9f: {  	s3 =	ssub.s32 $0x0, s20;
	[sflag:s22] =	ssyncset.done $0x0  }
0xa0: {  	[sflag:s22] =	ssyncadd.s32 s3;
	_ =	sdelay $0x1  }
0xa1: {  	s23 =	simm.s32 $0x1B8B  }
0xa2: {  	_ =	swait.ge [sflag:s23], $0x1  }
0xa3: {  	[sflag:s23] =	ssyncset.done $0x0  }
0xa4: {  	s25 =	simm.s32 $0x1B8E;
	s24 =	sld [smem:$0x3FFE];
	[sflag:s23] =	ssyncadd.s32 $0xFFFFFFFF  }
0xa5: {  	s26 =	simm.s32 $execute0_lowered;
	[smem:$0x3FD2] =	sst s25  }
0xa6: {  	s4 =	sshll.u32 s26, $0x1;
	_ =	strace $0x80000052;
	[dreg:$0x1] =	wrdreg $0xFFFFFFFF  }
0xa7: {  	s28 =	simm.s32 $_size_execute0_lowered;
	s2 =	sadd.s32 s2, s4;
	[dreg:$0x0] =	wrdreg $0x0  }
0xa8: {  	s4 =	sshll.u32 s28, $0x1;
	[dreg:$0x2] =	wrdreg s2  }
0xa9: {  	[dreg:$0x3] =	wrdreg s4  }
0xaa: {  	[dreg:$0x4] =	wrdreg $0xC0  }
0xab: {  	_ =	task [dreg:s6], $0x5FFFF  }
0xac: {  	[dreg:$0x1] =	wrdreg $0xFFFFFFFF  }
0xad: {  	[dreg:$0x0] =	wrdreg $0x60  }
0xae: {  	[dreg:$0x2] =	wrdreg s24  }
0xaf: {  	[dreg:$0x3] =	wrdreg $0x0  }
0xb0: {  	[dreg:$0x4] =	wrdreg $0x9  }
0xb1: {  	_ =	task.clear_ibuf [dreg:s6], $0x5FFFF;
	_ =	strace $0x90000052  }
0xb2: {  	s29 =	simm.s32 $0x9;
	_ =	strace $0x80000054  }
0xb3: {  	_ =	swait.ge [sflag:s29], $0x1  }
0xb4: {  	[sflag:s29] =	ssyncadd.s32 $0xFFFFFFFF  }
0xb5: {  	_ =	strace $0x90000054  }
0xb6: {  	_ =	sfence  }
0xb7: {  	s30 =	sld [smem:$0x0];
	_ =	sdelay $0x2  }
0xb8: {  	s31 =	sshll.u32 s1, $0xD;
	s1 =	sshrl.u32 s1, $0x2  }
0xb9: {  	s3 =	sand.u32 $0x4000, s31;
	s1 =	sadd.s32 s1, s30  }
0xba: {  	s0 =	sor.u32 s3, s0;
	s1 =	sshll.u32 s1, $0x11  }
0xbb: {  	s0 =	sor.u32 s1, s0  }
0xbc: {  	s0 =	sadd.s32 $0x8F2B, s0  }
0xbd: {  	[sflag:s0] =	ssyncadd.remote.s32 $0x1  }
0xbe: {  	_ =	sfence.sel $0xFFFF  }
0xbf: {  	[dreg:$0x0] =	wrdreg $0xFFFFFFFF;
	(pc) =	sbr.abs _section_cstart, $3  }
0xc0: {  	[dreg:$0x1] =	wrdreg $0xFFFFFFFF  }
0xc1: {  	_ =	task.clear_ibuf [dreg:s6], $0x2FFFF;
	_ =	strace $0x9FFFFFFF  }
0xc2: {  	(tm) =	ssettm $0x7FFFFFFF  }
0xc3: {  	_ =	shalt  }
tec
execute0_lowered:
.L_overlay_start_1:
0x0: {  	(tag) =	ssettag $0x1  }
0x1: {  	s5 =	rddreg [dreg:$0x0]  }
0x2: {  	s2 =	rddreg [dreg:$0x1]  }
0x3: {  	s3 =	simm.s32 $0x0;
	s0 =	stileid.u32;
	s4 =	srdreg.scid  }
0x4: {  	s19 =	simm.s32 $0x80;
	s20 =	simm.s32 $0x18900;
	s21 =	simm.s32 $0x18880  }
0x5: {  	s22 =	simm.s32 $0x1A900;
	s23 =	simm.s32 $0x1C900;
	s24 =	simm.s32 $0x1  }
0x6: {  	s25 =	simm.s32 $0x2;
	s26 =	simm.s32 $0x0;
	s6 =	smul.u32 $0x18800, s0  }
0x7: {  	[smem:$0x7FF] =	sst s3;
	s7 =	sand.u32 $0x1, s4;
	s12 =	smul.u32 $0xC400, s0  }
0x8: {  	s4 =	sadd.s32 $0x4400, s5;
	s14 =	sadd.s32 $0x7D9A00, s5;
	s17 =	smul.u32 $0x1880, s0  }
0x9: {  	s15 =	sadd.s32 $0x18B400, s5;
	s28 =	sshll.u32 s0, $0x6;
	s8 =	smul.u32 $0x188000, s7  }
0xa: {  	_ =	strace $0x80000053;
	s10 =	ssub.s32 $0x2, s7;
	s7 =	smul.u32 $0xC4000, s7  }
0xb: {  	s9 =	sshrl.u32 s6, $0x3;
	s11 =	sshrl.u32 s10, $0x1;
	s16 =	sadd.s32 s6, s2  }
0xc: {  	s29 =	sshrl.u32 s12, $0x3;
	s9 =	sadd.s32 s9, s5;
	s8 =	sadd.s32 s6, s8  }
0xd: {  	s10 =	ssub.s32 s10, s11;
	s6 =	sor.u32 $0x1C03, s28;
	s13 =	sadd.s32 s12, s7  }
0xe: {  	s7 =	sadd.s32 s14, s29;
	s14 =	sadd.s32 s17, s14;
	s16 =	sshrl.u32 s16, $0x3  }
0xf: {  	s17 =	simm.s32 $0x3;
	s8 =	sshrl.u32 s8, $0x3;
	s30 =	sshrl.u32 s13, $0x3  }
0x10: {  	s11 =	sadd.s32 $0x1870, s7;
	s18 =	sor.u32 $0x80, s13;
	s8 =	sadd.s32 s8, s5  }
0x11: {  	s5 =	sadd.s32 $0x129600, s9;
	s9 =	smax.u32 s10, $0x1;
	s10 =	sadd.s32 s30, s15  }
0x12: {  	s31 =	sshrl.u32 s18, $0x3;
	s18 =	simm.s32 $0x18800;
	s8 =	sadd.s32 $0x66000, s8  }
0x13: {  	s12 =	sadd.s32 $0x1860, s10;
	s13 =	sadd.s32 $0x1870, s10;
	s15 =	sadd.s32 s31, s15  }
.LBB2_1:
0x14: {  	[spmem:s16], [sflag:s6] =	dma.local [hbm:s5], $0x3100  }
0x15: {  	_ =	swait.ge [sflag:s17], $0x3100  }
0x16: {  	[sflag:s17] =	ssyncset.done $0x0  }
0x17: {  	[sflag:s17] =	ssyncadd.s32 $0xFFFFCF00  }
0x18: {  	[bflag:$0x0] =	sbarrier.arrive $0xFFFF  }
0x19: {  	[tilespmem:s18], [sflag:$0x3] =	stream.linear.gather [hbm4b:s7+s3], $0x80, $0x38;
	[tilespmem:$0x1C980] =	vst v63  }
0x1a: {  	_ =	swait.ge [sflag:s17], $0x80  }
0x1b: {  	[sflag:s17] =	ssyncset.done $0x0  }
0x1c: {  	s28 =	sadd.s32 $0x0, s14;
	[sflag:s17] =	ssyncadd.s32 $0xFFFFFF80  }
0x1d: {  	[tilespmem:s20], [sflag:$0x1] =	stream.indirect.gather [hbm4b:s4+s19], $0x40, s18, s19, $0xb8;
	[tilespmem:$0x1C980] =	vst v63  }
0x1e: {  	s29 =	sadd.s32 $0x10, s28  }
0x1f: {  	[tilespmem:s21], [sflag:$0x3] =	stream.linear.gather [hbm4b:s29+s3], $0x80, $0x38;
	[tilespmem:$0x1C980] =	vst v63  }
0x20: {  	_ =	swait.ge [sflag:s17], $0x80  }
0x21: {  	[sflag:s17] =	ssyncset.done $0x0  }
0x22: {  	[sflag:s17] =	ssyncadd.s32 $0xFFFFFF80  }
0x23: {  	[tilespmem:s22], [sflag:$0x2] =	stream.indirect.gather [hbm4b:s4+s19], $0x40, s21, s19, $0xb8;
	[tilespmem:$0x1C980] =	vst v63  }
0x24: {  	s1 =	sadd.s32 $0x0, s10  }
0x25: {  	[tilespmem:s23], [sflag:$0x3] =	stream.linear.gather [hbm4b:s1+s3], $0x80, $0x38;
	[tilespmem:$0x1C980] =	vst v63  }
0x26: {  	_ =	swait.ge [sflag:s17], $0x80  }
0x27: {  	[sflag:s17] =	ssyncset.done $0x0  }
0x28: {  	[sflag:s17] =	ssyncadd.s32 $0xFFFFFF80  }
0x29: {  	_ =	swait.ge [sflag:s24], $0x2000  }
0x2a: {  	[sflag:s24] =	ssyncset.done $0x0  }
0x2b: {  	[sflag:s24] =	ssyncadd.s32 $0xFFFFE000  }
0x2c: {  	[spmem:s2] =	stream.indirect.scatter.add.f32 [tilespmem:s20], [sflag:$0x3], $0x40, s23, s19, $0xb8;
	[tilespmem:$0x1C980] =	vst v63  }
0x2d: {  	_ =	swait.ge [sflag:s17], $0x2000  }
0x2e: {  	[sflag:s17] =	ssyncset.done $0x0  }
0x2f: {  	s28 =	sadd.s32 $0x20, s28;
	[sflag:s17] =	ssyncadd.s32 $0xFFFFE000  }
0x30: {  	[tilespmem:s18], [sflag:$0x3] =	stream.linear.gather [hbm4b:s28+s3], $0x80, $0x38;
	[tilespmem:$0x1C980] =	vst v63  }
0x31: {  	_ =	swait.ge [sflag:s17], $0x80  }
0x32: {  	[sflag:s17] =	ssyncset.done $0x0  }
0x33: {  	[sflag:s17] =	ssyncadd.s32 $0xFFFFFF80  }
0x34: {  	[tilespmem:s20], [sflag:$0x1] =	stream.indirect.gather [hbm4b:s4+s19], $0x40, s18, s19, $0xb8;
	[tilespmem:$0x1C980] =	vst v63  }
0x35: {  	s28 =	sadd.s32 $0x0, s15  }
0x36: {  	[tilespmem:s23], [sflag:$0x3] =	stream.linear.gather [hbm4b:s28+s3], $0x80, $0x38;
	[tilespmem:$0x1C980] =	vst v63  }
0x37: {  	_ =	swait.ge [sflag:s17], $0x80  }
0x38: {  	[sflag:s17] =	ssyncset.done $0x0  }
0x39: {  	[sflag:s17] =	ssyncadd.s32 $0xFFFFFF80  }
0x3a: {  	_ =	swait.ge [sflag:s25], $0x2000  }
0x3b: {  	[sflag:s25] =	ssyncset.done $0x0  }
0x3c: {  	[sflag:s25] =	ssyncadd.s32 $0xFFFFE000  }
0x3d: {  	[spmem:s2] =	stream.indirect.scatter.add.f32 [tilespmem:s22], [sflag:$0x3], $0x40, s23, s19, $0xb8;
	[tilespmem:$0x1C980] =	vst v63  }
0x3e: {  	s31 =	simm.s32 $0x40;
	_ =	swait.ge [sflag:s17], $0x2000  }
0x3f: {  	s30 =	sadd.s32 $0x20, s14;
	s28 =	simm.s32 $0x20;
	[sflag:s17] =	ssyncset.done $0x0  }
.LBB2_2:
0x40: {  	s0 =	sadd.s32 $0x10, s30  }
0x41: {  	[sflag:s17] =	ssyncadd.s32 $0xFFFFE000;
	s1 =	smov.u32 s31;
	s29 =	sadd.s32 $0x20, s31  }
0x42: {  	[tilespmem:s21], [sflag:$0x3] =	stream.linear.gather [hbm4b:s0+s3], $0x80, $0x38;
	[tilespmem:$0x1C980] =	vst v63  }
0x43: {  	p0 =	sne.s32 s31, $0x1840;
	_ =	swait.ge [sflag:s17], $0x80  }
0x44: {  	[sflag:s17] =	ssyncset.done $0x0  }
0x45: {  	[sflag:s17] =	ssyncadd.s32 $0xFFFFFF80  }
0x46: {  	[tilespmem:s22], [sflag:$0x2] =	stream.indirect.gather [hbm4b:s4+s19], $0x40, s21, s19, $0xb8;
	[tilespmem:$0x1C980] =	vst v63  }
0x47: {  	s0 =	sadd.s32 s28, s10  }
0x48: {  	[tilespmem:s23], [sflag:$0x3] =	stream.linear.gather [hbm4b:s0+s3], $0x80, $0x38;
	[tilespmem:$0x1C980] =	vst v63  }
0x49: {  	_ =	swait.ge [sflag:s17], $0x80  }
0x4a: {  	[sflag:s17] =	ssyncset.done $0x0  }
0x4b: {  	[sflag:s17] =	ssyncadd.s32 $0xFFFFFF80  }
0x4c: {  	_ =	swait.ge [sflag:s24], $0x2000  }
0x4d: {  	[sflag:s24] =	ssyncset.done $0x0  }
0x4e: {  	[sflag:s24] =	ssyncadd.s32 $0xFFFFE000  }
0x4f: {  	[spmem:s2] =	stream.indirect.scatter.add.f32 [tilespmem:s20], [sflag:$0x3], $0x40, s23, s19, $0xb8;
	[tilespmem:$0x1C980] =	vst v63  }
0x50: {  	_ =	swait.ge [sflag:s17], $0x2000  }
0x51: {  	[sflag:s17] =	ssyncset.done $0x0  }
0x52: {  	s0 =	sadd.s32 $0x20, s30;
	[sflag:s17] =	ssyncadd.s32 $0xFFFFE000  }
0x53: {  	[tilespmem:s18], [sflag:$0x3] =	stream.linear.gather [hbm4b:s0+s3], $0x80, $0x38;
	[tilespmem:$0x1C980] =	vst v63  }
0x54: {  	_ =	swait.ge [sflag:s17], $0x80  }
0x55: {  	[sflag:s17] =	ssyncset.done $0x0  }
0x56: {  	[sflag:s17] =	ssyncadd.s32 $0xFFFFFF80  }
0x57: {  	[tilespmem:s20], [sflag:$0x1] =	stream.indirect.gather [hbm4b:s4+s19], $0x40, s18, s19, $0xb8;
	[tilespmem:$0x1C980] =	vst v63  }
0x58: {  	s0 =	sadd.s32 s28, s15;
	s28 =	smov.u32 s1  }
0x59: {  	[tilespmem:s23], [sflag:$0x3] =	stream.linear.gather [hbm4b:s0+s3], $0x80, $0x38;
	[tilespmem:$0x1C980] =	vst v63  }
0x5a: {  	_ =	swait.ge [sflag:s17], $0x80  }
0x5b: {  	[sflag:s17] =	ssyncset.done $0x0  }
0x5c: {  	[sflag:s17] =	ssyncadd.s32 $0xFFFFFF80  }
0x5d: {  	_ =	swait.ge [sflag:s25], $0x2000  }
.Ltmp0:
0x5e: {  	[sflag:s25] =	ssyncset.done $0x0;
	(pc) =	sbr.rel @p0 .LBB2_2-.Ltmp0, $4  }
0x5f: {  	[sflag:s25] =	ssyncadd.s32 $0xFFFFE000  }
0x60: {  	[spmem:s2] =	stream.indirect.scatter.add.f32 [tilespmem:s22], [sflag:$0x3], $0x40, s23, s19, $0xb8;
	[tilespmem:$0x1C980] =	vst v63  }
0x61: {  	_ =	swait.ge [sflag:s17], $0x2000  }
0x62: {  	s31 =	smov.u32 s29;
	s30 =	sadd.s32 s28, s14;
	[sflag:s17] =	ssyncset.done $0x0  }
0x63: {  	s0 =	sadd.s32 $0x10, s30;
	[sflag:s17] =	ssyncadd.s32 $0xFFFFE000  }
0x64: {  	[tilespmem:s21], [sflag:$0x3] =	stream.linear.gather [hbm4b:s0+s3], $0x80, $0x38;
	[tilespmem:$0x1C980] =	vst v63  }
0x65: {  	_ =	swait.ge [sflag:s17], $0x80  }
0x66: {  	[sflag:s17] =	ssyncset.done $0x0  }
0x67: {  	[sflag:s17] =	ssyncadd.s32 $0xFFFFFF80  }
0x68: {  	[tilespmem:s22], [sflag:$0x2] =	stream.indirect.gather [hbm4b:s4+s19], $0x40, s21, s19, $0xb8;
	[tilespmem:$0x1C980] =	vst v63  }
0x69: {  	s29 =	sadd.s32 s28, s10  }
0x6a: {  	[tilespmem:s23], [sflag:$0x3] =	stream.linear.gather [hbm4b:s29+s3], $0x80, $0x38;
	[tilespmem:$0x1C980] =	vst v63  }
0x6b: {  	_ =	swait.ge [sflag:s17], $0x80  }
0x6c: {  	[sflag:s17] =	ssyncset.done $0x0  }
0x6d: {  	[sflag:s17] =	ssyncadd.s32 $0xFFFFFF80  }
0x6e: {  	_ =	swait.ge [sflag:s24], $0x2000  }
0x6f: {  	[sflag:s24] =	ssyncset.done $0x0  }
0x70: {  	[sflag:s24] =	ssyncadd.s32 $0xFFFFE000  }
0x71: {  	[spmem:s2] =	stream.indirect.scatter.add.f32 [tilespmem:s20], [sflag:$0x3], $0x40, s23, s19, $0xb8;
	[tilespmem:$0x1C980] =	vst v63  }
0x72: {  	_ =	swait.ge [sflag:s17], $0x2000  }
0x73: {  	[sflag:s17] =	ssyncset.done $0x0  }
0x74: {  	s30 =	sadd.s32 $0x20, s30;
	[sflag:s17] =	ssyncadd.s32 $0xFFFFE000  }
0x75: {  	[tilespmem:s18], [sflag:$0x3] =	stream.linear.gather [hbm4b:s30+s3], $0x80, $0x38;
	[tilespmem:$0x1C980] =	vst v63  }
0x76: {  	_ =	swait.ge [sflag:s17], $0x80  }
0x77: {  	[sflag:s17] =	ssyncset.done $0x0  }
0x78: {  	[sflag:s17] =	ssyncadd.s32 $0xFFFFFF80  }
0x79: {  	[tilespmem:s20], [sflag:$0x1] =	stream.indirect.gather [hbm4b:s4+s19], $0x40, s18, s19, $0xb8;
	[tilespmem:$0x1C980] =	vst v63  }
0x7a: {  	s31 =	sadd.s32 s28, s15  }
0x7b: {  	[tilespmem:s23], [sflag:$0x3] =	stream.linear.gather [hbm4b:s31+s3], $0x80, $0x38;
	[tilespmem:$0x1C980] =	vst v63  }
0x7c: {  	_ =	swait.ge [sflag:s17], $0x80  }
0x7d: {  	[sflag:s17] =	ssyncset.done $0x0  }
0x7e: {  	[sflag:s17] =	ssyncadd.s32 $0xFFFFFF80  }
0x7f: {  	_ =	swait.ge [sflag:s25], $0x2000  }
0x80: {  	[sflag:s25] =	ssyncset.done $0x0  }
0x81: {  	[sflag:s25] =	ssyncadd.s32 $0xFFFFE000  }
0x82: {  	[spmem:s2] =	stream.indirect.scatter.add.f32 [tilespmem:s22], [sflag:$0x3], $0x40, s23, s19, $0xb8;
	[tilespmem:$0x1C980] =	vst v63  }
0x83: {  	_ =	swait.ge [sflag:s17], $0x2000  }
0x84: {  	[sflag:s17] =	ssyncset.done $0x0  }
0x85: {  	[sflag:s17] =	ssyncadd.s32 $0xFFFFE000  }
0x86: {  	[tilespmem:s21], [sflag:$0x3] =	stream.linear.gather [hbm4b:s11+s3], $0x80, $0x38;
	[tilespmem:$0x1C980] =	vst v63  }
0x87: {  	_ =	swait.ge [sflag:s17], $0x80  }
0x88: {  	[sflag:s17] =	ssyncset.done $0x0  }
0x89: {  	[sflag:s17] =	ssyncadd.s32 $0xFFFFFF80  }
0x8a: {  	[tilespmem:s22], [sflag:$0x2] =	stream.indirect.gather [hbm4b:s4+s19], $0x40, s21, s19, $0xb8;
	[tilespmem:$0x1C980] =	vst v63  }
0x8b: {  	_ = 	snop  }
0x8c: {  	[tilespmem:s23], [sflag:$0x3] =	stream.linear.gather [hbm4b:s12+s3], $0x80, $0x38;
	[tilespmem:$0x1C980] =	vst v63  }
0x8d: {  	_ =	swait.ge [sflag:s17], $0x80  }
0x8e: {  	[sflag:s17] =	ssyncset.done $0x0  }
0x8f: {  	[sflag:s17] =	ssyncadd.s32 $0xFFFFFF80  }
0x90: {  	_ =	swait.ge [sflag:s24], $0x2000  }
0x91: {  	[sflag:s24] =	ssyncset.done $0x0  }
0x92: {  	[sflag:s24] =	ssyncadd.s32 $0xFFFFE000  }
0x93: {  	[spmem:s2] =	stream.indirect.scatter.add.f32 [tilespmem:s20], [sflag:$0x3], $0x40, s23, s19, $0xb8;
	[tilespmem:$0x1C980] =	vst v63  }
0x94: {  	_ =	swait.ge [sflag:s17], $0x2000  }
0x95: {  	[sflag:s17] =	ssyncset.done $0x0  }
0x96: {  	[sflag:s17] =	ssyncadd.s32 $0xFFFFE000  }
0x97: {  	[tilespmem:s23], [sflag:$0x3] =	stream.linear.gather [hbm4b:s13+s3], $0x80, $0x38;
	[tilespmem:$0x1C980] =	vst v63  }
0x98: {  	_ =	swait.ge [sflag:s17], $0x80  }
0x99: {  	[sflag:s17] =	ssyncset.done $0x0  }
0x9a: {  	[sflag:s17] =	ssyncadd.s32 $0xFFFFFF80  }
0x9b: {  	_ =	swait.ge [sflag:s25], $0x2000  }
0x9c: {  	[sflag:s25] =	ssyncset.done $0x0  }
0x9d: {  	[sflag:s25] =	ssyncadd.s32 $0xFFFFE000  }
0x9e: {  	[spmem:s2] =	stream.indirect.scatter.add.f32 [tilespmem:s22], [sflag:$0x3], $0x40, s23, s19, $0xb8;
	[tilespmem:$0x1C980] =	vst v63  }
0x9f: {  	_ =	swait.ge [sflag:s17], $0x2000  }
0xa0: {  	s26 =	sadd.s32 $0x1, s26;
	[sflag:s17] =	ssyncset.done $0x0  }
0xa1: {  	p0 =	sne.s32 s26, s9;
	[sflag:s17] =	ssyncadd.s32 $0xFFFFE000  }
.Ltmp1:
0xa2: {  	[bflag:$0x0] =	sbarrier.arrive $0xFFFF;
	(pc) =	sbr.rel @p0 .LBB2_1-.Ltmp1, $4  }
0xa3: {  	[hbm:s8], [sflag:s6] =	dma.local [spmem:s16], $0x3100  }
0xa4: {  	_ =	swait.ge [sflag:s17], $0x3100  }
0xa5: {  	[sflag:s17] =	ssyncset.done $0x0  }
0xa6: {  	[sflag:s17] =	ssyncadd.s32 $0xFFFFCF00  }
0xa7: {  	_ =	sfence.sel $0x180000  }
0xa8: {  	[bflag:$0x0] =	sbarrier.arrive $0xFFFF  }
0xa9: {  	_ =	strace $0x90000053  }
0xaa: {  	s0 =	stileid.u32;
	[bflag:$0x2] =	sbarrier.arrive $0xFFFF  }
0xab: {  	p0 =	sne.s32 s0, $0x0;
	s0 =	rddreg [dreg:$0x2]  }
0xac: {  	s0 =	sadd.s32 @!p0 $0x100000, s0  }
0xad: {  	[sflag:s0] =	ssyncadd.tile.s32 @!p0 $0x1;
	_ =	shalt  }
.Lfunc_end2:
_tile_overlayer_lowered:
.L_overlay_start_2:
0xae: {  	(tag) =	ssettag $0x2  }
0xaf: {  	s0 =	rddreg [dreg:$0x0];
	s2 =	stileid.u32  }
0xb0: {  	s1 =	rddreg [dreg:$0x1];
	p0 =	sne.s32 s2, $0x0  }
0xb1: {  	s3 =	rddreg [dreg:$0x2];
	[bflag:$0x3] =	sbarrier.arrive $0xFFFF;
	s2 =	simm.s32 @!p0 $0x1C03  }
0xb2: {  	[timem:s3], [sflag:s2] =	dma.local @!p0 [hbm:s0], s1  }
0xb3: {  	s0 =	simm.s32 @!p0 $0x3  }
0xb4: {  	_ =	swait.ge @!p0 [sflag:s0], s1  }
0xb5: {  	s1 =	ssub.s32 @!p0 $0x0, s1;
	[sflag:s0] =	ssyncset.done @!p0 $0x0  }
0xb6: {  	[sflag:s0] =	ssyncadd.s32 @!p0 s1  }
0xb7: {  	[bflag:$0x3] =	sbarrier.arrive $0xFFFF  }
0xb8: {  	_ =	shalt  }

// kernel: sparse-core-data-format-call.cloned.1.call-start
scs
called_computation_lowered:
.L_overlay_start_0:
0x0: {  	s2 =	sld [smem:$0x3FD9]  }
0x1: {  	s3 =	sld [smem:$0x3FFE];
	_ =	sdelay $0x1  }
0x2: {  	s1 =	srdreg.scid  }
0x3: {  	s0 =	sand.u32 $0x1, s1  }
0x4: {  	s18 =	sshll.u32 s0, $0xA;
	s2 =	sadd.s32 s3, s2  }
0x5: {  	s2 =	sadd.s32 s2, s18  }
0x6: {  	[smem:$0x3FAF] =	sst s2  }
0x7: {  	_ = 	snop  }
0x8: {  	s2 =	sld [smem:$0x3FC9];
	(tm) =	ssettm $0x1  }
0x9: {  	s19 =	sld [smem:$0x3FFB];
	_ =	sdelay $0x3  }
0xa: {  	_ =	strace s19  }
0xb: {  	s3 =	sld [smem:$0x3FFC];
	_ =	sdelay $0x3  }
0xc: {  	_ =	strace s3  }
0xd: {  	s3 =	sld [smem:$0x3FFD];
	_ =	sdelay $0x3  }
0xe: {  	_ =	strace s3  }
0xf: {  	_ =	strace $0x8FFFFFFF  }
0x10: {  	s20 =	sld [smem:$0x3FDB];
	_ =	sdelay $0x1  }
0x11: {  	s4 =	simm.s32 $_scs_section_size  }
0x12: {  	s5 =	simm.s32 $_size__tile_overlayer_lowered;
	s6 =	simm.s32 $_tile_overlayer_lowered  }
0x13: {  	s23 =	simm.s32 $0x1BFF;
	s22 =	sshll.u32 s6, $0x1;
	s3 =	sadd.s32 s4, s20  }
0x14: {  	s7 =	simm.s32 $0x0;
	s21 =	sshll.u32 s5, $0x1;
	s5 =	sadd.s32 s22, s3  }
0x15: {  	[timem:s7], [sflag:s23] =	dma.local [hbm:s5], s21  }
0x16: {  	_ =	swait.ge [sflag:s23], s21  }
0x17: {  	s4 =	ssub.s32 $0x0, s21;
	[sflag:s23] =	ssyncset.done $0x0  }
0x18: {  	[sflag:s23] =	ssyncadd.s32 s4;
	_ =	sdelay $0x1  }
0x19: {  	s24 =	simm.s32 $0x1B8B  }
0x1a: {  	_ =	swait.ge [sflag:s24], $0x1  }
0x1b: {  	[sflag:s24] =	ssyncset.done $0x0  }
0x1c: {  	s26 =	simm.s32 $0x1B8E;
	s25 =	sld [smem:$0x3FFE];
	[sflag:s24] =	ssyncadd.s32 $0xFFFFFFFF  }
0x1d: {  	s27 =	simm.s32 $execute0_lowered;
	[smem:$0x3FD2] =	sst s26  }
0x1e: {  	s5 =	sshll.u32 s27, $0x1;
	_ =	strace $0x80000046;
	[dreg:$0x1] =	wrdreg $0xFFFFFFFF  }
0x1f: {  	s28 =	simm.s32 $_size_execute0_lowered;
	s3 =	sadd.s32 s3, s5;
	[dreg:$0x0] =	wrdreg $0x0  }
0x20: {  	s5 =	sshll.u32 s28, $0x1;
	[dreg:$0x2] =	wrdreg s3  }
0x21: {  	[dreg:$0x3] =	wrdreg s5  }
0x22: {  	[dreg:$0x4] =	wrdreg $0xC0  }
0x23: {  	_ =	task [dreg:s7], $0x5FFFF  }
0x24: {  	[dreg:$0x1] =	wrdreg $0xFFFFFFFF  }
0x25: {  	[dreg:$0x0] =	wrdreg $0x60  }
0x26: {  	[dreg:$0x2] =	wrdreg s2  }
0x27: {  	[dreg:$0x3] =	wrdreg s25  }
0x28: {  	[dreg:$0x4] =	wrdreg $0x9  }
0x29: {  	_ =	task.clear_ibuf [dreg:s7], $0x5FFFF;
	_ =	strace $0x90000046  }
0x2a: {  	s29 =	simm.s32 $0x9;
	_ =	strace $0x80000048  }
0x2b: {  	_ =	swait.ge [sflag:s29], $0x1  }
0x2c: {  	[sflag:s29] =	ssyncadd.s32 $0xFFFFFFFF  }
0x2d: {  	_ =	strace $0x90000048  }
0x2e: {  	_ =	sfence  }
0x2f: {  	s30 =	sld [smem:$0x0];
	_ =	sdelay $0x2  }
0x30: {  	s31 =	sshll.u32 s1, $0xD;
	s1 =	sshrl.u32 s1, $0x2  }
0x31: {  	s3 =	sand.u32 $0x4000, s31;
	s1 =	sadd.s32 s1, s30  }
0x32: {  	s0 =	sor.u32 s3, s0;
	s1 =	sshll.u32 s1, $0x11  }
0x33: {  	s0 =	sor.u32 s1, s0  }
0x34: {  	s0 =	sadd.s32 $0x8F2B, s0  }
0x35: {  	[sflag:s0] =	ssyncadd.remote.s32 $0x1  }
0x36: {  	_ =	sfence.sel $0xFFFF  }
0x37: {  	[dreg:$0x0] =	wrdreg $0xFFFFFFFF;
	(pc) =	sbr.abs _section_cstart, $3  }
0x38: {  	[dreg:$0x1] =	wrdreg $0xFFFFFFFF  }
0x39: {  	_ =	task.clear_ibuf [dreg:s7], $0x2FFFF;
	_ =	strace $0x9FFFFFFF  }
0x3a: {  	(tm) =	ssettm $0x7FFFFFFF  }
0x3b: {  	_ =	shalt  }
tec
execute0_lowered:
.L_overlay_start_1:
0x0: {  	(tag) =	ssettag $0x1  }
0x1: {  	s2 =	rddreg [dreg:$0x0]  }
0x2: {  	s1 =	rddreg [dreg:$0x1]  }
0x3: {  	s0 =	rddreg [dreg:$0x2];
	_ =	strace $0x80000047  }
0x4: {  	s4 =	srdreg.scid;
	s6 =	simm.s32 $0x1;
	s7 =	simm.s32 $0x2  }
0x5: {  	s14 =	simm.s32 $0x0;
	p0 =	por $0x0, $0x0;
	s10 =	simm.s32 $0x61C00  }
.Ltmp0:
0x6: {  	s3 =	sadd.s32 $0x4400, s1;
	s1 =	stileid.u32;
	(pc) =	sbr.rel .LBB1_1-.Ltmp0, $4  }
0x7: {  	s13 =	simm.s32 $0x0;
	s5 =	sshll.u32 s4, $0x7;
	s4 =	sshll.u32 s1, $0x7  }
0x8: {  	s12 =	simm.s32 $0x0;
	[sflag:s6] =	ssyncpa.u1 $0x0;
	s8 =	ssub.s32 $0xC300, s4  }
0x9: {  	s5 =	sand.u32 $0x80, s5;
	[sflag:s7] =	ssyncpa.u1 $0x0;
	s7 =	sshrl.u32 s8, $0xB  }
0xa: {  	s11 =	smov.u32 s4;
	s8 =	sshll.u32 s5, $0x3;
	s9 =	sadd.s32 $0x2, s7  }
.LBB1_5:
0xb: {  	s15 =	sadd.s32 $0x800, s11  }
0xc: {  	p2 =	sgt.s32 s15, $0xC34F  }
0xd: {  	s15 =	smov.u32 @p2 s4;
	p2 =	sne.s32 s12, s9  }
.Ltmp1:
0xe: {  	p1 =	slt.u32 s12, $0x2;
	(pc) =	sbr.rel @!p2 .LBB1_6-.Ltmp1, $4  }
0xf: {  	s14 =	simm.s32 @!p1 $0x2  }
0x10: {  	s16 =	sadd.s32 $0x1, s12;
	s13 =	smov.u32 s11;
	_ =	swait.ge @!p1 [sflag:s14], $0x4000  }
0x11: {  	p0 =	por !p0, !p0;
	s12 =	smov.u32 s16;
	[sflag:s14] =	ssyncset.done @!p1 $0x0  }
0x12: {  	s11 =	smov.u32 s15;
	[sflag:s14] =	ssyncadd.s32 @!p1 $0xFFFFC000;
	s14 =	smov.u32 s5  }
.LBB1_1:
0x13: {  	p1 =	sgt.u32 s12, s7  }
0x14: {  	s15 =	sshll.u32 @!p1 s11, $0x8  }
0x15: {  	s16 =	sshll.u32 @!p1 s11, $0x7;
	s15 =	sand.u32 @!p1 $0xFFFFF800, s15  }
0x16: {  	s16 =	sand.u32 @!p1 $0x300, s16;
	s15 =	sor.u32 @!p1 s8, s15  }
0x17: {  	s15 =	sor.u32 @!p1 s16, s15  }
0x18: {  	s17 =	smov.u32 s11;
	p2 =	sgt.s32 @!p1 s11, $0xC2D0;
	s15 =	sshrl.u32 @!p1 s15, $0x8  }
0x19: {  	s18 =	sshra.s32 @!p1 s11, $0x1F;
	p2 =	por !p2, p1;
	s16 =	smulhi.u32 @!p1 $0x14F8B59, s15  }
0x1a: {  	s18 =	sand.u32 @!p1 s18, s11;
	s17 =	simm.s32 @p2 $0xC2D0  }
0x1b: {  	s19 =	sxor.u32 @!p1 $0xFFFFFFFF, s12;
	s17 =	ssub.s32 @!p1 s17, s18;
	s16 =	sshrl.u32 @!p1 s16, $0x8  }
0x1c: {  	s18 =	sshll.u32 @!p1 s19, $0xE;
	s17 =	sadd.s32 @!p1 $0xFFFF3D30, s17;
	s16 =	smul.u32 @!p1 $0xC350, s16  }
0x1d: {  	s19 =	simm.s32 @!p1 $0x800;
	s18 =	sand.u32 @!p1 $0x4000, s18;
	p2 =	sgt.s32 @!p1 s17, $0x7F  }
0x1e: {  	s15 =	ssub.s32 @!p1 s15, s16;
	s16 =	sshll.u32 @!p1 s17, $0x7;
	s17 =	sshll.u32 @!p1 s11, $0x4  }
0x1f: {  	p2 =	por !p2, p1;
	s16 =	ssub.s32 @!p1 $0x4000, s16;
	s17 =	sand.u32 @!p1 $0x10, s17  }
0x20: {  	s15 =	sshll.u32 @!p1 s15, $0x5;
	s16 =	sand.u32 @!p1 $0x3FFFFF80, s16;
	s17 =	sadd.s32 @!p1 s2, s17  }
0x21: {  	s16 =	simm.s32 @!p2 $0x0;
	s15 =	sadd.s32 @!p1 s15, s17;
	s17 =	simm.s32 @!p1 $0x400  }
0x22: {  	[tilespmem:s18], [sflag:$0x1] =	stream.strided.gather @!p1 [hbm4b:s15+s17], s16, s19, s17, $0x38;
	[tilespmem:$0x10100] =	vst v63  }
0x23: {  	p1 =	seq.s32 s12, $0x0  }
0x24: {  	p2 =	sge.u32 @!p1 s12, s9  }
0x25: {  	p1 =	por p1, p2  }
.Ltmp2:
0x26: {  	_ = 	snop;
	(pc) =	sbr.rel @p1 .LBB1_5-.Ltmp2, $1  }
0x27: {  	_ =	sdelay $0x3  }
0x28: {  	p1 =	sgt.s32 s13, $0xC2D0;
	s15 =	smov.u32 s13;
	s16 =	sshra.s32 s13, $0x1F  }
0x29: {  	s15 =	simm.s32 @!p1 $0xC2D0;
	s16 =	sand.u32 s16, s13  }
0x2a: {  	s15 =	ssub.s32 s15, s16  }
0x2b: {  	s15 =	sadd.s32 $0xFFFF3D30, s15  }
0x2c: {  	s29 =	sshll.u32 s15, $0x7  }
0x2d: {  	s16 =	ssub.s32 $0x4000, s29  }
0x2e: {  	p1 =	sgt.s32 s15, $0x7F;
	s15 =	sand.u32 $0x3FFFFF80, s16  }
0x2f: {  	s16 =	simm.s32 $0x1;
	s15 =	simm.s32 @p1 $0x0  }
0x30: {  	s16 =	simm.s32 @!p0 $0x0;
	_ =	swait.ge [sflag:s6], s15  }
0x31: {  	s17 =	sshll.u32 s16, $0xE;
	s15 =	ssub.s32 $0x0, s15;
	[sflag:s6] =	ssyncset.done $0x0  }
0x32: {  	s18 =	sor.u32 $0x40, s17;
	[sflag:s6] =	ssyncadd.s32 s15  }
0x33: {  	s30 =	smul.u32 $0x10200, s16;
	v0 =	vld [tilespmem:s18+$0x30]  }
0x34: {  	v1 =	vld [tilespmem:s18+$0xFFFFFFD0]  }
0x35: {  	s15 =	sshrl.u32 s30, $0x2;
	v5 =	vld [tilespmem:s18+$0xFFFFFFE0]  }
0x36: {  	s16 =	sor.u32 $0x8000, s15;
	v6 =	vld [tilespmem:s18+$0xFFFFFFF0]  }
0x37: {  	s31 =	sand.u32 $0x1, s12;
	v4 =	vld [tilespmem:s18+$0x0];
	s17 =	sadd.s32 $0x0, s16  }
0x38: {  	s15 =	smul.u32 $0x10200, s31;
	v3 =	vld [tilespmem:s18+$0x10];
	[tilespmem:s17+$0x3870 ss:$0x81] =	vst.msk $0xffff, v0  }
0x39: {  	v2 =	vld [tilespmem:s18+$0x20];
	[tilespmem:s17+$0x810 ss:$0x81] =	vst.msk $0xffff, v1  }
0x3a: {  	s15 =	sshrl.u32 s15, $0x2;
	v0 =	vld [tilespmem:s18+$0xFFFFFFC0];
	[tilespmem:s17+$0x1020 ss:$0x81] =	vst.msk $0xffff, v5;
	s18 =	sadd.s32 $0x80, s18  }
0x3b: {  	s19 =	simm.s32 $0x4;
	s20 =	simm.s32 $0x8;
	s15 =	sor.u32 $0x8000, s15;
	[tilespmem:s17+$0x1830 ss:$0x81] =	vst.msk $0xffff, v6;
	v1 =	vld [tilespmem:s18+$0x30]  }
.LBB1_3:
0x3c: {  	p1 =	sne.s32 s20, $0x1FC;
	v5 =	vld [tilespmem:s18+$0xFFFFFFD0];
	[tilespmem:s17+$0x2040 ss:$0x81] =	vst.msk $0xffff, v4  }
0x3d: {  	v6 =	vld [tilespmem:s18+$0xFFFFFFE0];
	[tilespmem:s17+$0x2850 ss:$0x81] =	vst.msk $0xffff, v3  }
0x3e: {  	s21 =	sshra.s32 s19, $0x2;
	s19 =	smov.u32 s20;
	v7 =	vld [tilespmem:s18+$0xFFFFFFF0];
	[tilespmem:s17+$0x3060 ss:$0x81] =	vst.msk $0xffff, v2  }
.Ltmp3:
0x3f: {  	v4 =	vld [tilespmem:s18+$0x0];
	[tilespmem:s17+$0x0 ss:$0x81] =	vst.msk $0xffff, v0;
	s17 =	sadd.s32 s21, s16;
	(pc) =	sbr.rel @p1 .LBB1_3-.Ltmp3, $4  }
0x40: {  	v3 =	vld [tilespmem:s18+$0x10];
	[tilespmem:s17+$0x3870 ss:$0x81] =	vst.msk $0xffff, v1  }
0x41: {  	[tilespmem:s17+$0x810 ss:$0x81] =	vst.msk $0xffff, v5;
	v2 =	vld [tilespmem:s18+$0x20]  }
0x42: {  	v0 =	vld [tilespmem:s18+$0xFFFFFFC0];
	[tilespmem:s17+$0x1020 ss:$0x81] =	vst.msk $0xffff, v6;
	s18 =	sadd.s32 $0x80, s18  }
0x43: {  	s20 =	sadd.s32 $0x4, s20;
	v1 =	vld [tilespmem:s18+$0x30];
	[tilespmem:s17+$0x1830 ss:$0x81] =	vst.msk $0xffff, v7  }
0x44: {  	s14 =	sshrl.u32 s14, $0x3  }
0x45: {  	s20 =	sshll.u32 s13, $0x3;
	s14 =	smul.u32 $0x61C00, s14  }
0x46: {  	v5 =	vld [tilespmem:s18+$0xFFFFFFD0];
	[tilespmem:s17+$0x2040 ss:$0x81] =	vst.msk $0xffff, v4;
	s20 =	sand.u32 $0xFFFFFC00, s20  }
0x47: {  	v58 =	vld [tilespmem:s18+$0xFFFFFFE0];
	s30 =	sand.u32 $0x7F, s13;
	[tilespmem:s17+$0x2850 ss:$0x81] =	vst.msk $0xffff, v3;
	s14 =	sadd.s32 s20, s14  }
0x48: {  	s19 =	sshra.s32 s19, $0x2;
	v59 =	vld [tilespmem:s18+$0xFFFFFFF0];
	[tilespmem:s17+$0x3060 ss:$0x81] =	vst.msk $0xffff, v2;
	s13 =	sor.u32 s30, s14  }
0x49: {  	v60 =	vld [tilespmem:s18+$0x0];
	s16 =	sadd.s32 s19, s16;
	[tilespmem:s17+$0x0 ss:$0x81] =	vst.msk $0xffff, v0;
	s31 =	smulhi.u32 $0xA79C7B17, s13  }
0x4a: {  	v61 =	vld [tilespmem:s18+$0x10];
	[tilespmem:s16+$0x3870 ss:$0x81] =	vst.msk $0xffff, v1  }
0x4b: {  	v62 =	vld [tilespmem:s18+$0x20];
	s14 =	smulhi.u32 $0xA79C7B17, s14;
	[tilespmem:s16+$0x810 ss:$0x81] =	vst.msk $0xffff, v5;
	s17 =	sshrl.u32 s31, $0xF  }
0x4c: {  	v63 =	vld [tilespmem:s18+$0xFFFFFFC0];
	[tilespmem:s16+$0x1020 ss:$0x81] =	vst.msk $0xffff, v58;
	s17 =	smul.u32 $0xC380, s17  }
0x4d: {  	[tilespmem:s16+$0x1830 ss:$0x81] =	vst.msk $0xffff, v59;
	s14 =	sshrl.u32 s14, $0xF  }
.Ltmp4:
0x4e: {  	[tilespmem:s16+$0x2040 ss:$0x81] =	vst.msk $0xffff, v60;
	s14 =	sand.u32 $0xFF, s14;
	s13 =	ssub.s32 s13, s17;
	(pc) =	sbr.rel .LBB1_5-.Ltmp4, $4  }
0x4f: {  	[tilespmem:s16+$0x2850 ss:$0x81] =	vst.msk $0xffff, v61;
	s14 =	smul.u32 $0x1870, s14;
	s17 =	sshrl.u32 s13, $0x3;
	s13 =	sand.u32 $0x7, s13  }
0x50: {  	[tilespmem:s16+$0x3060 ss:$0x81] =	vst.msk $0xffff, v62;
	s17 =	sadd.s32 s3, s17;
	s13 =	sshll.u32 s13, $0x12  }
0x51: {  	[tilespmem:s16+$0x0 ss:$0x81] =	vst.msk $0xffff, v63;
	s14 =	sadd.s32 s14, s17;
	s13 =	sor.u32 $0x400, s13  }
0x52: {  	[hbm4b:s14+s13] =	stream.strided.scatter [tilespmem:s15], [sflag:$0x2], $0x4000, s10, s13, $0x20;
	[tilespmem:$0x10100] =	vst v63  }
.LBB1_6:
0x53: {  	_ =	sfence.sel $0x180000  }
0x54: {  	s2 =	simm.s32 $0x1;
	[bflag:$0x0] =	sbarrier.arrive $0xFFFF  }
0x55: {  	s31 =	simm.s32 $0x2;
	[sflag:s2] =	ssyncpa.u1 $0x1  }
0x56: {  	[sflag:s31] =	ssyncpa.u1 $0x1  }
0x57: {  	p0 =	sne.s32 s1, $0x0;
	_ =	strace $0x90000047  }
0x58: {  	s0 =	sadd.s32 @!p0 $0x100000, s0;
	[bflag:$0x2] =	sbarrier.arrive $0xFFFF  }
0x59: {  	[sflag:s0] =	ssyncadd.tile.s32 @!p0 $0x1;
	_ =	shalt  }
.Lfunc_end1:
_tile_overlayer_lowered:
.L_overlay_start_2:
0x5a: {  	(tag) =	ssettag $0x2  }
0x5b: {  	s0 =	rddreg [dreg:$0x0];
	s2 =	stileid.u32  }
0x5c: {  	s1 =	rddreg [dreg:$0x1];
	p0 =	sne.s32 s2, $0x0  }
0x5d: {  	s3 =	rddreg [dreg:$0x2];
	[bflag:$0x3] =	sbarrier.arrive $0xFFFF;
	s2 =	simm.s32 @!p0 $0x1C01  }
0x5e: {  	[timem:s3], [sflag:s2] =	dma.local @!p0 [hbm:s0], s1  }
0x5f: {  	s0 =	simm.s32 @!p0 $0x1  }
0x60: {  	_ =	swait.ge @!p0 [sflag:s0], s1  }
0x61: {  	s1 =	ssub.s32 @!p0 $0x0, s1;
	[sflag:s0] =	ssyncset.done @!p0 $0x0  }
0x62: {  	[sflag:s0] =	ssyncadd.s32 @!p0 s1  }
0x63: {  	[bflag:$0x3] =	sbarrier.arrive $0xFFFF  }
0x64: {  	_ =	shalt  }

</sc_bundles>
